<compile_context>
chip_gen: v7x
topology: tpu7x:2x2x1
jax: 0.10.2.dev20260603
libtpu: 0.0.44.dev20260713+nightly
codegen_flags: <defaults>
</compile_context>

<pallas_src>
import jax
import jax.numpy as jnp
from jax import lax
from jax.experimental import pallas as pl
from jax.experimental.pallas import tpu as pltpu
from jax.experimental.pallas import tpu_sc as plsc

N = 16384
T = 32
K = 164
DT = 0.1
V_TH = 20.0
V_RESET = 0.0
T_REF_STEPS = int(2.0 / DT)
C_E = max(1, int(N * 0.8 * 0.01))
J_EFF = 2.0 * (16.0 / C_E)
NU_THR = V_TH / (J_EFF * C_E * 20.0)
BG = C_E * NU_THR * 3.5 * DT
DRIVE = 2.0 * BG * J_EFF
RATE_SCALE = 1000.0 / (T * DT)

L = 16
NT = 16
NPT = N // NT
G = NPT // L
REF_F = float(T_REF_STEPS)
BIGF = float(T)


def _body(ext_ref, tau_ref, idx_ref, w_ref, out_ref,
          ext_v, alpha_v, v_v, ref_v, ssum_v, s_v, u_v, idx_v, w_v,
          c16_v, zbuf_v, dma_sem, s_sh, flag_sh, ff_sh):
  wid = lax.axis_index("s")
  zeros16 = jnp.zeros((L,), jnp.float32)
  iota16 = lax.iota(jnp.int32, L)
  iotaK = iota16 * K

  ext_cp = pltpu.async_copy(ext_ref.at[:, pl.ds(wid * NPT, NPT)], ext_v,
                            dma_sem)
  pltpu.sync_copy(tau_ref.at[pl.ds(wid * NPT, NPT)], alpha_v)

  def init_g(g, c):
    base = g * L
    tau = alpha_v[pl.ds(base, L)]
    alpha_v[pl.ds(base, L)] = jnp.exp(-DT / tau)
    v_v[pl.ds(base, L)] = zeros16
    ref_v[pl.ds(base, L)] = zeros16
    ssum_v[pl.ds(base, L)] = zeros16
    s_v[pl.ds(base, L)] = zeros16
    return c
  lax.fori_loop(0, G, init_g, 0)
  ext_cp.wait()

  def spec_g(gp, ffmin):
    b1 = gp * (2 * L)
    b2 = b1 + L
    a1 = alpha_v[pl.ds(b1, L)]
    a2 = alpha_v[pl.ds(b2, L)]

    def spec_t(t, carry):
      v1, v2, ff = carry
      e1 = ext_v[t, pl.ds(b1, L)]
      e2 = ext_v[t, pl.ds(b2, L)]
      n1 = v1 * a1 + DRIVE * e1
      n2 = v2 * a2 + DRIVE * e2
      fire = jnp.logical_or(n1 >= V_TH, n2 >= V_TH)
      tf = t.astype(jnp.float32)
      ff2 = jnp.minimum(ff, jnp.where(fire, tf, BIGF))
      return (n1, n2, ff2)
    _, _, ffg = lax.fori_loop(
        0, T, spec_t, (zeros16, zeros16, jnp.full((L,), BIGF)), unroll=8)
    return jnp.minimum(ffmin, ffg)
  ffmin = lax.fori_loop(0, G // 2, spec_g, jnp.full((L,), BIGF))

  c16_v[...] = ffmin
  pltpu.sync_copy(c16_v, ff_sh.at[pl.ds(wid * L, L)])
  plsc.subcore_barrier()

  pltpu.sync_copy(ff_sh, zbuf_v.at[pl.ds(0, NT * L)])

  def ffrd(i, m):
    return jnp.minimum(m, zbuf_v[pl.ds(i * L, L)])
  m16 = lax.fori_loop(0, NT, ffrd, jnp.full((L,), BIGF))
  jf = m16[0]
  for i in range(1, L):
    jf = jnp.minimum(jf, m16[i])
  jstar = jf.astype(jnp.int32)

  def update_group(g, t, fire_acc, irec):
    base = g * L
    a = alpha_v[pl.ds(base, L)]
    i_t = ext_v[t, pl.ds(base, L)]
    v = v_v[pl.ds(base, L)]
    r = ref_v[pl.ds(base, L)]
    v_new = v * a + irec + DRIVE * i_t
    fire = jnp.logical_and(v_new >= V_TH, r <= 0.0)
    v_v[pl.ds(base, L)] = jnp.where(fire, V_RESET, v_new)
    ref_v[pl.ds(base, L)] = jnp.where(fire, REF_F, jnp.maximum(r - 1.0, 0.0))
    return jnp.logical_or(fire_acc, fire)

  fire_acc_init = jnp.zeros((L,), jnp.bool_)

  def step(t, dirty):
    pltpu.sync_copy(flag_sh.at[pl.ds(t * L, L)], c16_v)
    fl = c16_v[pl.ds(0, L)]
    active = plsc.all_reduce_population_count(fl > 0.0)[0] > 0

    prev_parity = lax.rem(t + 1, 2)
    cur_parity = lax.rem(t, 2)

    @pl.when(active)
    def _():
      pltpu.sync_copy(s_sh.at[prev_parity], u_v)

      def slow_g(g, fire_acc):
        ebase = (wid * G + g) * (L * K)
        pltpu.sync_copy(idx_ref.at[pl.ds(ebase, L * K)], idx_v)
        pltpu.sync_copy(w_ref.at[pl.ds(ebase, L * K)], w_v)

        def edge(k, acc):
          sel = iotaK + k
          ik = plsc.load_gather(idx_v, [sel])
          wk = plsc.load_gather(w_v, [sel])
          sv = plsc.load_gather(u_v, [ik])
          return acc + wk * sv
        irec = lax.fori_loop(0, K, edge, zeros16, unroll=4)
        return update_group(g, t, fire_acc, irec)
      fired = lax.fori_loop(0, G, slow_g, fire_acc_init)
      c16_v[...] = jnp.where(fired, 1.0, 0.0)

    @pl.when(jnp.logical_not(active))
    def _():
      def fast_g(g, fire_acc):
        return update_group(g, t, fire_acc, zeros16)
      fired = lax.fori_loop(0, G, fast_g, fire_acc_init, unroll=4)
      c16_v[...] = jnp.where(fired, 1.0, 0.0)

    anyv = c16_v[pl.ds(0, L)]
    local_any = plsc.all_reduce_population_count(anyv > 0.0)[0] > 0
    dirty_cur = jnp.where(cur_parity == 0, dirty % 2, dirty // 2)

    @pl.when(local_any)
    def _():
      def spk_g(g, c):
        base = g * L
        hard = jnp.where(ref_v[pl.ds(base, L)] == REF_F, 1.0, 0.0)
        s_v[pl.ds(base, L)] = hard
        ssum_v[pl.ds(base, L)] = ssum_v[pl.ds(base, L)] + hard
        return c
      lax.fori_loop(0, G, spk_g, 0, unroll=4)
      pltpu.sync_copy(s_v, s_sh.at[cur_parity, pl.ds(wid * NPT, NPT)])
      pltpu.sync_copy(c16_v, flag_sh.at[iota16 + (t + 1) * L], add=True)

    @pl.when(jnp.logical_and(jnp.logical_not(local_any), dirty_cur > 0))
    def _():
      def zero_g(g, c):
        s_v[pl.ds(g * L, L)] = zeros16
        return c
      lax.fori_loop(0, G, zero_g, 0, unroll=4)
      pltpu.sync_copy(s_v, s_sh.at[cur_parity, pl.ds(wid * NPT, NPT)])

    plsc.subcore_barrier()

    new_bit = jnp.where(local_any, 1, 0)
    d0 = jnp.where(cur_parity == 0, new_bit, dirty % 2)
    d1 = jnp.where(cur_parity == 0, dirty // 2, new_bit)
    return d0 + 2 * d1

  @pl.when(jstar < T)
  def _():
    def init_z(i, c):
      zbuf_v[pl.ds(i * L, L)] = zeros16
      return c
    lax.fori_loop(0, T + 1, init_z, 0)

    @pl.when(wid == 0)
    def _():
      pltpu.sync_copy(zbuf_v, flag_sh)
    pltpu.sync_copy(s_v, s_sh.at[0, pl.ds(wid * NPT, NPT)])
    pltpu.sync_copy(s_v, s_sh.at[1, pl.ds(wid * NPT, NPT)])

    def replay_g(g, c):
      base = g * L
      a = alpha_v[pl.ds(base, L)]

      def rep_t(t, v):
        e = ext_v[t, pl.ds(base, L)]
        return v * a + DRIVE * e
      v = lax.fori_loop(0, jstar, rep_t, zeros16)
      v_v[pl.ds(base, L)] = v
      return c
    lax.fori_loop(0, G, replay_g, 0)
    plsc.subcore_barrier()
    lax.fori_loop(jstar, T, step, 0)

    def fin(g, c):
      base = g * L
      s_v[pl.ds(base, L)] = ssum_v[pl.ds(base, L)] * RATE_SCALE
      return c
    lax.fori_loop(0, G, fin, 0)

  pltpu.sync_copy(s_v, out_ref.at[pl.ds(wid * NPT, NPT)])


def kernel(ext_input, W_vals, tau_m, pre_idx, post_idx):
  del post_idx

  mesh = plsc.VectorSubcoreMesh(core_axis_name="c", subcore_axis_name="s",
                                num_cores=1)
  grid_kernel = pl.kernel(
      _body,
      out_type=jax.ShapeDtypeStruct((N,), jnp.float32),
      mesh=mesh,
      compiler_params=pltpu.CompilerParams(needs_layout_passes=False),
      scratch_types=[
          pltpu.VMEM((T, NPT), jnp.float32),
          pltpu.VMEM((NPT,), jnp.float32),
          pltpu.VMEM((NPT,), jnp.float32),
          pltpu.VMEM((NPT,), jnp.float32),
          pltpu.VMEM((NPT,), jnp.float32),
          pltpu.VMEM((NPT,), jnp.float32),
          pltpu.VMEM((N,), jnp.float32),
          pltpu.VMEM((K * L,), jnp.int32),
          pltpu.VMEM((K * L,), jnp.float32),
          pltpu.VMEM((L,), jnp.float32),
          pltpu.VMEM((max(T + 1, NT) * L,), jnp.float32),
          pltpu.SemaphoreType.DMA,
          pltpu.VMEM_SHARED((2, N), jnp.float32),
          pltpu.VMEM_SHARED(((T + 1) * L,), jnp.float32),
          pltpu.VMEM_SHARED((NT * L,), jnp.float32),
      ],
  )
  return grid_kernel(ext_input, tau_m, pre_idx, W_vals)

# --- scband reference (transcript-rebuilt; emitter-appended) ---
"""Pipeline reference for scband-spiking-brain-gpu-7902739825143 (READ-ONLY COPY).

The authoritative reference and input builder live on the scoring server;
editing this copy changes nothing except your own understanding.
"""

import jax, jax.numpy as jnp
import numpy as np

N = 16384
T = 32
K = 164  # fan-in per neuron ~= N * internal_conn_prob
N_EXC = int(N * 0.8)
DT = 0.1
V_TH = 20.0
V_RESET = 0.0
T_REF_STEPS = int(2.0 / DT)
C_E = max(1, int(N * 0.8 * 0.01))
J_EFF = 2.0 * (16.0 / C_E)
J_INH = J_EFF * 5.0
NU_THR = V_TH / (J_EFF * C_E * 20.0)
BG = C_E * NU_THR * 3.5 * DT


def setup_inputs(seed: int = 0):
    key = jax.random.key(seed)
    k1, k2 = jax.random.split(key, 2)
    ext_input = jax.random.uniform(k1, (T, N), dtype=jnp.float32)
    pre_idx = jax.random.randint(k2, (N * K,), 0, N, dtype=jnp.int32)
    post_idx = jnp.repeat(jnp.arange(N, dtype=jnp.int32), K)
    W_vals = jnp.where(pre_idx < N_EXC, J_EFF, -J_INH).astype(jnp.float32)
    tau_m = jnp.full((N,), 20.0, dtype=jnp.float32)
    return {"ext_input": ext_input, "W_vals": W_vals, "tau_m": tau_m,
            "pre_idx": pre_idx, "post_idx": post_idx}


def reference(ext_input, W_vals, tau_m, pre_idx, post_idx):
    alpha_v = jnp.exp(-DT / tau_m)
    drive_scale = 2.0 * BG * J_EFF

    def step(carry, I_t):
        v, ref, s_prev = carry
        # sparse recurrent SpMV: gather presynaptic spikes, scatter-add to post neurons
        gathered = W_vals * s_prev[pre_idx]
        I_rec = jax.ops.segment_sum(gathered, post_idx, num_segments=N)
        v_new = v * alpha_v + I_rec + drive_scale * I_t
        can = (ref <= 0).astype(jnp.float32)
        hard = (v_new >= V_TH).astype(jnp.float32) * can
        spike = hard
        v_out = v_new * (1.0 - hard) + V_RESET * hard
        ref_new = jnp.where(hard > 0, float(T_REF_STEPS), jnp.maximum(ref - 1.0, 0.0))
        return (v_out, ref_new, spike), spike

    v0 = jnp.zeros((N,), jnp.float32)
    ref0 = jnp.zeros((N,), jnp.float32)
    s0 = jnp.zeros((N,), jnp.float32)
    _, spikes = jax.lax.scan(step, (v0, ref0, s0), ext_input)
    rates_hz = spikes.sum(axis=0) / (T * DT) * 1000.0
    return rates_hz

if __name__ == "__main__":
    import jax
    _d = setup_inputs()
    print(jax.jit(kernel)(*tuple(_d.values())))

</pallas_src>

<mosaic_0001>
#map = affine_map<(d0, d1) -> (0, 0)>
#map1 = affine_map<(d0, d1) -> (0)>
module attributes {stable_mosaic.version = 14 : i64} {
  func.func @_body(%arg0: i32, %arg1: i32, %arg2: memref<32x16384xf32, #tpu.memory_space<hbm>>, %arg3: memref<16384xf32, #tpu.memory_space<hbm>>, %arg4: memref<2686976xi32, #tpu.memory_space<hbm>>, %arg5: memref<2686976xf32, #tpu.memory_space<hbm>>, %arg6: memref<16384xf32, #tpu.memory_space<hbm>>, %arg7: memref<32x1024xf32, #tpu.memory_space<vmem>>, %arg8: memref<1024xf32, #tpu.memory_space<vmem>>, %arg9: memref<1024xf32, #tpu.memory_space<vmem>>, %arg10: memref<1024xf32, #tpu.memory_space<vmem>>, %arg11: memref<1024xf32, #tpu.memory_space<vmem>>, %arg12: memref<1024xf32, #tpu.memory_space<vmem>>, %arg13: memref<16384xf32, #tpu.memory_space<vmem>>, %arg14: memref<2624xi32, #tpu.memory_space<vmem>>, %arg15: memref<2624xf32, #tpu.memory_space<vmem>>, %arg16: memref<16xf32, #tpu.memory_space<vmem>>, %arg17: memref<528xf32, #tpu.memory_space<vmem>>, %arg18: memref<!tpu.dma_semaphore, #tpu.memory_space<semaphore_mem>>, %arg19: memref<2x16384xf32, #tpu.memory_space<vmem_shared>>, %arg20: memref<528xf32, #tpu.memory_space<vmem_shared>>, %arg21: memref<256xf32, #tpu.memory_space<vmem_shared>>) attributes {dimension_semantics = [#tpu.dimension_semantics<core_parallel>, #tpu.dimension_semantics<subcore_parallel>], iteration_bounds = array<i64: 1, 16>, scalar_prefetch = 0 : i64, scratch_operands = 15 : i64, tpu.core_type = #tpu.core_type<sc_vector_subcore>, window_params = [{transform_indices = #map}, {transform_indices = #map1}, {transform_indices = #map1}, {transform_indices = #map1}, {transform_indices = #map1}]} {
    %broadcast_in_dim3A = arith.constant 0.000000e+00 : f32
    %broadcast_in_dim3A_0 = vector.broadcast %broadcast_in_dim3A : f32 to vector<16xf32>
    %iota3A = tpu.iota {dimensions = array<i32: 0>} : vector<16xi32>
    %mul3A = arith.constant 164 : i32
    %mul3A_1 = vector.broadcast %mul3A : i32 to vector<16xi32>
    %mul3A_2 = arith.muli %iota3A, %mul3A_1 : vector<16xi32>
    %mul3A_3 = arith.constant 1024 : i32
    %mul3A_4 = arith.muli %arg1, %mul3A_3 : i32
    %dma_start3A = arith.constant 0 : i32
    %dma_start3A_5 = tpu.memref_slice %arg2[%dma_start3A, %mul3A_4] : memref<32x16384xf32, #tpu.memory_space<hbm>> -> memref<32x1024xf32, #tpu.memory_space<hbm>>
    %dma_start3A_6 = arith.constant 0 : i32
    %dma_start3A_7 = tpu.memref_slice %arg2[%dma_start3A_6, %mul3A_4] : memref<32x16384xf32, #tpu.memory_space<hbm>> -> memref<32x1024xf32, #tpu.memory_space<hbm>>
    tpu.enqueue_dma source(%dma_start3A_7 : memref<32x1024xf32, #tpu.memory_space<hbm>>) target(%arg7 : memref<32x1024xf32, #tpu.memory_space<vmem>>) target_semaphore(%arg18 : memref<!tpu.dma_semaphore, #tpu.memory_space<semaphore_mem>>)
    %mul3A_8 = arith.constant 1024 : i32
    %mul3A_9 = arith.muli %arg1, %mul3A_8 : i32
    "tpu.region"() ({
      %run_scoped3A = tpu.sem_alloc : memref<!tpu.dma_semaphore, #tpu.memory_space<semaphore_mem>>
      %dma_start3A_88 = tpu.memref_slice %arg3[%mul3A_9] : memref<16384xf32, #tpu.memory_space<hbm>> -> memref<1024xf32, #tpu.memory_space<hbm>>
      %dma_start3A_89 = tpu.memref_slice %arg3[%mul3A_9] : memref<16384xf32, #tpu.memory_space<hbm>> -> memref<1024xf32, #tpu.memory_space<hbm>>
      tpu.enqueue_dma source(%dma_start3A_89 : memref<1024xf32, #tpu.memory_space<hbm>>) target(%arg8 : memref<1024xf32, #tpu.memory_space<vmem>>) target_semaphore(%run_scoped3A : memref<!tpu.dma_semaphore, #tpu.memory_space<semaphore_mem>>)
      %dma_wait3A_90 = tpu.memref_slice %arg3[%mul3A_9] : memref<16384xf32, #tpu.memory_space<hbm>> -> memref<1024xf32, #tpu.memory_space<hbm>>
      %dma_wait3A_91 = tpu.memref_slice %arg3[%mul3A_9] : memref<16384xf32, #tpu.memory_space<hbm>> -> memref<1024xf32, #tpu.memory_space<hbm>>
      tpu.wait_dma2 semaphore(%run_scoped3A : memref<!tpu.dma_semaphore, #tpu.memory_space<semaphore_mem>>) src(%dma_wait3A_91 : memref<1024xf32, #tpu.memory_space<hbm>>) dst(%arg8 : memref<1024xf32, #tpu.memory_space<vmem>>)
      tpu.yield
    }) : () -> ()
    %scan3A = arith.constant 0 : i32
    %scan3A_10 = arith.constant 0 : i32
    %scan3A_11 = arith.constant 64 : i32
    %scan3A_12 = arith.addi %scan3A_10, %scan3A_11 : i32
    %scan3A_13 = arith.constant 1 : i32
    scf.for %scan3A_88 = %scan3A_10 to %scan3A_12 step %scan3A_13  : i32 {
      %mul3A_89 = arith.constant 16 : i32
      %mul3A_90 = arith.muli %scan3A_88, %mul3A_89 : i32
      %get3A = arith.index_cast %mul3A_90 : i32 to index
      %get3A_91 = tpu.vector_load %arg8[%get3A] {strides = array<i32>} : memref<1024xf32, #tpu.memory_space<vmem>>, vector<16xf32>,
      %div3A = arith.constant -1.000000e-01 : f32
      %div3A_92 = vector.broadcast %div3A : f32 to vector<16xf32>
      %div3A_93 = arith.divf %div3A_92, %get3A_91 : vector<16xf32>
      %exp3A = math.exp %div3A_93 : vector<16xf32>
      %swap3A_94 = arith.index_cast %mul3A_90 : i32 to index
      %swap3A_95 = tpu.vector_load %arg8[%swap3A_94] {strides = array<i32>} : memref<1024xf32, #tpu.memory_space<vmem>>, vector<16xf32>,
      tpu.vector_store %arg8[%swap3A_94], %exp3A {strides = array<i32>} : memref<1024xf32, #tpu.memory_space<vmem>>, vector<16xf32>,
      %swap3A_96 = arith.index_cast %mul3A_90 : i32 to index
      %swap3A_97 = tpu.vector_load %arg9[%swap3A_96] {strides = array<i32>} : memref<1024xf32, #tpu.memory_space<vmem>>, vector<16xf32>,
      tpu.vector_store %arg9[%swap3A_96], %broadcast_in_dim3A_0 {strides = array<i32>} : memref<1024xf32, #tpu.memory_space<vmem>>, vector<16xf32>,
      %swap3A_98 = arith.index_cast %mul3A_90 : i32 to index
      %swap3A_99 = tpu.vector_load %arg10[%swap3A_98] {strides = array<i32>} : memref<1024xf32, #tpu.memory_space<vmem>>, vector<16xf32>,
      tpu.vector_store %arg10[%swap3A_98], %broadcast_in_dim3A_0 {strides = array<i32>} : memref<1024xf32, #tpu.memory_space<vmem>>, vector<16xf32>,
      %swap3A_100 = arith.index_cast %mul3A_90 : i32 to index
      %swap3A_101 = tpu.vector_load %arg11[%swap3A_100] {strides = array<i32>} : memref<1024xf32, #tpu.memory_space<vmem>>, vector<16xf32>,
      tpu.vector_store %arg11[%swap3A_100], %broadcast_in_dim3A_0 {strides = array<i32>} : memref<1024xf32, #tpu.memory_space<vmem>>, vector<16xf32>,
      %swap3A_102 = arith.index_cast %mul3A_90 : i32 to index
      %swap3A_103 = tpu.vector_load %arg12[%swap3A_102] {strides = array<i32>} : memref<1024xf32, #tpu.memory_space<vmem>>, vector<16xf32>,
      tpu.vector_store %arg12[%swap3A_102], %broadcast_in_dim3A_0 {strides = array<i32>} : memref<1024xf32, #tpu.memory_space<vmem>>, vector<16xf32>,
    }
    %scan3A_14 = arith.constant 64 : i32
    %dma_wait3A = arith.constant 0 : i32
    %dma_wait3A_15 = tpu.memref_slice %arg2[%dma_wait3A, %mul3A_4] : memref<32x16384xf32, #tpu.memory_space<hbm>> -> memref<32x1024xf32, #tpu.memory_space<hbm>>
    %dma_wait3A_16 = arith.constant 0 : i32
    %dma_wait3A_17 = tpu.memref_slice %arg2[%dma_wait3A_16, %mul3A_4] : memref<32x16384xf32, #tpu.memory_space<hbm>> -> memref<32x1024xf32, #tpu.memory_space<hbm>>
    tpu.wait_dma2 semaphore(%arg18 : memref<!tpu.dma_semaphore, #tpu.memory_space<semaphore_mem>>) src(%dma_wait3A_17 : memref<32x1024xf32, #tpu.memory_space<hbm>>) dst(%arg7 : memref<32x1024xf32, #tpu.memory_space<vmem>>)
    %broadcast_in_dim3A_18 = arith.constant 3.200000e+01 : f32
    %broadcast_in_dim3A_19 = vector.broadcast %broadcast_in_dim3A_18 : f32 to vector<16xf32>
    %scan3A_20 = arith.constant 0 : i32
    %scan3A_21 = arith.constant 32 : i32
    %scan3A_22 = arith.addi %scan3A_20, %scan3A_21 : i32
    %scan3A_23 = arith.constant 1 : i32
    %scan3A_24 = scf.for %scan3A_88 = %scan3A_20 to %scan3A_22 step %scan3A_23 iter_args(%scan3A_89 = %broadcast_in_dim3A_19) -> (vector<16xf32>)  : i32 {
      %mul3A_90 = arith.constant 32 : i32
      %mul3A_91 = arith.muli %scan3A_88, %mul3A_90 : i32
      %add3A = arith.constant 16 : i32
      %add3A_92 = arith.addi %mul3A_91, %add3A : i32
      %get3A = arith.index_cast %mul3A_91 : i32 to index
      %get3A_93 = tpu.vector_load %arg8[%get3A] {strides = array<i32>} : memref<1024xf32, #tpu.memory_space<vmem>>, vector<16xf32>,
      %get3A_94 = arith.index_cast %add3A_92 : i32 to index
      %get3A_95 = tpu.vector_load %arg8[%get3A_94] {strides = array<i32>} : memref<1024xf32, #tpu.memory_space<vmem>>, vector<16xf32>,
      %broadcast_in_dim3A_96 = arith.constant 3.200000e+01 : f32
      %broadcast_in_dim3A_97 = vector.broadcast %broadcast_in_dim3A_96 : f32 to vector<16xf32>
      %scan3A_98 = arith.constant 0 : i32
      %scan3A_99 = arith.constant 32 : i32
      %scan3A_100 = arith.addi %scan3A_98, %scan3A_99 : i32
      %scan3A_101 = arith.constant 8 : i32
      %scan3A_102:3 = scf.for %scan3A_105 = %scan3A_98 to %scan3A_100 step %scan3A_101 iter_args(%scan3A_106 = %broadcast_in_dim3A_0, %scan3A_107 = %broadcast_in_dim3A_0, %scan3A_108 = %broadcast_in_dim3A_97) -> (vector<16xf32>, vector<16xf32>, vector<16xf32>)  : i32 {
        %get3A_109 = arith.index_cast %scan3A_105 : i32 to index
        %get3A_110 = arith.index_cast %mul3A_91 : i32 to index
        %get3A_111 = tpu.vector_load %arg7[%get3A_109, %get3A_110] {strides = array<i32>} : memref<32x1024xf32, #tpu.memory_space<vmem>>, vector<16xf32>,
        %get3A_112 = arith.index_cast %scan3A_105 : i32 to index
        %get3A_113 = arith.index_cast %add3A_92 : i32 to index
        %get3A_114 = tpu.vector_load %arg7[%get3A_112, %get3A_113] {strides = array<i32>} : memref<32x1024xf32, #tpu.memory_space<vmem>>, vector<16xf32>,
        %mul3A_115 = arith.mulf %scan3A_106, %get3A_93 : vector<16xf32>
        %mul3A_116 = arith.constant 0.699999988 : f32
        %mul3A_117 = vector.broadcast %mul3A_116 : f32 to vector<16xf32>
        %mul3A_118 = arith.mulf %mul3A_117, %get3A_111 : vector<16xf32>
        %add3A_119 = arith.addf %mul3A_115, %mul3A_118 : vector<16xf32>
        %mul3A_120 = arith.mulf %scan3A_107, %get3A_95 : vector<16xf32>
        %mul3A_121 = arith.constant 0.699999988 : f32
        %mul3A_122 = vector.broadcast %mul3A_121 : f32 to vector<16xf32>
        %mul3A_123 = arith.mulf %mul3A_122, %get3A_114 : vector<16xf32>
        %add3A_124 = arith.addf %mul3A_120, %mul3A_123 : vector<16xf32>
        %ge3A = arith.constant 2.000000e+01 : f32
        %ge3A_125 = vector.broadcast %ge3A : f32 to vector<16xf32>
        %ge3A_126 = arith.cmpf oge, %add3A_119, %ge3A_125 : vector<16xf32>
        %ge3A_127 = arith.constant 2.000000e+01 : f32
        %ge3A_128 = vector.broadcast %ge3A_127 : f32 to vector<16xf32>
        %ge3A_129 = arith.cmpf oge, %add3A_124, %ge3A_128 : vector<16xf32>
        %or3A = arith.ori %ge3A_126, %ge3A_129 : vector<16xi1>
        %convert_element_type3A_130 = arith.sitofp %scan3A_105 : i32 to f32
        %jit3A = arith.constant 3.200000e+01 : f32
        %broadcast_in_dim3A_131 = vector.broadcast %convert_element_type3A_130 : f32 to vector<16xf32>
        %broadcast_in_dim3A_132 = vector.broadcast %jit3A : f32 to vector<16xf32>
        %select_n3A = arith.select %or3A, %broadcast_in_dim3A_131, %broadcast_in_dim3A_132 : vector<16xi1>, vector<16xf32>
        %min3A_133 = arith.minimumf %scan3A_108, %select_n3A : vector<16xf32>
        %scan3A_134 = arith.constant 1 : i32
        %scan3A_135 = arith.addi %scan3A_105, %scan3A_134 : i32
        %get3A_136 = arith.index_cast %scan3A_135 : i32 to index
        %get3A_137 = arith.index_cast %mul3A_91 : i32 to index
        %get3A_138 = tpu.vector_load %arg7[%get3A_136, %get3A_137] {strides = array<i32>} : memref<32x1024xf32, #tpu.memory_space<vmem>>, vector<16xf32>,
        %get3A_139 = arith.index_cast %scan3A_135 : i32 to index
        %get3A_140 = arith.index_cast %add3A_92 : i32 to index
        %get3A_141 = tpu.vector_load %arg7[%get3A_139, %get3A_140] {strides = array<i32>} : memref<32x1024xf32, #tpu.memory_space<vmem>>, vector<16xf32>,
        %mul3A_142 = arith.mulf %add3A_119, %get3A_93 : vector<16xf32>
        %mul3A_143 = arith.constant 0.699999988 : f32
        %mul3A_144 = vector.broadcast %mul3A_143 : f32 to vector<16xf32>
        %mul3A_145 = arith.mulf %mul3A_144, %get3A_138 : vector<16xf32>
        %add3A_146 = arith.addf %mul3A_142, %mul3A_145 : vector<16xf32>
        %mul3A_147 = arith.mulf %add3A_124, %get3A_95 : vector<16xf32>
        %mul3A_148 = arith.constant 0.699999988 : f32
        %mul3A_149 = vector.broadcast %mul3A_148 : f32 to vector<16xf32>
        %mul3A_150 = arith.mulf %mul3A_149, %get3A_141 : vector<16xf32>
        %add3A_151 = arith.addf %mul3A_147, %mul3A_150 : vector<16xf32>
        %ge3A_152 = arith.constant 2.000000e+01 : f32
        %ge3A_153 = vector.broadcast %ge3A_152 : f32 to vector<16xf32>
        %ge3A_154 = arith.cmpf oge, %add3A_146, %ge3A_153 : vector<16xf32>
        %ge3A_155 = arith.constant 2.000000e+01 : f32
        %ge3A_156 = vector.broadcast %ge3A_155 : f32 to vector<16xf32>
        %ge3A_157 = arith.cmpf oge, %add3A_151, %ge3A_156 : vector<16xf32>
        %or3A_158 = arith.ori %ge3A_154, %ge3A_157 : vector<16xi1>
        %convert_element_type3A_159 = arith.sitofp %scan3A_135 : i32 to f32
        %jit3A_160 = arith.constant 3.200000e+01 : f32
        %broadcast_in_dim3A_161 = vector.broadcast %convert_element_type3A_159 : f32 to vector<16xf32>
        %broadcast_in_dim3A_162 = vector.broadcast %jit3A_160 : f32 to vector<16xf32>
        %select_n3A_163 = arith.select %or3A_158, %broadcast_in_dim3A_161, %broadcast_in_dim3A_162 : vector<16xi1>, vector<16xf32>
        %min3A_164 = arith.minimumf %min3A_133, %select_n3A_163 : vector<16xf32>
        %scan3A_165 = arith.constant 2 : i32
        %scan3A_166 = arith.addi %scan3A_105, %scan3A_165 : i32
        %get3A_167 = arith.index_cast %scan3A_166 : i32 to index
        %get3A_168 = arith.index_cast %mul3A_91 : i32 to index
        %get3A_169 = tpu.vector_load %arg7[%get3A_167, %get3A_168] {strides = array<i32>} : memref<32x1024xf32, #tpu.memory_space<vmem>>, vector<16xf32>,
        %get3A_170 = arith.index_cast %scan3A_166 : i32 to index
        %get3A_171 = arith.index_cast %add3A_92 : i32 to index
        %get3A_172 = tpu.vector_load %arg7[%get3A_170, %get3A_171] {strides = array<i32>} : memref<32x1024xf32, #tpu.memory_space<vmem>>, vector<16xf32>,
        %mul3A_173 = arith.mulf %add3A_146, %get3A_93 : vector<16xf32>
        %mul3A_174 = arith.constant 0.699999988 : f32
        %mul3A_175 = vector.broadcast %mul3A_174 : f32 to vector<16xf32>
        %mul3A_176 = arith.mulf %mul3A_175, %get3A_169 : vector<16xf32>
        %add3A_177 = arith.addf %mul3A_173, %mul3A_176 : vector<16xf32>
        %mul3A_178 = arith.mulf %add3A_151, %get3A_95 : vector<16xf32>
        %mul3A_179 = arith.constant 0.699999988 : f32
        %mul3A_180 = vector.broadcast %mul3A_179 : f32 to vector<16xf32>
        %mul3A_181 = arith.mulf %mul3A_180, %get3A_172 : vector<16xf32>
        %add3A_182 = arith.addf %mul3A_178, %mul3A_181 : vector<16xf32>
        %ge3A_183 = arith.constant 2.000000e+01 : f32
        %ge3A_184 = vector.broadcast %ge3A_183 : f32 to vector<16xf32>
        %ge3A_185 = arith.cmpf oge, %add3A_177, %ge3A_184 : vector<16xf32>
        %ge3A_186 = arith.constant 2.000000e+01 : f32
        %ge3A_187 = vector.broadcast %ge3A_186 : f32 to vector<16xf32>
        %ge3A_188 = arith.cmpf oge, %add3A_182, %ge3A_187 : vector<16xf32>
        %or3A_189 = arith.ori %ge3A_185, %ge3A_188 : vector<16xi1>
        %convert_element_type3A_190 = arith.sitofp %scan3A_166 : i32 to f32
        %jit3A_191 = arith.constant 3.200000e+01 : f32
        %broadcast_in_dim3A_192 = vector.broadcast %convert_element_type3A_190 : f32 to vector<16xf32>
        %broadcast_in_dim3A_193 = vector.broadcast %jit3A_191 : f32 to vector<16xf32>
        %select_n3A_194 = arith.select %or3A_189, %broadcast_in_dim3A_192, %broadcast_in_dim3A_193 : vector<16xi1>, vector<16xf32>
        %min3A_195 = arith.minimumf %min3A_164, %select_n3A_194 : vector<16xf32>
        %scan3A_196 = arith.constant 3 : i32
        %scan3A_197 = arith.addi %scan3A_105, %scan3A_196 : i32
        %get3A_198 = arith.index_cast %scan3A_197 : i32 to index
        %get3A_199 = arith.index_cast %mul3A_91 : i32 to index
        %get3A_200 = tpu.vector_load %arg7[%get3A_198, %get3A_199] {strides = array<i32>} : memref<32x1024xf32, #tpu.memory_space<vmem>>, vector<16xf32>,
        %get3A_201 = arith.index_cast %scan3A_197 : i32 to index
        %get3A_202 = arith.index_cast %add3A_92 : i32 to index
        %get3A_203 = tpu.vector_load %arg7[%get3A_201, %get3A_202] {strides = array<i32>} : memref<32x1024xf32, #tpu.memory_space<vmem>>, vector<16xf32>,
        %mul3A_204 = arith.mulf %add3A_177, %get3A_93 : vector<16xf32>
        %mul3A_205 = arith.constant 0.699999988 : f32
        %mul3A_206 = vector.broadcast %mul3A_205 : f32 to vector<16xf32>
        %mul3A_207 = arith.mulf %mul3A_206, %get3A_200 : vector<16xf32>
        %add3A_208 = arith.addf %mul3A_204, %mul3A_207 : vector<16xf32>
        %mul3A_209 = arith.mulf %add3A_182, %get3A_95 : vector<16xf32>
        %mul3A_210 = arith.constant 0.699999988 : f32
        %mul3A_211 = vector.broadcast %mul3A_210 : f32 to vector<16xf32>
        %mul3A_212 = arith.mulf %mul3A_211, %get3A_203 : vector<16xf32>
        %add3A_213 = arith.addf %mul3A_209, %mul3A_212 : vector<16xf32>
        %ge3A_214 = arith.constant 2.000000e+01 : f32
        %ge3A_215 = vector.broadcast %ge3A_214 : f32 to vector<16xf32>
        %ge3A_216 = arith.cmpf oge, %add3A_208, %ge3A_215 : vector<16xf32>
        %ge3A_217 = arith.constant 2.000000e+01 : f32
        %ge3A_218 = vector.broadcast %ge3A_217 : f32 to vector<16xf32>
        %ge3A_219 = arith.cmpf oge, %add3A_213, %ge3A_218 : vector<16xf32>
        %or3A_220 = arith.ori %ge3A_216, %ge3A_219 : vector<16xi1>
        %convert_element_type3A_221 = arith.sitofp %scan3A_197 : i32 to f32
        %jit3A_222 = arith.constant 3.200000e+01 : f32
        %broadcast_in_dim3A_223 = vector.broadcast %convert_element_type3A_221 : f32 to vector<16xf32>
        %broadcast_in_dim3A_224 = vector.broadcast %jit3A_222 : f32 to vector<16xf32>
        %select_n3A_225 = arith.select %or3A_220, %broadcast_in_dim3A_223, %broadcast_in_dim3A_224 : vector<16xi1>, vector<16xf32>
        %min3A_226 = arith.minimumf %min3A_195, %select_n3A_225 : vector<16xf32>
        %scan3A_227 = arith.constant 4 : i32
        %scan3A_228 = arith.addi %scan3A_105, %scan3A_227 : i32
        %get3A_229 = arith.index_cast %scan3A_228 : i32 to index
        %get3A_230 = arith.index_cast %mul3A_91 : i32 to index
        %get3A_231 = tpu.vector_load %arg7[%get3A_229, %get3A_230] {strides = array<i32>} : memref<32x1024xf32, #tpu.memory_space<vmem>>, vector<16xf32>,
        %get3A_232 = arith.index_cast %scan3A_228 : i32 to index
        %get3A_233 = arith.index_cast %add3A_92 : i32 to index
        %get3A_234 = tpu.vector_load %arg7[%get3A_232, %get3A_233] {strides = array<i32>} : memref<32x1024xf32, #tpu.memory_space<vmem>>, vector<16xf32>,
        %mul3A_235 = arith.mulf %add3A_208, %get3A_93 : vector<16xf32>
        %mul3A_236 = arith.constant 0.699999988 : f32
        %mul3A_237 = vector.broadcast %mul3A_236 : f32 to vector<16xf32>
        %mul3A_238 = arith.mulf %mul3A_237, %get3A_231 : vector<16xf32>
        %add3A_239 = arith.addf %mul3A_235, %mul3A_238 : vector<16xf32>
        %mul3A_240 = arith.mulf %add3A_213, %get3A_95 : vector<16xf32>
        %mul3A_241 = arith.constant 0.699999988 : f32
        %mul3A_242 = vector.broadcast %mul3A_241 : f32 to vector<16xf32>
        %mul3A_243 = arith.mulf %mul3A_242, %get3A_234 : vector<16xf32>
        %add3A_244 = arith.addf %mul3A_240, %mul3A_243 : vector<16xf32>
        %ge3A_245 = arith.constant 2.000000e+01 : f32
        %ge3A_246 = vector.broadcast %ge3A_245 : f32 to vector<16xf32>
        %ge3A_247 = arith.cmpf oge, %add3A_239, %ge3A_246 : vector<16xf32>
        %ge3A_248 = arith.constant 2.000000e+01 : f32
        %ge3A_249 = vector.broadcast %ge3A_248 : f32 to vector<16xf32>
        %ge3A_250 = arith.cmpf oge, %add3A_244, %ge3A_249 : vector<16xf32>
        %or3A_251 = arith.ori %ge3A_247, %ge3A_250 : vector<16xi1>
        %convert_element_type3A_252 = arith.sitofp %scan3A_228 : i32 to f32
        %jit3A_253 = arith.constant 3.200000e+01 : f32
        %broadcast_in_dim3A_254 = vector.broadcast %convert_element_type3A_252 : f32 to vector<16xf32>
        %broadcast_in_dim3A_255 = vector.broadcast %jit3A_253 : f32 to vector<16xf32>
        %select_n3A_256 = arith.select %or3A_251, %broadcast_in_dim3A_254, %broadcast_in_dim3A_255 : vector<16xi1>, vector<16xf32>
        %min3A_257 = arith.minimumf %min3A_226, %select_n3A_256 : vector<16xf32>
        %scan3A_258 = arith.constant 5 : i32
        %scan3A_259 = arith.addi %scan3A_105, %scan3A_258 : i32
        %get3A_260 = arith.index_cast %scan3A_259 : i32 to index
        %get3A_261 = arith.index_cast %mul3A_91 : i32 to index
        %get3A_262 = tpu.vector_load %arg7[%get3A_260, %get3A_261] {strides = array<i32>} : memref<32x1024xf32, #tpu.memory_space<vmem>>, vector<16xf32>,
        %get3A_263 = arith.index_cast %scan3A_259 : i32 to index
        %get3A_264 = arith.index_cast %add3A_92 : i32 to index
        %get3A_265 = tpu.vector_load %arg7[%get3A_263, %get3A_264] {strides = array<i32>} : memref<32x1024xf32, #tpu.memory_space<vmem>>, vector<16xf32>,
        %mul3A_266 = arith.mulf %add3A_239, %get3A_93 : vector<16xf32>
        %mul3A_267 = arith.constant 0.699999988 : f32
        %mul3A_268 = vector.broadcast %mul3A_267 : f32 to vector<16xf32>
        %mul3A_269 = arith.mulf %mul3A_268, %get3A_262 : vector<16xf32>
        %add3A_270 = arith.addf %mul3A_266, %mul3A_269 : vector<16xf32>
        %mul3A_271 = arith.mulf %add3A_244, %get3A_95 : vector<16xf32>
        %mul3A_272 = arith.constant 0.699999988 : f32
        %mul3A_273 = vector.broadcast %mul3A_272 : f32 to vector<16xf32>
        %mul3A_274 = arith.mulf %mul3A_273, %get3A_265 : vector<16xf32>
        %add3A_275 = arith.addf %mul3A_271, %mul3A_274 : vector<16xf32>
        %ge3A_276 = arith.constant 2.000000e+01 : f32
        %ge3A_277 = vector.broadcast %ge3A_276 : f32 to vector<16xf32>
        %ge3A_278 = arith.cmpf oge, %add3A_270, %ge3A_277 : vector<16xf32>
        %ge3A_279 = arith.constant 2.000000e+01 : f32
        %ge3A_280 = vector.broadcast %ge3A_279 : f32 to vector<16xf32>
        %ge3A_281 = arith.cmpf oge, %add3A_275, %ge3A_280 : vector<16xf32>
        %or3A_282 = arith.ori %ge3A_278, %ge3A_281 : vector<16xi1>
        %convert_element_type3A_283 = arith.sitofp %scan3A_259 : i32 to f32
        %jit3A_284 = arith.constant 3.200000e+01 : f32
        %broadcast_in_dim3A_285 = vector.broadcast %convert_element_type3A_283 : f32 to vector<16xf32>
        %broadcast_in_dim3A_286 = vector.broadcast %jit3A_284 : f32 to vector<16xf32>
        %select_n3A_287 = arith.select %or3A_282, %broadcast_in_dim3A_285, %broadcast_in_dim3A_286 : vector<16xi1>, vector<16xf32>
        %min3A_288 = arith.minimumf %min3A_257, %select_n3A_287 : vector<16xf32>
        %scan3A_289 = arith.constant 6 : i32
        %scan3A_290 = arith.addi %scan3A_105, %scan3A_289 : i32
        %get3A_291 = arith.index_cast %scan3A_290 : i32 to index
        %get3A_292 = arith.index_cast %mul3A_91 : i32 to index
        %get3A_293 = tpu.vector_load %arg7[%get3A_291, %get3A_292] {strides = array<i32>} : memref<32x1024xf32, #tpu.memory_space<vmem>>, vector<16xf32>,
        %get3A_294 = arith.index_cast %scan3A_290 : i32 to index
        %get3A_295 = arith.index_cast %add3A_92 : i32 to index
        %get3A_296 = tpu.vector_load %arg7[%get3A_294, %get3A_295] {strides = array<i32>} : memref<32x1024xf32, #tpu.memory_space<vmem>>, vector<16xf32>,
        %mul3A_297 = arith.mulf %add3A_270, %get3A_93 : vector<16xf32>
        %mul3A_298 = arith.constant 0.699999988 : f32
        %mul3A_299 = vector.broadcast %mul3A_298 : f32 to vector<16xf32>
        %mul3A_300 = arith.mulf %mul3A_299, %get3A_293 : vector<16xf32>
        %add3A_301 = arith.addf %mul3A_297, %mul3A_300 : vector<16xf32>
        %mul3A_302 = arith.mulf %add3A_275, %get3A_95 : vector<16xf32>
        %mul3A_303 = arith.constant 0.699999988 : f32
        %mul3A_304 = vector.broadcast %mul3A_303 : f32 to vector<16xf32>
        %mul3A_305 = arith.mulf %mul3A_304, %get3A_296 : vector<16xf32>
        %add3A_306 = arith.addf %mul3A_302, %mul3A_305 : vector<16xf32>
        %ge3A_307 = arith.constant 2.000000e+01 : f32
        %ge3A_308 = vector.broadcast %ge3A_307 : f32 to vector<16xf32>
        %ge3A_309 = arith.cmpf oge, %add3A_301, %ge3A_308 : vector<16xf32>
        %ge3A_310 = arith.constant 2.000000e+01 : f32
        %ge3A_311 = vector.broadcast %ge3A_310 : f32 to vector<16xf32>
        %ge3A_312 = arith.cmpf oge, %add3A_306, %ge3A_311 : vector<16xf32>
        %or3A_313 = arith.ori %ge3A_309, %ge3A_312 : vector<16xi1>
        %convert_element_type3A_314 = arith.sitofp %scan3A_290 : i32 to f32
        %jit3A_315 = arith.constant 3.200000e+01 : f32
        %broadcast_in_dim3A_316 = vector.broadcast %convert_element_type3A_314 : f32 to vector<16xf32>
        %broadcast_in_dim3A_317 = vector.broadcast %jit3A_315 : f32 to vector<16xf32>
        %select_n3A_318 = arith.select %or3A_313, %broadcast_in_dim3A_316, %broadcast_in_dim3A_317 : vector<16xi1>, vector<16xf32>
        %min3A_319 = arith.minimumf %min3A_288, %select_n3A_318 : vector<16xf32>
        %scan3A_320 = arith.constant 7 : i32
        %scan3A_321 = arith.addi %scan3A_105, %scan3A_320 : i32
        %get3A_322 = arith.index_cast %scan3A_321 : i32 to index
        %get3A_323 = arith.index_cast %mul3A_91 : i32 to index
        %get3A_324 = tpu.vector_load %arg7[%get3A_322, %get3A_323] {strides = array<i32>} : memref<32x1024xf32, #tpu.memory_space<vmem>>, vector<16xf32>,
        %get3A_325 = arith.index_cast %scan3A_321 : i32 to index
        %get3A_326 = arith.index_cast %add3A_92 : i32 to index
        %get3A_327 = tpu.vector_load %arg7[%get3A_325, %get3A_326] {strides = array<i32>} : memref<32x1024xf32, #tpu.memory_space<vmem>>, vector<16xf32>,
        %mul3A_328 = arith.mulf %add3A_301, %get3A_93 : vector<16xf32>
        %mul3A_329 = arith.constant 0.699999988 : f32
        %mul3A_330 = vector.broadcast %mul3A_329 : f32 to vector<16xf32>
        %mul3A_331 = arith.mulf %mul3A_330, %get3A_324 : vector<16xf32>
        %add3A_332 = arith.addf %mul3A_328, %mul3A_331 : vector<16xf32>
        %mul3A_333 = arith.mulf %add3A_306, %get3A_95 : vector<16xf32>
        %mul3A_334 = arith.constant 0.699999988 : f32
        %mul3A_335 = vector.broadcast %mul3A_334 : f32 to vector<16xf32>
        %mul3A_336 = arith.mulf %mul3A_335, %get3A_327 : vector<16xf32>
        %add3A_337 = arith.addf %mul3A_333, %mul3A_336 : vector<16xf32>
        %ge3A_338 = arith.constant 2.000000e+01 : f32
        %ge3A_339 = vector.broadcast %ge3A_338 : f32 to vector<16xf32>
        %ge3A_340 = arith.cmpf oge, %add3A_332, %ge3A_339 : vector<16xf32>
        %ge3A_341 = arith.constant 2.000000e+01 : f32
        %ge3A_342 = vector.broadcast %ge3A_341 : f32 to vector<16xf32>
        %ge3A_343 = arith.cmpf oge, %add3A_337, %ge3A_342 : vector<16xf32>
        %or3A_344 = arith.ori %ge3A_340, %ge3A_343 : vector<16xi1>
        %convert_element_type3A_345 = arith.sitofp %scan3A_321 : i32 to f32
        %jit3A_346 = arith.constant 3.200000e+01 : f32
        %broadcast_in_dim3A_347 = vector.broadcast %convert_element_type3A_345 : f32 to vector<16xf32>
        %broadcast_in_dim3A_348 = vector.broadcast %jit3A_346 : f32 to vector<16xf32>
        %select_n3A_349 = arith.select %or3A_344, %broadcast_in_dim3A_347, %broadcast_in_dim3A_348 : vector<16xi1>, vector<16xf32>
        %min3A_350 = arith.minimumf %min3A_319, %select_n3A_349 : vector<16xf32>
        scf.yield %add3A_332, %add3A_337, %min3A_350 : vector<16xf32>, vector<16xf32>, vector<16xf32>
      }
      %scan3A_103 = arith.constant 32 : i32
      %min3A_104 = arith.minimumf %scan3A_89, %scan3A_102#2 : vector<16xf32>
      scf.yield %min3A_104 : vector<16xf32>
    }
    %scan3A_25 = arith.constant 32 : i32
    %swap3A = arith.constant 0 : index
    %swap3A_26 = tpu.vector_load %arg16[%swap3A] {strides = array<i32>} : memref<16xf32, #tpu.memory_space<vmem>>, vector<16xf32>,
    tpu.vector_store %arg16[%swap3A], %scan3A_24 {strides = array<i32>} : memref<16xf32, #tpu.memory_space<vmem>>, vector<16xf32>,
    %mul3A_27 = arith.constant 16 : i32
    %mul3A_28 = arith.muli %arg1, %mul3A_27 : i32
    "tpu.region"() ({
      %run_scoped3A = tpu.sem_alloc : memref<!tpu.dma_semaphore, #tpu.memory_space<semaphore_mem>>
      %dma_start3A_88 = tpu.memref_slice %arg21[%mul3A_28] : memref<256xf32, #tpu.memory_space<vmem_shared>> -> memref<16xf32, #tpu.memory_space<vmem_shared>>
      %dma_start3A_89 = tpu.memref_slice %arg21[%mul3A_28] : memref<256xf32, #tpu.memory_space<vmem_shared>> -> memref<16xf32, #tpu.memory_space<vmem_shared>>
      tpu.enqueue_dma source(%arg16 : memref<16xf32, #tpu.memory_space<vmem>>) target(%dma_start3A_89 : memref<16xf32, #tpu.memory_space<vmem_shared>>) target_semaphore(%run_scoped3A : memref<!tpu.dma_semaphore, #tpu.memory_space<semaphore_mem>>)
      %dma_wait3A_90 = tpu.memref_slice %arg21[%mul3A_28] : memref<256xf32, #tpu.memory_space<vmem_shared>> -> memref<16xf32, #tpu.memory_space<vmem_shared>>
      %dma_wait3A_91 = tpu.memref_slice %arg21[%mul3A_28] : memref<256xf32, #tpu.memory_space<vmem_shared>> -> memref<16xf32, #tpu.memory_space<vmem_shared>>
      tpu.wait_dma2 semaphore(%run_scoped3A : memref<!tpu.dma_semaphore, #tpu.memory_space<semaphore_mem>>) src(%arg16 : memref<16xf32, #tpu.memory_space<vmem>>) dst(%dma_wait3A_91 : memref<16xf32, #tpu.memory_space<vmem_shared>>)
      tpu.yield
    }) : () -> ()
    %barrier3A = arith.constant 0 : index
    tpu.barrier barrier_id(%barrier3A)
    "tpu.region"() ({
      %run_scoped3A = tpu.sem_alloc : memref<!tpu.dma_semaphore, #tpu.memory_space<semaphore_mem>>
      %dma_start3A_88 = arith.constant 0 : i32
      %dma_start3A_89 = tpu.memref_slice %arg17[%dma_start3A_88] : memref<528xf32, #tpu.memory_space<vmem>> -> memref<256xf32, #tpu.memory_space<vmem>>
      %dma_start3A_90 = arith.constant 0 : i32
      %dma_start3A_91 = tpu.memref_slice %arg17[%dma_start3A_90] : memref<528xf32, #tpu.memory_space<vmem>> -> memref<256xf32, #tpu.memory_space<vmem>>
      tpu.enqueue_dma source(%arg21 : memref<256xf32, #tpu.memory_space<vmem_shared>>) target(%dma_start3A_91 : memref<256xf32, #tpu.memory_space<vmem>>) target_semaphore(%run_scoped3A : memref<!tpu.dma_semaphore, #tpu.memory_space<semaphore_mem>>)
      %dma_wait3A_92 = arith.constant 0 : i32
      %dma_wait3A_93 = tpu.memref_slice %arg17[%dma_wait3A_92] : memref<528xf32, #tpu.memory_space<vmem>> -> memref<256xf32, #tpu.memory_space<vmem>>
      %dma_wait3A_94 = arith.constant 0 : i32
      %dma_wait3A_95 = tpu.memref_slice %arg17[%dma_wait3A_94] : memref<528xf32, #tpu.memory_space<vmem>> -> memref<256xf32, #tpu.memory_space<vmem>>
      tpu.wait_dma2 semaphore(%run_scoped3A : memref<!tpu.dma_semaphore, #tpu.memory_space<semaphore_mem>>) src(%arg21 : memref<256xf32, #tpu.memory_space<vmem_shared>>) dst(%dma_wait3A_95 : memref<256xf32, #tpu.memory_space<vmem>>)
      tpu.yield
    }) : () -> ()
    %broadcast_in_dim3A_29 = arith.constant 3.200000e+01 : f32
    %broadcast_in_dim3A_30 = vector.broadcast %broadcast_in_dim3A_29 : f32 to vector<16xf32>
    %scan3A_31 = arith.constant 0 : i32
    %scan3A_32 = arith.constant 16 : i32
    %scan3A_33 = arith.addi %scan3A_31, %scan3A_32 : i32
    %scan3A_34 = arith.constant 1 : i32
    %scan3A_35 = scf.for %scan3A_88 = %scan3A_31 to %scan3A_33 step %scan3A_34 iter_args(%scan3A_89 = %broadcast_in_dim3A_30) -> (vector<16xf32>)  : i32 {
      %mul3A_90 = arith.constant 16 : i32
      %mul3A_91 = arith.muli %scan3A_88, %mul3A_90 : i32
      %get3A = arith.index_cast %mul3A_91 : i32 to index
      %get3A_92 = tpu.vector_load %arg17[%get3A] {strides = array<i32>} : memref<528xf32, #tpu.memory_space<vmem>>, vector<16xf32>,
      %min3A_93 = arith.minimumf %scan3A_89, %get3A_92 : vector<16xf32>
      scf.yield %min3A_93 : vector<16xf32>
    }
    %scan3A_36 = arith.constant 16 : i32
    %slice3A = vector.extract_strided_slice %scan3A_35 {offsets = [0], sizes = [1], strides = [1]} : vector<16xf32> to vector<1xf32>
    %squeeze3A = vector.extract %slice3A[0] : f32 from vector<1xf32>
    %slice3A_37 = vector.extract_strided_slice %scan3A_35 {offsets = [1], sizes = [1], strides = [1]} : vector<16xf32> to vector<1xf32>
    %squeeze3A_38 = vector.extract %slice3A_37[0] : f32 from vector<1xf32>
    %min3A = arith.minimumf %squeeze3A, %squeeze3A_38 : f32
    %slice3A_39 = vector.extract_strided_slice %scan3A_35 {offsets = [2], sizes = [1], strides = [1]} : vector<16xf32> to vector<1xf32>
    %squeeze3A_40 = vector.extract %slice3A_39[0] : f32 from vector<1xf32>
    %min3A_41 = arith.minimumf %min3A, %squeeze3A_40 : f32
    %slice3A_42 = vector.extract_strided_slice %scan3A_35 {offsets = [3], sizes = [1], strides = [1]} : vector<16xf32> to vector<1xf32>
    %squeeze3A_43 = vector.extract %slice3A_42[0] : f32 from vector<1xf32>
    %min3A_44 = arith.minimumf %min3A_41, %squeeze3A_43 : f32
    %slice3A_45 = vector.extract_strided_slice %scan3A_35 {offsets = [4], sizes = [1], strides = [1]} : vector<16xf32> to vector<1xf32>
    %squeeze3A_46 = vector.extract %slice3A_45[0] : f32 from vector<1xf32>
    %min3A_47 = arith.minimumf %min3A_44, %squeeze3A_46 : f32
    %slice3A_48 = vector.extract_strided_slice %scan3A_35 {offsets = [5], sizes = [1], strides = [1]} : vector<16xf32> to vector<1xf32>
    %squeeze3A_49 = vector.extract %slice3A_48[0] : f32 from vector<1xf32>
    %min3A_50 = arith.minimumf %min3A_47, %squeeze3A_49 : f32
    %slice3A_51 = vector.extract_strided_slice %scan3A_35 {offsets = [6], sizes = [1], strides = [1]} : vector<16xf32> to vector<1xf32>
    %squeeze3A_52 = vector.extract %slice3A_51[0] : f32 from vector<1xf32>
    %min3A_53 = arith.minimumf %min3A_50, %squeeze3A_52 : f32
    %slice3A_54 = vector.extract_strided_slice %scan3A_35 {offsets = [7], sizes = [1], strides = [1]} : vector<16xf32> to vector<1xf32>
    %squeeze3A_55 = vector.extract %slice3A_54[0] : f32 from vector<1xf32>
    %min3A_56 = arith.minimumf %min3A_53, %squeeze3A_55 : f32
    %slice3A_57 = vector.extract_strided_slice %scan3A_35 {offsets = [8], sizes = [1], strides = [1]} : vector<16xf32> to vector<1xf32>
    %squeeze3A_58 = vector.extract %slice3A_57[0] : f32 from vector<1xf32>
    %min3A_59 = arith.minimumf %min3A_56, %squeeze3A_58 : f32
    %slice3A_60 = vector.extract_strided_slice %scan3A_35 {offsets = [9], sizes = [1], strides = [1]} : vector<16xf32> to vector<1xf32>
    %squeeze3A_61 = vector.extract %slice3A_60[0] : f32 from vector<1xf32>
    %min3A_62 = arith.minimumf %min3A_59, %squeeze3A_61 : f32
    %slice3A_63 = vector.extract_strided_slice %scan3A_35 {offsets = [10], sizes = [1], strides = [1]} : vector<16xf32> to vector<1xf32>
    %squeeze3A_64 = vector.extract %slice3A_63[0] : f32 from vector<1xf32>
    %min3A_65 = arith.minimumf %min3A_62, %squeeze3A_64 : f32
    %slice3A_66 = vector.extract_strided_slice %scan3A_35 {offsets = [11], sizes = [1], strides = [1]} : vector<16xf32> to vector<1xf32>
    %squeeze3A_67 = vector.extract %slice3A_66[0] : f32 from vector<1xf32>
    %min3A_68 = arith.minimumf %min3A_65, %squeeze3A_67 : f32
    %slice3A_69 = vector.extract_strided_slice %scan3A_35 {offsets = [12], sizes = [1], strides = [1]} : vector<16xf32> to vector<1xf32>
    %squeeze3A_70 = vector.extract %slice3A_69[0] : f32 from vector<1xf32>
    %min3A_71 = arith.minimumf %min3A_68, %squeeze3A_70 : f32
    %slice3A_72 = vector.extract_strided_slice %scan3A_35 {offsets = [13], sizes = [1], strides = [1]} : vector<16xf32> to vector<1xf32>
    %squeeze3A_73 = vector.extract %slice3A_72[0] : f32 from vector<1xf32>
    %min3A_74 = arith.minimumf %min3A_71, %squeeze3A_73 : f32
    %slice3A_75 = vector.extract_strided_slice %scan3A_35 {offsets = [14], sizes = [1], strides = [1]} : vector<16xf32> to vector<1xf32>
    %squeeze3A_76 = vector.extract %slice3A_75[0] : f32 from vector<1xf32>
    %min3A_77 = arith.minimumf %min3A_74, %squeeze3A_76 : f32
    %slice3A_78 = vector.extract_strided_slice %scan3A_35 {offsets = [15], sizes = [1], strides = [1]} : vector<16xf32> to vector<1xf32>
    %squeeze3A_79 = vector.extract %slice3A_78[0] : f32 from vector<1xf32>
    %min3A_80 = arith.minimumf %min3A_77, %squeeze3A_79 : f32
    %convert_element_type3A = arith.fptosi %min3A_80 : f32 to i32
    %broadcast_in_dim3A_81 = arith.constant false
    %broadcast_in_dim3A_82 = vector.broadcast %broadcast_in_dim3A_81 : i1 to vector<16xi1>
    %lt3A = arith.constant 32 : i32
    %lt3A_83 = arith.cmpi slt, %convert_element_type3A, %lt3A : i32
    %convert_element_type3A_84 = arith.extui %lt3A_83 : i1 to i32
    %cond3A = arith.constant 0 : i32
    %cond3A_85 = arith.cmpi ne, %convert_element_type3A_84, %cond3A : i32
    scf.if %cond3A_85 {
      %scan3A_88 = arith.constant 0 : i32
      %scan3A_89 = arith.constant 0 : i32
      %scan3A_90 = arith.constant 33 : i32
      %scan3A_91 = arith.addi %scan3A_89, %scan3A_90 : i32
      %scan3A_92 = arith.constant 1 : i32
      scf.for %scan3A_127 = %scan3A_89 to %scan3A_91 step %scan3A_92  : i32 {
        %mul3A_128 = arith.constant 16 : i32
        %mul3A_129 = arith.muli %scan3A_127, %mul3A_128 : i32
        %swap3A_130 = arith.index_cast %mul3A_129 : i32 to index
        %swap3A_131 = tpu.vector_load %arg17[%swap3A_130] {strides = array<i32>} : memref<528xf32, #tpu.memory_space<vmem>>, vector<16xf32>,
        tpu.vector_store %arg17[%swap3A_130], %broadcast_in_dim3A_0 {strides = array<i32>} : memref<528xf32, #tpu.memory_space<vmem>>, vector<16xf32>,
      }
      %scan3A_93 = arith.constant 33 : i32
      %eq3A = arith.constant 0 : i32
      %eq3A_94 = arith.cmpi eq, %arg1, %eq3A : i32
      %convert_element_type3A_95 = arith.extui %eq3A_94 : i1 to i32
      %cond3A_96 = arith.constant 0 : i32
      %cond3A_97 = arith.cmpi ne, %convert_element_type3A_95, %cond3A_96 : i32
      scf.if %cond3A_97 {
        "tpu.region"() ({
          %run_scoped3A_127 = tpu.sem_alloc : memref<!tpu.dma_semaphore, #tpu.memory_space<semaphore_mem>>
          tpu.enqueue_dma source(%arg17 : memref<528xf32, #tpu.memory_space<vmem>>) target(%arg20 : memref<528xf32, #tpu.memory_space<vmem_shared>>) target_semaphore(%run_scoped3A_127 : memref<!tpu.dma_semaphore, #tpu.memory_space<semaphore_mem>>)
          tpu.wait_dma2 semaphore(%run_scoped3A_127 : memref<!tpu.dma_semaphore, #tpu.memory_space<semaphore_mem>>) src(%arg17 : memref<528xf32, #tpu.memory_space<vmem>>) dst(%arg20 : memref<528xf32, #tpu.memory_space<vmem_shared>>)
          tpu.yield
        }) : () -> ()
      } else {
      }
      %mul3A_98 = arith.constant 1024 : i32
      %mul3A_99 = arith.muli %arg1, %mul3A_98 : i32
      %run_scoped3A = arith.constant 0 : i32
      "tpu.region"() ({
        %run_scoped3A_127 = tpu.sem_alloc : memref<!tpu.dma_semaphore, #tpu.memory_space<semaphore_mem>>
        %dma_start3A_128 = tpu.memref_slice %arg19[%run_scoped3A, %mul3A_99] : memref<2x16384xf32, #tpu.memory_space<vmem_shared>> -> memref<1x1024xf32, #tpu.memory_space<vmem_shared>>
        %dma_start3A_129 = tpu.memref_squeeze %dma_start3A_128 : memref<1x1024xf32, #tpu.memory_space<vmem_shared>> -> memref<1024xf32, #tpu.memory_space<vmem_shared>>
        %dma_start3A_130 = tpu.memref_slice %arg19[%run_scoped3A, %mul3A_99] : memref<2x16384xf32, #tpu.memory_space<vmem_shared>> -> memref<1x1024xf32, #tpu.memory_space<vmem_shared>>
        %dma_start3A_131 = tpu.memref_squeeze %dma_start3A_130 : memref<1x1024xf32, #tpu.memory_space<vmem_shared>> -> memref<1024xf32, #tpu.memory_space<vmem_shared>>
        tpu.enqueue_dma source(%arg12 : memref<1024xf32, #tpu.memory_space<vmem>>) target(%dma_start3A_131 : memref<1024xf32, #tpu.memory_space<vmem_shared>>) target_semaphore(%run_scoped3A_127 : memref<!tpu.dma_semaphore, #tpu.memory_space<semaphore_mem>>)
        %dma_wait3A_132 = tpu.memref_slice %arg19[%run_scoped3A, %mul3A_99] : memref<2x16384xf32, #tpu.memory_space<vmem_shared>> -> memref<1x1024xf32, #tpu.memory_space<vmem_shared>>
        %dma_wait3A_133 = tpu.memref_squeeze %dma_wait3A_132 : memref<1x1024xf32, #tpu.memory_space<vmem_shared>> -> memref<1024xf32, #tpu.memory_space<vmem_shared>>
        %dma_wait3A_134 = tpu.memref_slice %arg19[%run_scoped3A, %mul3A_99] : memref<2x16384xf32, #tpu.memory_space<vmem_shared>> -> memref<1x1024xf32, #tpu.memory_space<vmem_shared>>
        %dma_wait3A_135 = tpu.memref_squeeze %dma_wait3A_134 : memref<1x1024xf32, #tpu.memory_space<vmem_shared>> -> memref<1024xf32, #tpu.memory_space<vmem_shared>>
        tpu.wait_dma2 semaphore(%run_scoped3A_127 : memref<!tpu.dma_semaphore, #tpu.memory_space<semaphore_mem>>) src(%arg12 : memref<1024xf32, #tpu.memory_space<vmem>>) dst(%dma_wait3A_135 : memref<1024xf32, #tpu.memory_space<vmem_shared>>)
        tpu.yield
      }) : () -> ()
      %mul3A_100 = arith.constant 1024 : i32
      %mul3A_101 = arith.muli %arg1, %mul3A_100 : i32
      %run_scoped3A_102 = arith.constant 1 : i32
      "tpu.region"() ({
        %run_scoped3A_127 = tpu.sem_alloc : memref<!tpu.dma_semaphore, #tpu.memory_space<semaphore_mem>>
        %dma_start3A_128 = tpu.memref_slice %arg19[%run_scoped3A_102, %mul3A_101] : memref<2x16384xf32, #tpu.memory_space<vmem_shared>> -> memref<1x1024xf32, #tpu.memory_space<vmem_shared>>
        %dma_start3A_129 = tpu.memref_squeeze %dma_start3A_128 : memref<1x1024xf32, #tpu.memory_space<vmem_shared>> -> memref<1024xf32, #tpu.memory_space<vmem_shared>>
        %dma_start3A_130 = tpu.memref_slice %arg19[%run_scoped3A_102, %mul3A_101] : memref<2x16384xf32, #tpu.memory_space<vmem_shared>> -> memref<1x1024xf32, #tpu.memory_space<vmem_shared>>
        %dma_start3A_131 = tpu.memref_squeeze %dma_start3A_130 : memref<1x1024xf32, #tpu.memory_space<vmem_shared>> -> memref<1024xf32, #tpu.memory_space<vmem_shared>>
        tpu.enqueue_dma source(%arg12 : memref<1024xf32, #tpu.memory_space<vmem>>) target(%dma_start3A_131 : memref<1024xf32, #tpu.memory_space<vmem_shared>>) target_semaphore(%run_scoped3A_127 : memref<!tpu.dma_semaphore, #tpu.memory_space<semaphore_mem>>)
        %dma_wait3A_132 = tpu.memref_slice %arg19[%run_scoped3A_102, %mul3A_101] : memref<2x16384xf32, #tpu.memory_space<vmem_shared>> -> memref<1x1024xf32, #tpu.memory_space<vmem_shared>>
        %dma_wait3A_133 = tpu.memref_squeeze %dma_wait3A_132 : memref<1x1024xf32, #tpu.memory_space<vmem_shared>> -> memref<1024xf32, #tpu.memory_space<vmem_shared>>
        %dma_wait3A_134 = tpu.memref_slice %arg19[%run_scoped3A_102, %mul3A_101] : memref<2x16384xf32, #tpu.memory_space<vmem_shared>> -> memref<1x1024xf32, #tpu.memory_space<vmem_shared>>
        %dma_wait3A_135 = tpu.memref_squeeze %dma_wait3A_134 : memref<1x1024xf32, #tpu.memory_space<vmem_shared>> -> memref<1024xf32, #tpu.memory_space<vmem_shared>>
        tpu.wait_dma2 semaphore(%run_scoped3A_127 : memref<!tpu.dma_semaphore, #tpu.memory_space<semaphore_mem>>) src(%arg12 : memref<1024xf32, #tpu.memory_space<vmem>>) dst(%dma_wait3A_135 : memref<1024xf32, #tpu.memory_space<vmem_shared>>)
        tpu.yield
      }) : () -> ()
      %scan3A_103 = arith.constant 0 : i32
      %scan3A_104 = arith.constant 0 : i32
      %scan3A_105 = arith.constant 64 : i32
      %scan3A_106 = arith.addi %scan3A_104, %scan3A_105 : i32
      %scan3A_107 = arith.constant 1 : i32
      scf.for %scan3A_127 = %scan3A_104 to %scan3A_106 step %scan3A_107  : i32 {
        %mul3A_128 = arith.constant 16 : i32
        %mul3A_129 = arith.muli %scan3A_127, %mul3A_128 : i32
        %get3A = arith.index_cast %mul3A_129 : i32 to index
        %get3A_130 = tpu.vector_load %arg8[%get3A] {strides = array<i32>} : memref<1024xf32, #tpu.memory_space<vmem>>, vector<16xf32>,
        %while3A_131 = arith.constant 0 : i32
        %while3A_132 = arith.subi %convert_element_type3A, %while3A_131 : i32
        %while3A_133 = arith.addi %while3A_131, %while3A_132 : i32
        %while3A_134 = arith.constant 1 : i32
        %while3A_135 = arith.divsi %while3A_132, %while3A_134 : i32
        %while3A_136 = arith.muli %while3A_135, %while3A_134 : i32
        %while3A_137 = arith.addi %while3A_131, %while3A_136 : i32
        %while3A_138 = arith.constant 1 : i32
        %while3A_139 = scf.for %while3A_144 = %while3A_131 to %while3A_137 step %while3A_138 iter_args(%while3A_145 = %broadcast_in_dim3A_0) -> (vector<16xf32>)  : i32 {
          %get3A_146 = arith.index_cast %while3A_144 : i32 to index
          %get3A_147 = arith.index_cast %mul3A_129 : i32 to index
          %get3A_148 = tpu.vector_load %arg7[%get3A_146, %get3A_147] {strides = array<i32>} : memref<32x1024xf32, #tpu.memory_space<vmem>>, vector<16xf32>,
          %mul3A_149 = arith.mulf %while3A_145, %get3A_130 : vector<16xf32>
          %mul3A_150 = arith.constant 0.699999988 : f32
          %mul3A_151 = vector.broadcast %mul3A_150 : f32 to vector<16xf32>
          %mul3A_152 = arith.mulf %mul3A_151, %get3A_148 : vector<16xf32>
          %add3A = arith.addf %mul3A_149, %mul3A_152 : vector<16xf32>
          scf.yield %add3A : vector<16xf32>
        }
        %while3A_140 = arith.constant 1 : i32
        %while3A_141 = scf.for %while3A_144 = %while3A_137 to %while3A_133 step %while3A_140 iter_args(%while3A_145 = %while3A_139) -> (vector<16xf32>)  : i32 {
          %get3A_146 = arith.index_cast %while3A_144 : i32 to index
          %get3A_147 = arith.index_cast %mul3A_129 : i32 to index
          %get3A_148 = tpu.vector_load %arg7[%get3A_146, %get3A_147] {strides = array<i32>} : memref<32x1024xf32, #tpu.memory_space<vmem>>, vector<16xf32>,
          %mul3A_149 = arith.mulf %while3A_145, %get3A_130 : vector<16xf32>
          %mul3A_150 = arith.constant 0.699999988 : f32
          %mul3A_151 = vector.broadcast %mul3A_150 : f32 to vector<16xf32>
          %mul3A_152 = arith.mulf %mul3A_151, %get3A_148 : vector<16xf32>
          %add3A = arith.addf %mul3A_149, %mul3A_152 : vector<16xf32>
          scf.yield %add3A : vector<16xf32>
        }
        %swap3A_142 = arith.index_cast %mul3A_129 : i32 to index
        %swap3A_143 = tpu.vector_load %arg9[%swap3A_142] {strides = array<i32>} : memref<1024xf32, #tpu.memory_space<vmem>>, vector<16xf32>,
        tpu.vector_store %arg9[%swap3A_142], %while3A_141 {strides = array<i32>} : memref<1024xf32, #tpu.memory_space<vmem>>, vector<16xf32>,
      }
      %scan3A_108 = arith.constant 64 : i32
      %barrier3A_109 = arith.constant 0 : index
      tpu.barrier barrier_id(%barrier3A_109)
      %while3A = arith.constant 32 : i32
      %while3A_110 = arith.constant 0 : i32
      %while3A_111 = arith.subi %while3A, %convert_element_type3A : i32
      %while3A_112 = arith.addi %convert_element_type3A, %while3A_111 : i32
      %while3A_113 = arith.constant 1 : i32
      %while3A_114 = arith.divsi %while3A_111, %while3A_113 : i32
      %while3A_115 = arith.muli %while3A_114, %while3A_113 : i32
      %while3A_116 = arith.addi %convert_element_type3A, %while3A_115 : i32
      %while3A_117 = arith.constant 1 : i32
      %while3A_118 = scf.for %while3A_127 = %convert_element_type3A to %while3A_116 step %while3A_117 iter_args(%while3A_128 = %while3A_110) -> (i32)  : i32 {
        %mul3A_129 = arith.constant 16 : i32
        %mul3A_130 = arith.muli %while3A_127, %mul3A_129 : i32
        "tpu.region"() ({
          %run_scoped3A_259 = tpu.sem_alloc : memref<!tpu.dma_semaphore, #tpu.memory_space<semaphore_mem>>
          %dma_start3A_260 = tpu.memref_slice %arg20[%mul3A_130] : memref<528xf32, #tpu.memory_space<vmem_shared>> -> memref<16xf32, #tpu.memory_space<vmem_shared>>
          %dma_start3A_261 = tpu.memref_slice %arg20[%mul3A_130] : memref<528xf32, #tpu.memory_space<vmem_shared>> -> memref<16xf32, #tpu.memory_space<vmem_shared>>
          tpu.enqueue_dma source(%dma_start3A_261 : memref<16xf32, #tpu.memory_space<vmem_shared>>) target(%arg16 : memref<16xf32, #tpu.memory_space<vmem>>) target_semaphore(%run_scoped3A_259 : memref<!tpu.dma_semaphore, #tpu.memory_space<semaphore_mem>>)
          %dma_wait3A_262 = tpu.memref_slice %arg20[%mul3A_130] : memref<528xf32, #tpu.memory_space<vmem_shared>> -> memref<16xf32, #tpu.memory_space<vmem_shared>>
          %dma_wait3A_263 = tpu.memref_slice %arg20[%mul3A_130] : memref<528xf32, #tpu.memory_space<vmem_shared>> -> memref<16xf32, #tpu.memory_space<vmem_shared>>
          tpu.wait_dma2 semaphore(%run_scoped3A_259 : memref<!tpu.dma_semaphore, #tpu.memory_space<semaphore_mem>>) src(%dma_wait3A_263 : memref<16xf32, #tpu.memory_space<vmem_shared>>) dst(%arg16 : memref<16xf32, #tpu.memory_space<vmem>>)
          tpu.yield
        }) : () -> ()
        %get3A = arith.constant 0 : index
        %get3A_131 = tpu.vector_load %arg16[%get3A] {strides = array<i32>} : memref<16xf32, #tpu.memory_space<vmem>>, vector<16xf32>,
        %gt3A = arith.constant 0.000000e+00 : f32
        %gt3A_132 = vector.broadcast %gt3A : f32 to vector<16xf32>
        %gt3A_133 = arith.cmpf ogt, %get3A_131, %gt3A_132 : vector<16xf32>
        %all_reduce_population_count3A = tpu.all_reduce %gt3A_133 {dim = 0 : i64, kind = #tpu.reduction_kind<sum>} : vector<16xi1> -> vector<16xi32>
        %slice3A_134 = vector.extract_strided_slice %all_reduce_population_count3A {offsets = [0], sizes = [1], strides = [1]} : vector<16xi32> to vector<1xi32>
        %squeeze3A_135 = vector.extract %slice3A_134[0] : i32 from vector<1xi32>
        %gt3A_136 = arith.constant 0 : i32
        %gt3A_137 = arith.cmpi sgt, %squeeze3A_135, %gt3A_136 : i32
        %add3A = arith.constant 1 : i32
        %add3A_138 = arith.addi %while3A_127, %add3A : i32
        %rem3A = arith.constant 2 : i32
        %rem3A_139 = arith.remsi %add3A_138, %rem3A : i32
        %rem3A_140 = arith.constant 2 : i32
        %rem3A_141 = arith.remsi %while3A_127, %rem3A_140 : i32
        %convert_element_type3A_142 = arith.extui %gt3A_137 : i1 to i32
        %cond3A_143 = arith.constant 0 : i32
        %cond3A_144 = arith.cmpi ne, %convert_element_type3A_142, %cond3A_143 : i32
        scf.if %cond3A_144 {
          "tpu.region"() ({
            %run_scoped3A_272 = tpu.sem_alloc : memref<!tpu.dma_semaphore, #tpu.memory_space<semaphore_mem>>
            %dma_start3A_273 = arith.constant 0 : i32
            %dma_start3A_274 = tpu.memref_slice %arg19[%rem3A_139, %dma_start3A_273] : memref<2x16384xf32, #tpu.memory_space<vmem_shared>> -> memref<1x16384xf32, #tpu.memory_space<vmem_shared>>
            %dma_start3A_275 = tpu.memref_squeeze %dma_start3A_274 : memref<1x16384xf32, #tpu.memory_space<vmem_shared>> -> memref<16384xf32, #tpu.memory_space<vmem_shared>>
            %dma_start3A_276 = arith.constant 0 : i32
            %dma_start3A_277 = tpu.memref_slice %arg19[%rem3A_139, %dma_start3A_276] : memref<2x16384xf32, #tpu.memory_space<vmem_shared>> -> memref<1x16384xf32, #tpu.memory_space<vmem_shared>>
            %dma_start3A_278 = tpu.memref_squeeze %dma_start3A_277 : memref<1x16384xf32, #tpu.memory_space<vmem_shared>> -> memref<16384xf32, #tpu.memory_space<vmem_shared>>
            tpu.enqueue_dma source(%dma_start3A_278 : memref<16384xf32, #tpu.memory_space<vmem_shared>>) target(%arg13 : memref<16384xf32, #tpu.memory_space<vmem>>) target_semaphore(%run_scoped3A_272 : memref<!tpu.dma_semaphore, #tpu.memory_space<semaphore_mem>>)
            %dma_wait3A_279 = arith.constant 0 : i32
            %dma_wait3A_280 = tpu.memref_slice %arg19[%rem3A_139, %dma_wait3A_279] : memref<2x16384xf32, #tpu.memory_space<vmem_shared>> -> memref<1x16384xf32, #tpu.memory_space<vmem_shared>>
            %dma_wait3A_281 = tpu.memref_squeeze %dma_wait3A_280 : memref<1x16384xf32, #tpu.memory_space<vmem_shared>> -> memref<16384xf32, #tpu.memory_space<vmem_shared>>
            %dma_wait3A_282 = arith.constant 0 : i32
            %dma_wait3A_283 = tpu.memref_slice %arg19[%rem3A_139, %dma_wait3A_282] : memref<2x16384xf32, #tpu.memory_space<vmem_shared>> -> memref<1x16384xf32, #tpu.memory_space<vmem_shared>>
            %dma_wait3A_284 = tpu.memref_squeeze %dma_wait3A_283 : memref<1x16384xf32, #tpu.memory_space<vmem_shared>> -> memref<16384xf32, #tpu.memory_space<vmem_shared>>
            tpu.wait_dma2 semaphore(%run_scoped3A_272 : memref<!tpu.dma_semaphore, #tpu.memory_space<semaphore_mem>>) src(%dma_wait3A_284 : memref<16384xf32, #tpu.memory_space<vmem_shared>>) dst(%arg13 : memref<16384xf32, #tpu.memory_space<vmem>>)
            tpu.yield
          }) : () -> ()
          %scan3A_259 = arith.constant 0 : i32
          %scan3A_260 = arith.constant 64 : i32
          %scan3A_261 = arith.addi %scan3A_259, %scan3A_260 : i32
          %scan3A_262 = arith.constant 1 : i32
          %scan3A_263 = scf.for %scan3A_272 = %scan3A_259 to %scan3A_261 step %scan3A_262 iter_args(%scan3A_273 = %broadcast_in_dim3A_82) -> (vector<16xi1>)  : i32 {
            %mul3A_274 = arith.constant 64 : i32
            %mul3A_275 = arith.muli %arg1, %mul3A_274 : i32
            %add3A_276 = arith.addi %mul3A_275, %scan3A_272 : i32
            %mul3A_277 = arith.constant 2624 : i32
            %mul3A_278 = arith.muli %add3A_276, %mul3A_277 : i32
            "tpu.region"() ({
              %run_scoped3A_322 = tpu.sem_alloc : memref<!tpu.dma_semaphore, #tpu.memory_space<semaphore_mem>>
              %dma_start3A_323 = tpu.memref_slice %arg4[%mul3A_278] : memref<2686976xi32, #tpu.memory_space<hbm>> -> memref<2624xi32, #tpu.memory_space<hbm>>
              %dma_start3A_324 = tpu.memref_slice %arg4[%mul3A_278] : memref<2686976xi32, #tpu.memory_space<hbm>> -> memref<2624xi32, #tpu.memory_space<hbm>>
              tpu.enqueue_dma source(%dma_start3A_324 : memref<2624xi32, #tpu.memory_space<hbm>>) target(%arg14 : memref<2624xi32, #tpu.memory_space<vmem>>) target_semaphore(%run_scoped3A_322 : memref<!tpu.dma_semaphore, #tpu.memory_space<semaphore_mem>>)
              %dma_wait3A_325 = tpu.memref_slice %arg4[%mul3A_278] : memref<2686976xi32, #tpu.memory_space<hbm>> -> memref<2624xi32, #tpu.memory_space<hbm>>
              %dma_wait3A_326 = tpu.memref_slice %arg4[%mul3A_278] : memref<2686976xi32, #tpu.memory_space<hbm>> -> memref<2624xi32, #tpu.memory_space<hbm>>
              tpu.wait_dma2 semaphore(%run_scoped3A_322 : memref<!tpu.dma_semaphore, #tpu.memory_space<semaphore_mem>>) src(%dma_wait3A_326 : memref<2624xi32, #tpu.memory_space<hbm>>) dst(%arg14 : memref<2624xi32, #tpu.memory_space<vmem>>)
              tpu.yield
            }) : () -> ()
            "tpu.region"() ({
              %run_scoped3A_322 = tpu.sem_alloc : memref<!tpu.dma_semaphore, #tpu.memory_space<semaphore_mem>>
              %dma_start3A_323 = tpu.memref_slice %arg5[%mul3A_278] : memref<2686976xf32, #tpu.memory_space<hbm>> -> memref<2624xf32, #tpu.memory_space<hbm>>
              %dma_start3A_324 = tpu.memref_slice %arg5[%mul3A_278] : memref<2686976xf32, #tpu.memory_space<hbm>> -> memref<2624xf32, #tpu.memory_space<hbm>>
              tpu.enqueue_dma source(%dma_start3A_324 : memref<2624xf32, #tpu.memory_space<hbm>>) target(%arg15 : memref<2624xf32, #tpu.memory_space<vmem>>) target_semaphore(%run_scoped3A_322 : memref<!tpu.dma_semaphore, #tpu.memory_space<semaphore_mem>>)
              %dma_wait3A_325 = tpu.memref_slice %arg5[%mul3A_278] : memref<2686976xf32, #tpu.memory_space<hbm>> -> memref<2624xf32, #tpu.memory_space<hbm>>
              %dma_wait3A_326 = tpu.memref_slice %arg5[%mul3A_278] : memref<2686976xf32, #tpu.memory_space<hbm>> -> memref<2624xf32, #tpu.memory_space<hbm>>
              tpu.wait_dma2 semaphore(%run_scoped3A_322 : memref<!tpu.dma_semaphore, #tpu.memory_space<semaphore_mem>>) src(%dma_wait3A_326 : memref<2624xf32, #tpu.memory_space<hbm>>) dst(%arg15 : memref<2624xf32, #tpu.memory_space<vmem>>)
              tpu.yield
            }) : () -> ()
            %scan3A_279 = arith.constant 0 : i32
            %scan3A_280 = arith.constant 164 : i32
            %scan3A_281 = arith.addi %scan3A_279, %scan3A_280 : i32
            %scan3A_282 = arith.constant 4 : i32
            %scan3A_283 = scf.for %scan3A_322 = %scan3A_279 to %scan3A_281 step %scan3A_282 iter_args(%scan3A_323 = %broadcast_in_dim3A_0) -> (vector<16xf32>)  : i32 {
              %add3A_324 = vector.broadcast %scan3A_322 : i32 to vector<16xi32>
              %add3A_325 = arith.addi %mul3A_2, %add3A_324 : vector<16xi32>
              %gather3A = tpu.vector_load_idx %arg14[%add3A_325] : memref<2624xi32, #tpu.memory_space<vmem>>[vector<16xi32>], vector<16xi32>,
              %gather3A_326 = tpu.vector_load_idx %arg15[%add3A_325] : memref<2624xf32, #tpu.memory_space<vmem>>[vector<16xi32>], vector<16xf32>,
              %gather3A_327 = tpu.vector_load_idx %arg13[%gather3A] : memref<16384xf32, #tpu.memory_space<vmem>>[vector<16xi32>], vector<16xf32>,
              %mul3A_328 = arith.mulf %gather3A_326, %gather3A_327 : vector<16xf32>
              %add3A_329 = arith.addf %scan3A_323, %mul3A_328 : vector<16xf32>
              %scan3A_330 = arith.constant 1 : i32
              %scan3A_331 = arith.addi %scan3A_322, %scan3A_330 : i32
              %add3A_332 = vector.broadcast %scan3A_331 : i32 to vector<16xi32>
              %add3A_333 = arith.addi %mul3A_2, %add3A_332 : vector<16xi32>
              %gather3A_334 = tpu.vector_load_idx %arg14[%add3A_333] : memref<2624xi32, #tpu.memory_space<vmem>>[vector<16xi32>], vector<16xi32>,
              %gather3A_335 = tpu.vector_load_idx %arg15[%add3A_333] : memref<2624xf32, #tpu.memory_space<vmem>>[vector<16xi32>], vector<16xf32>,
              %gather3A_336 = tpu.vector_load_idx %arg13[%gather3A_334] : memref<16384xf32, #tpu.memory_space<vmem>>[vector<16xi32>], vector<16xf32>,
              %mul3A_337 = arith.mulf %gather3A_335, %gather3A_336 : vector<16xf32>
              %add3A_338 = arith.addf %add3A_329, %mul3A_337 : vector<16xf32>
              %scan3A_339 = arith.constant 2 : i32
              %scan3A_340 = arith.addi %scan3A_322, %scan3A_339 : i32
              %add3A_341 = vector.broadcast %scan3A_340 : i32 to vector<16xi32>
              %add3A_342 = arith.addi %mul3A_2, %add3A_341 : vector<16xi32>
              %gather3A_343 = tpu.vector_load_idx %arg14[%add3A_342] : memref<2624xi32, #tpu.memory_space<vmem>>[vector<16xi32>], vector<16xi32>,
              %gather3A_344 = tpu.vector_load_idx %arg15[%add3A_342] : memref<2624xf32, #tpu.memory_space<vmem>>[vector<16xi32>], vector<16xf32>,
              %gather3A_345 = tpu.vector_load_idx %arg13[%gather3A_343] : memref<16384xf32, #tpu.memory_space<vmem>>[vector<16xi32>], vector<16xf32>,
              %mul3A_346 = arith.mulf %gather3A_344, %gather3A_345 : vector<16xf32>
              %add3A_347 = arith.addf %add3A_338, %mul3A_346 : vector<16xf32>
              %scan3A_348 = arith.constant 3 : i32
              %scan3A_349 = arith.addi %scan3A_322, %scan3A_348 : i32
              %add3A_350 = vector.broadcast %scan3A_349 : i32 to vector<16xi32>
              %add3A_351 = arith.addi %mul3A_2, %add3A_350 : vector<16xi32>
              %gather3A_352 = tpu.vector_load_idx %arg14[%add3A_351] : memref<2624xi32, #tpu.memory_space<vmem>>[vector<16xi32>], vector<16xi32>,
              %gather3A_353 = tpu.vector_load_idx %arg15[%add3A_351] : memref<2624xf32, #tpu.memory_space<vmem>>[vector<16xi32>], vector<16xf32>,
              %gather3A_354 = tpu.vector_load_idx %arg13[%gather3A_352] : memref<16384xf32, #tpu.memory_space<vmem>>[vector<16xi32>], vector<16xf32>,
              %mul3A_355 = arith.mulf %gather3A_353, %gather3A_354 : vector<16xf32>
              %add3A_356 = arith.addf %add3A_347, %mul3A_355 : vector<16xf32>
              scf.yield %add3A_356 : vector<16xf32>
            }
            %scan3A_284 = arith.constant 164 : i32
            %mul3A_285 = arith.constant 16 : i32
            %mul3A_286 = arith.muli %scan3A_272, %mul3A_285 : i32
            %get3A_287 = arith.index_cast %mul3A_286 : i32 to index
            %get3A_288 = tpu.vector_load %arg8[%get3A_287] {strides = array<i32>} : memref<1024xf32, #tpu.memory_space<vmem>>, vector<16xf32>,
            %get3A_289 = arith.index_cast %while3A_127 : i32 to index
            %get3A_290 = arith.index_cast %mul3A_286 : i32 to index
            %get3A_291 = tpu.vector_load %arg7[%get3A_289, %get3A_290] {strides = array<i32>} : memref<32x1024xf32, #tpu.memory_space<vmem>>, vector<16xf32>,
            %get3A_292 = arith.index_cast %mul3A_286 : i32 to index
            %get3A_293 = tpu.vector_load %arg9[%get3A_292] {strides = array<i32>} : memref<1024xf32, #tpu.memory_space<vmem>>, vector<16xf32>,
            %get3A_294 = arith.index_cast %mul3A_286 : i32 to index
            %get3A_295 = tpu.vector_load %arg10[%get3A_294] {strides = array<i32>} : memref<1024xf32, #tpu.memory_space<vmem>>, vector<16xf32>,
            %mul3A_296 = arith.mulf %get3A_293, %get3A_288 : vector<16xf32>
            %add3A_297 = arith.addf %mul3A_296, %scan3A_283 : vector<16xf32>
            %mul3A_298 = arith.constant 0.699999988 : f32
            %mul3A_299 = vector.broadcast %mul3A_298 : f32 to vector<16xf32>
            %mul3A_300 = arith.mulf %mul3A_299, %get3A_291 : vector<16xf32>
            %add3A_301 = arith.addf %add3A_297, %mul3A_300 : vector<16xf32>
            %ge3A = arith.constant 2.000000e+01 : f32
            %ge3A_302 = vector.broadcast %ge3A : f32 to vector<16xf32>
            %ge3A_303 = arith.cmpf oge, %add3A_301, %ge3A_302 : vector<16xf32>
            %le3A = arith.constant 0.000000e+00 : f32
            %le3A_304 = vector.broadcast %le3A : f32 to vector<16xf32>
            %le3A_305 = arith.cmpf ole, %get3A_295, %le3A_304 : vector<16xf32>
            %and3A_306 = arith.andi %ge3A_303, %le3A_305 : vector<16xi1>
            %jit3A_307 = arith.constant 0.000000e+00 : f32
            %broadcast_in_dim3A_308 = vector.broadcast %jit3A_307 : f32 to vector<16xf32>
            %select_n3A_309 = arith.select %and3A_306, %broadcast_in_dim3A_308, %add3A_301 : vector<16xi1>, vector<16xf32>
            %swap3A_310 = arith.index_cast %mul3A_286 : i32 to index
            %swap3A_311 = tpu.vector_load %arg9[%swap3A_310] {strides = array<i32>} : memref<1024xf32, #tpu.memory_space<vmem>>, vector<16xf32>,
            tpu.vector_store %arg9[%swap3A_310], %select_n3A_309 {strides = array<i32>} : memref<1024xf32, #tpu.memory_space<vmem>>, vector<16xf32>,
            %sub3A_312 = arith.constant 1.000000e+00 : f32
            %sub3A_313 = vector.broadcast %sub3A_312 : f32 to vector<16xf32>
            %sub3A_314 = arith.subf %get3A_295, %sub3A_313 : vector<16xf32>
            %max3A = arith.constant 0.000000e+00 : f32
            %max3A_315 = vector.broadcast %max3A : f32 to vector<16xf32>
            %max3A_316 = arith.maximumf %sub3A_314, %max3A_315 : vector<16xf32>
            %jit3A_317 = arith.constant 2.000000e+01 : f32
            %broadcast_in_dim3A_318 = vector.broadcast %jit3A_317 : f32 to vector<16xf32>
            %select_n3A_319 = arith.select %and3A_306, %broadcast_in_dim3A_318, %max3A_316 : vector<16xi1>, vector<16xf32>
            %swap3A_320 = arith.index_cast %mul3A_286 : i32 to index
            %swap3A_321 = tpu.vector_load %arg10[%swap3A_320] {strides = array<i32>} : memref<1024xf32, #tpu.memory_space<vmem>>, vector<16xf32>,
            tpu.vector_store %arg10[%swap3A_320], %select_n3A_319 {strides = array<i32>} : memref<1024xf32, #tpu.memory_space<vmem>>, vector<16xf32>,
            %or3A = arith.ori %scan3A_273, %and3A_306 : vector<16xi1>
            scf.yield %or3A : vector<16xi1>
          }
          %scan3A_264 = arith.constant 64 : i32
          %jit3A_265 = arith.constant 1.000000e+00 : f32
          %jit3A_266 = arith.constant 0.000000e+00 : f32
          %broadcast_in_dim3A_267 = vector.broadcast %jit3A_265 : f32 to vector<16xf32>
          %broadcast_in_dim3A_268 = vector.broadcast %jit3A_266 : f32 to vector<16xf32>
          %select_n3A_269 = arith.select %scan3A_263, %broadcast_in_dim3A_267, %broadcast_in_dim3A_268 : vector<16xi1>, vector<16xf32>
          %swap3A_270 = arith.constant 0 : index
          %swap3A_271 = tpu.vector_load %arg16[%swap3A_270] {strides = array<i32>} : memref<16xf32, #tpu.memory_space<vmem>>, vector<16xf32>,
          tpu.vector_store %arg16[%swap3A_270], %select_n3A_269 {strides = array<i32>} : memref<16xf32, #tpu.memory_space<vmem>>, vector<16xf32>,
        } else {
        }
        %not3A = arith.constant true
        %not3A_145 = arith.xori %gt3A_137, %not3A : i1
        %convert_element_type3A_146 = arith.extui %not3A_145 : i1 to i32
        %cond3A_147 = arith.constant 0 : i32
        %cond3A_148 = arith.cmpi ne, %convert_element_type3A_146, %cond3A_147 : i32
        scf.if %cond3A_148 {
          %scan3A_259 = arith.constant 0 : i32
          %scan3A_260 = arith.constant 64 : i32
          %scan3A_261 = arith.addi %scan3A_259, %scan3A_260 : i32
          %scan3A_262 = arith.constant 4 : i32
          %scan3A_263 = scf.for %scan3A_272 = %scan3A_259 to %scan3A_261 step %scan3A_262 iter_args(%scan3A_273 = %broadcast_in_dim3A_82) -> (vector<16xi1>)  : i32 {
            %mul3A_274 = arith.constant 16 : i32
            %mul3A_275 = arith.muli %scan3A_272, %mul3A_274 : i32
            %get3A_276 = arith.index_cast %mul3A_275 : i32 to index
            %get3A_277 = tpu.vector_load %arg8[%get3A_276] {strides = array<i32>} : memref<1024xf32, #tpu.memory_space<vmem>>, vector<16xf32>,
            %get3A_278 = arith.index_cast %while3A_127 : i32 to index
            %get3A_279 = arith.index_cast %mul3A_275 : i32 to index
            %get3A_280 = tpu.vector_load %arg7[%get3A_278, %get3A_279] {strides = array<i32>} : memref<32x1024xf32, #tpu.memory_space<vmem>>, vector<16xf32>,
            %get3A_281 = arith.index_cast %mul3A_275 : i32 to index
            %get3A_282 = tpu.vector_load %arg9[%get3A_281] {strides = array<i32>} : memref<1024xf32, #tpu.memory_space<vmem>>, vector<16xf32>,
            %get3A_283 = arith.index_cast %mul3A_275 : i32 to index
            %get3A_284 = tpu.vector_load %arg10[%get3A_283] {strides = array<i32>} : memref<1024xf32, #tpu.memory_space<vmem>>, vector<16xf32>,
            %mul3A_285 = arith.mulf %get3A_282, %get3A_277 : vector<16xf32>
            %add3A_286 = arith.addf %mul3A_285, %broadcast_in_dim3A_0 : vector<16xf32>
            %mul3A_287 = arith.constant 0.699999988 : f32
            %mul3A_288 = vector.broadcast %mul3A_287 : f32 to vector<16xf32>
            %mul3A_289 = arith.mulf %mul3A_288, %get3A_280 : vector<16xf32>
            %add3A_290 = arith.addf %add3A_286, %mul3A_289 : vector<16xf32>
            %ge3A = arith.constant 2.000000e+01 : f32
            %ge3A_291 = vector.broadcast %ge3A : f32 to vector<16xf32>
            %ge3A_292 = arith.cmpf oge, %add3A_290, %ge3A_291 : vector<16xf32>
            %le3A = arith.constant 0.000000e+00 : f32
            %le3A_293 = vector.broadcast %le3A : f32 to vector<16xf32>
            %le3A_294 = arith.cmpf ole, %get3A_284, %le3A_293 : vector<16xf32>
            %and3A_295 = arith.andi %ge3A_292, %le3A_294 : vector<16xi1>
            %jit3A_296 = arith.constant 0.000000e+00 : f32
            %broadcast_in_dim3A_297 = vector.broadcast %jit3A_296 : f32 to vector<16xf32>
            %select_n3A_298 = arith.select %and3A_295, %broadcast_in_dim3A_297, %add3A_290 : vector<16xi1>, vector<16xf32>
            %swap3A_299 = arith.index_cast %mul3A_275 : i32 to index
            %swap3A_300 = tpu.vector_load %arg9[%swap3A_299] {strides = array<i32>} : memref<1024xf32, #tpu.memory_space<vmem>>, vector<16xf32>,
            tpu.vector_store %arg9[%swap3A_299], %select_n3A_298 {strides = array<i32>} : memref<1024xf32, #tpu.memory_space<vmem>>, vector<16xf32>,
            %sub3A_301 = arith.constant 1.000000e+00 : f32
            %sub3A_302 = vector.broadcast %sub3A_301 : f32 to vector<16xf32>
            %sub3A_303 = arith.subf %get3A_284, %sub3A_302 : vector<16xf32>
            %max3A = arith.constant 0.000000e+00 : f32
            %max3A_304 = vector.broadcast %max3A : f32 to vector<16xf32>
            %max3A_305 = arith.maximumf %sub3A_303, %max3A_304 : vector<16xf32>
            %jit3A_306 = arith.constant 2.000000e+01 : f32
            %broadcast_in_dim3A_307 = vector.broadcast %jit3A_306 : f32 to vector<16xf32>
            %select_n3A_308 = arith.select %and3A_295, %broadcast_in_dim3A_307, %max3A_305 : vector<16xi1>, vector<16xf32>
            %swap3A_309 = arith.index_cast %mul3A_275 : i32 to index
            %swap3A_310 = tpu.vector_load %arg10[%swap3A_309] {strides = array<i32>} : memref<1024xf32, #tpu.memory_space<vmem>>, vector<16xf32>,
            tpu.vector_store %arg10[%swap3A_309], %select_n3A_308 {strides = array<i32>} : memref<1024xf32, #tpu.memory_space<vmem>>, vector<16xf32>,
            %or3A = arith.ori %scan3A_273, %and3A_295 : vector<16xi1>
            %scan3A_311 = arith.constant 1 : i32
            %scan3A_312 = arith.addi %scan3A_272, %scan3A_311 : i32
            %mul3A_313 = arith.constant 16 : i32
            %mul3A_314 = arith.muli %scan3A_312, %mul3A_313 : i32
            %get3A_315 = arith.index_cast %mul3A_314 : i32 to index
            %get3A_316 = tpu.vector_load %arg8[%get3A_315] {strides = array<i32>} : memref<1024xf32, #tpu.memory_space<vmem>>, vector<16xf32>,
            %get3A_317 = arith.index_cast %while3A_127 : i32 to index
            %get3A_318 = arith.index_cast %mul3A_314 : i32 to index
            %get3A_319 = tpu.vector_load %arg7[%get3A_317, %get3A_318] {strides = array<i32>} : memref<32x1024xf32, #tpu.memory_space<vmem>>, vector<16xf32>,
            %get3A_320 = arith.index_cast %mul3A_314 : i32 to index
            %get3A_321 = tpu.vector_load %arg9[%get3A_320] {strides = array<i32>} : memref<1024xf32, #tpu.memory_space<vmem>>, vector<16xf32>,
            %get3A_322 = arith.index_cast %mul3A_314 : i32 to index
            %get3A_323 = tpu.vector_load %arg10[%get3A_322] {strides = array<i32>} : memref<1024xf32, #tpu.memory_space<vmem>>, vector<16xf32>,
            %mul3A_324 = arith.mulf %get3A_321, %get3A_316 : vector<16xf32>
            %add3A_325 = arith.addf %mul3A_324, %broadcast_in_dim3A_0 : vector<16xf32>
            %mul3A_326 = arith.constant 0.699999988 : f32
            %mul3A_327 = vector.broadcast %mul3A_326 : f32 to vector<16xf32>
            %mul3A_328 = arith.mulf %mul3A_327, %get3A_319 : vector<16xf32>
            %add3A_329 = arith.addf %add3A_325, %mul3A_328 : vector<16xf32>
            %ge3A_330 = arith.constant 2.000000e+01 : f32
            %ge3A_331 = vector.broadcast %ge3A_330 : f32 to vector<16xf32>
            %ge3A_332 = arith.cmpf oge, %add3A_329, %ge3A_331 : vector<16xf32>
            %le3A_333 = arith.constant 0.000000e+00 : f32
            %le3A_334 = vector.broadcast %le3A_333 : f32 to vector<16xf32>
            %le3A_335 = arith.cmpf ole, %get3A_323, %le3A_334 : vector<16xf32>
            %and3A_336 = arith.andi %ge3A_332, %le3A_335 : vector<16xi1>
            %jit3A_337 = arith.constant 0.000000e+00 : f32
            %broadcast_in_dim3A_338 = vector.broadcast %jit3A_337 : f32 to vector<16xf32>
            %select_n3A_339 = arith.select %and3A_336, %broadcast_in_dim3A_338, %add3A_329 : vector<16xi1>, vector<16xf32>
            %swap3A_340 = arith.index_cast %mul3A_314 : i32 to index
            %swap3A_341 = tpu.vector_load %arg9[%swap3A_340] {strides = array<i32>} : memref<1024xf32, #tpu.memory_space<vmem>>, vector<16xf32>,
            tpu.vector_store %arg9[%swap3A_340], %select_n3A_339 {strides = array<i32>} : memref<1024xf32, #tpu.memory_space<vmem>>, vector<16xf32>,
            %sub3A_342 = arith.constant 1.000000e+00 : f32
            %sub3A_343 = vector.broadcast %sub3A_342 : f32 to vector<16xf32>
            %sub3A_344 = arith.subf %get3A_323, %sub3A_343 : vector<16xf32>
            %max3A_345 = arith.constant 0.000000e+00 : f32
            %max3A_346 = vector.broadcast %max3A_345 : f32 to vector<16xf32>
            %max3A_347 = arith.maximumf %sub3A_344, %max3A_346 : vector<16xf32>
            %jit3A_348 = arith.constant 2.000000e+01 : f32
            %broadcast_in_dim3A_349 = vector.broadcast %jit3A_348 : f32 to vector<16xf32>
            %select_n3A_350 = arith.select %and3A_336, %broadcast_in_dim3A_349, %max3A_347 : vector<16xi1>, vector<16xf32>
            %swap3A_351 = arith.index_cast %mul3A_314 : i32 to index
            %swap3A_352 = tpu.vector_load %arg10[%swap3A_351] {strides = array<i32>} : memref<1024xf32, #tpu.memory_space<vmem>>, vector<16xf32>,
            tpu.vector_store %arg10[%swap3A_351], %select_n3A_350 {strides = array<i32>} : memref<1024xf32, #tpu.memory_space<vmem>>, vector<16xf32>,
            %or3A_353 = arith.ori %or3A, %and3A_336 : vector<16xi1>
            %scan3A_354 = arith.constant 2 : i32
            %scan3A_355 = arith.addi %scan3A_272, %scan3A_354 : i32
            %mul3A_356 = arith.constant 16 : i32
            %mul3A_357 = arith.muli %scan3A_355, %mul3A_356 : i32
            %get3A_358 = arith.index_cast %mul3A_357 : i32 to index
            %get3A_359 = tpu.vector_load %arg8[%get3A_358] {strides = array<i32>} : memref<1024xf32, #tpu.memory_space<vmem>>, vector<16xf32>,
            %get3A_360 = arith.index_cast %while3A_127 : i32 to index
            %get3A_361 = arith.index_cast %mul3A_357 : i32 to index
            %get3A_362 = tpu.vector_load %arg7[%get3A_360, %get3A_361] {strides = array<i32>} : memref<32x1024xf32, #tpu.memory_space<vmem>>, vector<16xf32>,
            %get3A_363 = arith.index_cast %mul3A_357 : i32 to index
            %get3A_364 = tpu.vector_load %arg9[%get3A_363] {strides = array<i32>} : memref<1024xf32, #tpu.memory_space<vmem>>, vector<16xf32>,
            %get3A_365 = arith.index_cast %mul3A_357 : i32 to index
            %get3A_366 = tpu.vector_load %arg10[%get3A_365] {strides = array<i32>} : memref<1024xf32, #tpu.memory_space<vmem>>, vector<16xf32>,
            %mul3A_367 = arith.mulf %get3A_364, %get3A_359 : vector<16xf32>
            %add3A_368 = arith.addf %mul3A_367, %broadcast_in_dim3A_0 : vector<16xf32>
            %mul3A_369 = arith.constant 0.699999988 : f32
            %mul3A_370 = vector.broadcast %mul3A_369 : f32 to vector<16xf32>
            %mul3A_371 = arith.mulf %mul3A_370, %get3A_362 : vector<16xf32>
            %add3A_372 = arith.addf %add3A_368, %mul3A_371 : vector<16xf32>
            %ge3A_373 = arith.constant 2.000000e+01 : f32
            %ge3A_374 = vector.broadcast %ge3A_373 : f32 to vector<16xf32>
            %ge3A_375 = arith.cmpf oge, %add3A_372, %ge3A_374 : vector<16xf32>
            %le3A_376 = arith.constant 0.000000e+00 : f32
            %le3A_377 = vector.broadcast %le3A_376 : f32 to vector<16xf32>
            %le3A_378 = arith.cmpf ole, %get3A_366, %le3A_377 : vector<16xf32>
            %and3A_379 = arith.andi %ge3A_375, %le3A_378 : vector<16xi1>
            %jit3A_380 = arith.constant 0.000000e+00 : f32
            %broadcast_in_dim3A_381 = vector.broadcast %jit3A_380 : f32 to vector<16xf32>
            %select_n3A_382 = arith.select %and3A_379, %broadcast_in_dim3A_381, %add3A_372 : vector<16xi1>, vector<16xf32>
            %swap3A_383 = arith.index_cast %mul3A_357 : i32 to index
            %swap3A_384 = tpu.vector_load %arg9[%swap3A_383] {strides = array<i32>} : memref<1024xf32, #tpu.memory_space<vmem>>, vector<16xf32>,
            tpu.vector_store %arg9[%swap3A_383], %select_n3A_382 {strides = array<i32>} : memref<1024xf32, #tpu.memory_space<vmem>>, vector<16xf32>,
            %sub3A_385 = arith.constant 1.000000e+00 : f32
            %sub3A_386 = vector.broadcast %sub3A_385 : f32 to vector<16xf32>
            %sub3A_387 = arith.subf %get3A_366, %sub3A_386 : vector<16xf32>
            %max3A_388 = arith.constant 0.000000e+00 : f32
            %max3A_389 = vector.broadcast %max3A_388 : f32 to vector<16xf32>
            %max3A_390 = arith.maximumf %sub3A_387, %max3A_389 : vector<16xf32>
            %jit3A_391 = arith.constant 2.000000e+01 : f32
            %broadcast_in_dim3A_392 = vector.broadcast %jit3A_391 : f32 to vector<16xf32>
            %select_n3A_393 = arith.select %and3A_379, %broadcast_in_dim3A_392, %max3A_390 : vector<16xi1>, vector<16xf32>
            %swap3A_394 = arith.index_cast %mul3A_357 : i32 to index
            %swap3A_395 = tpu.vector_load %arg10[%swap3A_394] {strides = array<i32>} : memref<1024xf32, #tpu.memory_space<vmem>>, vector<16xf32>,
            tpu.vector_store %arg10[%swap3A_394], %select_n3A_393 {strides = array<i32>} : memref<1024xf32, #tpu.memory_space<vmem>>, vector<16xf32>,
            %or3A_396 = arith.ori %or3A_353, %and3A_379 : vector<16xi1>
            %scan3A_397 = arith.constant 3 : i32
            %scan3A_398 = arith.addi %scan3A_272, %scan3A_397 : i32
            %mul3A_399 = arith.constant 16 : i32
            %mul3A_400 = arith.muli %scan3A_398, %mul3A_399 : i32
            %get3A_401 = arith.index_cast %mul3A_400 : i32 to index
            %get3A_402 = tpu.vector_load %arg8[%get3A_401] {strides = array<i32>} : memref<1024xf32, #tpu.memory_space<vmem>>, vector<16xf32>,
            %get3A_403 = arith.index_cast %while3A_127 : i32 to index
            %get3A_404 = arith.index_cast %mul3A_400 : i32 to index
            %get3A_405 = tpu.vector_load %arg7[%get3A_403, %get3A_404] {strides = array<i32>} : memref<32x1024xf32, #tpu.memory_space<vmem>>, vector<16xf32>,
            %get3A_406 = arith.index_cast %mul3A_400 : i32 to index
            %get3A_407 = tpu.vector_load %arg9[%get3A_406] {strides = array<i32>} : memref<1024xf32, #tpu.memory_space<vmem>>, vector<16xf32>,
            %get3A_408 = arith.index_cast %mul3A_400 : i32 to index
            %get3A_409 = tpu.vector_load %arg10[%get3A_408] {strides = array<i32>} : memref<1024xf32, #tpu.memory_space<vmem>>, vector<16xf32>,
            %mul3A_410 = arith.mulf %get3A_407, %get3A_402 : vector<16xf32>
            %add3A_411 = arith.addf %mul3A_410, %broadcast_in_dim3A_0 : vector<16xf32>
            %mul3A_412 = arith.constant 0.699999988 : f32
            %mul3A_413 = vector.broadcast %mul3A_412 : f32 to vector<16xf32>
            %mul3A_414 = arith.mulf %mul3A_413, %get3A_405 : vector<16xf32>
            %add3A_415 = arith.addf %add3A_411, %mul3A_414 : vector<16xf32>
            %ge3A_416 = arith.constant 2.000000e+01 : f32
            %ge3A_417 = vector.broadcast %ge3A_416 : f32 to vector<16xf32>
            %ge3A_418 = arith.cmpf oge, %add3A_415, %ge3A_417 : vector<16xf32>
            %le3A_419 = arith.constant 0.000000e+00 : f32
            %le3A_420 = vector.broadcast %le3A_419 : f32 to vector<16xf32>
            %le3A_421 = arith.cmpf ole, %get3A_409, %le3A_420 : vector<16xf32>
            %and3A_422 = arith.andi %ge3A_418, %le3A_421 : vector<16xi1>
            %jit3A_423 = arith.constant 0.000000e+00 : f32
            %broadcast_in_dim3A_424 = vector.broadcast %jit3A_423 : f32 to vector<16xf32>
            %select_n3A_425 = arith.select %and3A_422, %broadcast_in_dim3A_424, %add3A_415 : vector<16xi1>, vector<16xf32>
            %swap3A_426 = arith.index_cast %mul3A_400 : i32 to index
            %swap3A_427 = tpu.vector_load %arg9[%swap3A_426] {strides = array<i32>} : memref<1024xf32, #tpu.memory_space<vmem>>, vector<16xf32>,
            tpu.vector_store %arg9[%swap3A_426], %select_n3A_425 {strides = array<i32>} : memref<1024xf32, #tpu.memory_space<vmem>>, vector<16xf32>,
            %sub3A_428 = arith.constant 1.000000e+00 : f32
            %sub3A_429 = vector.broadcast %sub3A_428 : f32 to vector<16xf32>
            %sub3A_430 = arith.subf %get3A_409, %sub3A_429 : vector<16xf32>
            %max3A_431 = arith.constant 0.000000e+00 : f32
            %max3A_432 = vector.broadcast %max3A_431 : f32 to vector<16xf32>
            %max3A_433 = arith.maximumf %sub3A_430, %max3A_432 : vector<16xf32>
            %jit3A_434 = arith.constant 2.000000e+01 : f32
            %broadcast_in_dim3A_435 = vector.broadcast %jit3A_434 : f32 to vector<16xf32>
            %select_n3A_436 = arith.select %and3A_422, %broadcast_in_dim3A_435, %max3A_433 : vector<16xi1>, vector<16xf32>
            %swap3A_437 = arith.index_cast %mul3A_400 : i32 to index
            %swap3A_438 = tpu.vector_load %arg10[%swap3A_437] {strides = array<i32>} : memref<1024xf32, #tpu.memory_space<vmem>>, vector<16xf32>,
            tpu.vector_store %arg10[%swap3A_437], %select_n3A_436 {strides = array<i32>} : memref<1024xf32, #tpu.memory_space<vmem>>, vector<16xf32>,
            %or3A_439 = arith.ori %or3A_396, %and3A_422 : vector<16xi1>
            scf.yield %or3A_439 : vector<16xi1>
          }
          %scan3A_264 = arith.constant 64 : i32
          %jit3A_265 = arith.constant 1.000000e+00 : f32
          %jit3A_266 = arith.constant 0.000000e+00 : f32
          %broadcast_in_dim3A_267 = vector.broadcast %jit3A_265 : f32 to vector<16xf32>
          %broadcast_in_dim3A_268 = vector.broadcast %jit3A_266 : f32 to vector<16xf32>
          %select_n3A_269 = arith.select %scan3A_263, %broadcast_in_dim3A_267, %broadcast_in_dim3A_268 : vector<16xi1>, vector<16xf32>
          %swap3A_270 = arith.constant 0 : index
          %swap3A_271 = tpu.vector_load %arg16[%swap3A_270] {strides = array<i32>} : memref<16xf32, #tpu.memory_space<vmem>>, vector<16xf32>,
          tpu.vector_store %arg16[%swap3A_270], %select_n3A_269 {strides = array<i32>} : memref<16xf32, #tpu.memory_space<vmem>>, vector<16xf32>,
        } else {
        }
        %get3A_149 = arith.constant 0 : index
        %get3A_150 = tpu.vector_load %arg16[%get3A_149] {strides = array<i32>} : memref<16xf32, #tpu.memory_space<vmem>>, vector<16xf32>,
        %gt3A_151 = arith.constant 0.000000e+00 : f32
        %gt3A_152 = vector.broadcast %gt3A_151 : f32 to vector<16xf32>
        %gt3A_153 = arith.cmpf ogt, %get3A_150, %gt3A_152 : vector<16xf32>
        %all_reduce_population_count3A_154 = tpu.all_reduce %gt3A_153 {dim = 0 : i64, kind = #tpu.reduction_kind<sum>} : vector<16xi1> -> vector<16xi32>
        %slice3A_155 = vector.extract_strided_slice %all_reduce_population_count3A_154 {offsets = [0], sizes = [1], strides = [1]} : vector<16xi32> to vector<1xi32>
        %squeeze3A_156 = vector.extract %slice3A_155[0] : i32 from vector<1xi32>
        %gt3A_157 = arith.constant 0 : i32
        %gt3A_158 = arith.cmpi sgt, %squeeze3A_156, %gt3A_157 : i32
        %eq3A_159 = arith.constant 0 : i32
        %eq3A_160 = arith.cmpi eq, %rem3A_141, %eq3A_159 : i32
        %jit3A = arith.constant 2 : i32
        %eq3A_161 = arith.constant 0 : i32
        %eq3A_162 = arith.cmpi eq, %jit3A, %eq3A_161 : i32
        %jit3A_163 = arith.constant 1 : i32
        %select_n3A = arith.select %eq3A_162, %jit3A_163, %jit3A : i32
        %rem3A_164 = arith.remsi %while3A_128, %select_n3A : i32
        %ne3A = arith.constant 0 : i32
        %ne3A_165 = arith.cmpi ne, %rem3A_164, %ne3A : i32
        %lt3A_166 = arith.constant 0 : i32
        %lt3A_167 = arith.cmpi slt, %rem3A_164, %lt3A_166 : i32
        %lt3A_168 = arith.constant 0 : i32
        %lt3A_169 = arith.cmpi slt, %select_n3A, %lt3A_168 : i32
        %ne3A_170 = arith.xori %lt3A_167, %lt3A_169 : i1
        %and3A = arith.andi %ne3A_170, %ne3A_165 : i1
        %add3A_171 = arith.addi %rem3A_164, %select_n3A : i32
        %select_n3A_172 = arith.select %and3A, %add3A_171, %rem3A_164 : i32
        %jit3A_173 = arith.constant 2 : i32
        %div3A = arith.divsi %while3A_128, %jit3A_173 : i32
        %sign3A = arith.constant 0 : i32
        %sign3A_174 = arith.cmpi sgt, %while3A_128, %sign3A : i32
        %sign3A_175 = arith.extui %sign3A_174 : i1 to i32
        %sign3A_176 = arith.constant 0 : i32
        %sign3A_177 = arith.cmpi slt, %while3A_128, %sign3A_176 : i32
        %sign3A_178 = arith.extui %sign3A_177 : i1 to i32
        %sign3A_179 = arith.subi %sign3A_175, %sign3A_178 : i32
        %sign3A_180 = arith.constant 0 : i32
        %sign3A_181 = arith.cmpi sgt, %jit3A_173, %sign3A_180 : i32
        %sign3A_182 = arith.extui %sign3A_181 : i1 to i32
        %sign3A_183 = arith.constant 0 : i32
        %sign3A_184 = arith.cmpi slt, %jit3A_173, %sign3A_183 : i32
        %sign3A_185 = arith.extui %sign3A_184 : i1 to i32
        %sign3A_186 = arith.subi %sign3A_182, %sign3A_185 : i32
        %ne3A_187 = arith.cmpi ne, %sign3A_179, %sign3A_186 : i32
        %rem3A_188 = arith.remsi %while3A_128, %jit3A_173 : i32
        %ne3A_189 = arith.constant 0 : i32
        %ne3A_190 = arith.cmpi ne, %rem3A_188, %ne3A_189 : i32
        %and3A_191 = arith.andi %ne3A_187, %ne3A_190 : i1
        %sub3A = arith.constant 1 : i32
        %sub3A_192 = arith.subi %div3A, %sub3A : i32
        %select_n3A_193 = arith.select %and3A_191, %sub3A_192, %div3A : i32
        %select_n3A_194 = arith.select %eq3A_160, %select_n3A_172, %select_n3A_193 : i32
        %convert_element_type3A_195 = arith.extui %gt3A_158 : i1 to i32
        %cond3A_196 = arith.constant 0 : i32
        %cond3A_197 = arith.cmpi ne, %convert_element_type3A_195, %cond3A_196 : i32
        scf.if %cond3A_197 {
          %scan3A_259 = arith.constant 0 : i32
          %scan3A_260 = arith.constant 0 : i32
          %scan3A_261 = arith.constant 64 : i32
          %scan3A_262 = arith.addi %scan3A_260, %scan3A_261 : i32
          %scan3A_263 = arith.constant 4 : i32
          scf.for %scan3A_273 = %scan3A_260 to %scan3A_262 step %scan3A_263  : i32 {
            %mul3A_274 = arith.constant 16 : i32
            %mul3A_275 = arith.muli %scan3A_273, %mul3A_274 : i32
            %get3A_276 = arith.index_cast %mul3A_275 : i32 to index
            %get3A_277 = tpu.vector_load %arg10[%get3A_276] {strides = array<i32>} : memref<1024xf32, #tpu.memory_space<vmem>>, vector<16xf32>,
            %eq3A_278 = arith.constant 2.000000e+01 : f32
            %eq3A_279 = vector.broadcast %eq3A_278 : f32 to vector<16xf32>
            %eq3A_280 = arith.cmpf oeq, %get3A_277, %eq3A_279 : vector<16xf32>
            %jit3A_281 = arith.constant 1.000000e+00 : f32
            %jit3A_282 = arith.constant 0.000000e+00 : f32
            %broadcast_in_dim3A_283 = vector.broadcast %jit3A_281 : f32 to vector<16xf32>
            %broadcast_in_dim3A_284 = vector.broadcast %jit3A_282 : f32 to vector<16xf32>
            %select_n3A_285 = arith.select %eq3A_280, %broadcast_in_dim3A_283, %broadcast_in_dim3A_284 : vector<16xi1>, vector<16xf32>
            %swap3A_286 = arith.index_cast %mul3A_275 : i32 to index
            %swap3A_287 = tpu.vector_load %arg12[%swap3A_286] {strides = array<i32>} : memref<1024xf32, #tpu.memory_space<vmem>>, vector<16xf32>,
            tpu.vector_store %arg12[%swap3A_286], %select_n3A_285 {strides = array<i32>} : memref<1024xf32, #tpu.memory_space<vmem>>, vector<16xf32>,
            %get3A_288 = arith.index_cast %mul3A_275 : i32 to index
            %get3A_289 = tpu.vector_load %arg11[%get3A_288] {strides = array<i32>} : memref<1024xf32, #tpu.memory_space<vmem>>, vector<16xf32>,
            %add3A_290 = arith.addf %get3A_289, %select_n3A_285 : vector<16xf32>
            %swap3A_291 = arith.index_cast %mul3A_275 : i32 to index
            %swap3A_292 = tpu.vector_load %arg11[%swap3A_291] {strides = array<i32>} : memref<1024xf32, #tpu.memory_space<vmem>>, vector<16xf32>,
            tpu.vector_store %arg11[%swap3A_291], %add3A_290 {strides = array<i32>} : memref<1024xf32, #tpu.memory_space<vmem>>, vector<16xf32>,
            %scan3A_293 = arith.constant 1 : i32
            %scan3A_294 = arith.addi %scan3A_273, %scan3A_293 : i32
            %mul3A_295 = arith.constant 16 : i32
            %mul3A_296 = arith.muli %scan3A_294, %mul3A_295 : i32
            %get3A_297 = arith.index_cast %mul3A_296 : i32 to index
            %get3A_298 = tpu.vector_load %arg10[%get3A_297] {strides = array<i32>} : memref<1024xf32, #tpu.memory_space<vmem>>, vector<16xf32>,
            %eq3A_299 = arith.constant 2.000000e+01 : f32
            %eq3A_300 = vector.broadcast %eq3A_299 : f32 to vector<16xf32>
            %eq3A_301 = arith.cmpf oeq, %get3A_298, %eq3A_300 : vector<16xf32>
            %jit3A_302 = arith.constant 1.000000e+00 : f32
            %jit3A_303 = arith.constant 0.000000e+00 : f32
            %broadcast_in_dim3A_304 = vector.broadcast %jit3A_302 : f32 to vector<16xf32>
            %broadcast_in_dim3A_305 = vector.broadcast %jit3A_303 : f32 to vector<16xf32>
            %select_n3A_306 = arith.select %eq3A_301, %broadcast_in_dim3A_304, %broadcast_in_dim3A_305 : vector<16xi1>, vector<16xf32>
            %swap3A_307 = arith.index_cast %mul3A_296 : i32 to index
            %swap3A_308 = tpu.vector_load %arg12[%swap3A_307] {strides = array<i32>} : memref<1024xf32, #tpu.memory_space<vmem>>, vector<16xf32>,
            tpu.vector_store %arg12[%swap3A_307], %select_n3A_306 {strides = array<i32>} : memref<1024xf32, #tpu.memory_space<vmem>>, vector<16xf32>,
            %get3A_309 = arith.index_cast %mul3A_296 : i32 to index
            %get3A_310 = tpu.vector_load %arg11[%get3A_309] {strides = array<i32>} : memref<1024xf32, #tpu.memory_space<vmem>>, vector<16xf32>,
            %add3A_311 = arith.addf %get3A_310, %select_n3A_306 : vector<16xf32>
            %swap3A_312 = arith.index_cast %mul3A_296 : i32 to index
            %swap3A_313 = tpu.vector_load %arg11[%swap3A_312] {strides = array<i32>} : memref<1024xf32, #tpu.memory_space<vmem>>, vector<16xf32>,
            tpu.vector_store %arg11[%swap3A_312], %add3A_311 {strides = array<i32>} : memref<1024xf32, #tpu.memory_space<vmem>>, vector<16xf32>,
            %scan3A_314 = arith.constant 2 : i32
            %scan3A_315 = arith.addi %scan3A_273, %scan3A_314 : i32
            %mul3A_316 = arith.constant 16 : i32
            %mul3A_317 = arith.muli %scan3A_315, %mul3A_316 : i32
            %get3A_318 = arith.index_cast %mul3A_317 : i32 to index
            %get3A_319 = tpu.vector_load %arg10[%get3A_318] {strides = array<i32>} : memref<1024xf32, #tpu.memory_space<vmem>>, vector<16xf32>,
            %eq3A_320 = arith.constant 2.000000e+01 : f32
            %eq3A_321 = vector.broadcast %eq3A_320 : f32 to vector<16xf32>
            %eq3A_322 = arith.cmpf oeq, %get3A_319, %eq3A_321 : vector<16xf32>
            %jit3A_323 = arith.constant 1.000000e+00 : f32
            %jit3A_324 = arith.constant 0.000000e+00 : f32
            %broadcast_in_dim3A_325 = vector.broadcast %jit3A_323 : f32 to vector<16xf32>
            %broadcast_in_dim3A_326 = vector.broadcast %jit3A_324 : f32 to vector<16xf32>
            %select_n3A_327 = arith.select %eq3A_322, %broadcast_in_dim3A_325, %broadcast_in_dim3A_326 : vector<16xi1>, vector<16xf32>
            %swap3A_328 = arith.index_cast %mul3A_317 : i32 to index
            %swap3A_329 = tpu.vector_load %arg12[%swap3A_328] {strides = array<i32>} : memref<1024xf32, #tpu.memory_space<vmem>>, vector<16xf32>,
            tpu.vector_store %arg12[%swap3A_328], %select_n3A_327 {strides = array<i32>} : memref<1024xf32, #tpu.memory_space<vmem>>, vector<16xf32>,
            %get3A_330 = arith.index_cast %mul3A_317 : i32 to index
            %get3A_331 = tpu.vector_load %arg11[%get3A_330] {strides = array<i32>} : memref<1024xf32, #tpu.memory_space<vmem>>, vector<16xf32>,
            %add3A_332 = arith.addf %get3A_331, %select_n3A_327 : vector<16xf32>
            %swap3A_333 = arith.index_cast %mul3A_317 : i32 to index
            %swap3A_334 = tpu.vector_load %arg11[%swap3A_333] {strides = array<i32>} : memref<1024xf32, #tpu.memory_space<vmem>>, vector<16xf32>,
            tpu.vector_store %arg11[%swap3A_333], %add3A_332 {strides = array<i32>} : memref<1024xf32, #tpu.memory_space<vmem>>, vector<16xf32>,
            %scan3A_335 = arith.constant 3 : i32
            %scan3A_336 = arith.addi %scan3A_273, %scan3A_335 : i32
            %mul3A_337 = arith.constant 16 : i32
            %mul3A_338 = arith.muli %scan3A_336, %mul3A_337 : i32
            %get3A_339 = arith.index_cast %mul3A_338 : i32 to index
            %get3A_340 = tpu.vector_load %arg10[%get3A_339] {strides = array<i32>} : memref<1024xf32, #tpu.memory_space<vmem>>, vector<16xf32>,
            %eq3A_341 = arith.constant 2.000000e+01 : f32
            %eq3A_342 = vector.broadcast %eq3A_341 : f32 to vector<16xf32>
            %eq3A_343 = arith.cmpf oeq, %get3A_340, %eq3A_342 : vector<16xf32>
            %jit3A_344 = arith.constant 1.000000e+00 : f32
            %jit3A_345 = arith.constant 0.000000e+00 : f32
            %broadcast_in_dim3A_346 = vector.broadcast %jit3A_344 : f32 to vector<16xf32>
            %broadcast_in_dim3A_347 = vector.broadcast %jit3A_345 : f32 to vector<16xf32>
            %select_n3A_348 = arith.select %eq3A_343, %broadcast_in_dim3A_346, %broadcast_in_dim3A_347 : vector<16xi1>, vector<16xf32>
            %swap3A_349 = arith.index_cast %mul3A_338 : i32 to index
            %swap3A_350 = tpu.vector_load %arg12[%swap3A_349] {strides = array<i32>} : memref<1024xf32, #tpu.memory_space<vmem>>, vector<16xf32>,
            tpu.vector_store %arg12[%swap3A_349], %select_n3A_348 {strides = array<i32>} : memref<1024xf32, #tpu.memory_space<vmem>>, vector<16xf32>,
            %get3A_351 = arith.index_cast %mul3A_338 : i32 to index
            %get3A_352 = tpu.vector_load %arg11[%get3A_351] {strides = array<i32>} : memref<1024xf32, #tpu.memory_space<vmem>>, vector<16xf32>,
            %add3A_353 = arith.addf %get3A_352, %select_n3A_348 : vector<16xf32>
            %swap3A_354 = arith.index_cast %mul3A_338 : i32 to index
            %swap3A_355 = tpu.vector_load %arg11[%swap3A_354] {strides = array<i32>} : memref<1024xf32, #tpu.memory_space<vmem>>, vector<16xf32>,
            tpu.vector_store %arg11[%swap3A_354], %add3A_353 {strides = array<i32>} : memref<1024xf32, #tpu.memory_space<vmem>>, vector<16xf32>,
          }
          %scan3A_264 = arith.constant 64 : i32
          %mul3A_265 = arith.constant 1024 : i32
          %mul3A_266 = arith.muli %arg1, %mul3A_265 : i32
          "tpu.region"() ({
            %run_scoped3A_273 = tpu.sem_alloc : memref<!tpu.dma_semaphore, #tpu.memory_space<semaphore_mem>>
            %dma_start3A_274 = tpu.memref_slice %arg19[%rem3A_141, %mul3A_266] : memref<2x16384xf32, #tpu.memory_space<vmem_shared>> -> memref<1x1024xf32, #tpu.memory_space<vmem_shared>>
            %dma_start3A_275 = tpu.memref_squeeze %dma_start3A_274 : memref<1x1024xf32, #tpu.memory_space<vmem_shared>> -> memref<1024xf32, #tpu.memory_space<vmem_shared>>
            %dma_start3A_276 = tpu.memref_slice %arg19[%rem3A_141, %mul3A_266] : memref<2x16384xf32, #tpu.memory_space<vmem_shared>> -> memref<1x1024xf32, #tpu.memory_space<vmem_shared>>
            %dma_start3A_277 = tpu.memref_squeeze %dma_start3A_276 : memref<1x1024xf32, #tpu.memory_space<vmem_shared>> -> memref<1024xf32, #tpu.memory_space<vmem_shared>>
            tpu.enqueue_dma source(%arg12 : memref<1024xf32, #tpu.memory_space<vmem>>) target(%dma_start3A_277 : memref<1024xf32, #tpu.memory_space<vmem_shared>>) target_semaphore(%run_scoped3A_273 : memref<!tpu.dma_semaphore, #tpu.memory_space<semaphore_mem>>)
            %dma_wait3A_278 = tpu.memref_slice %arg19[%rem3A_141, %mul3A_266] : memref<2x16384xf32, #tpu.memory_space<vmem_shared>> -> memref<1x1024xf32, #tpu.memory_space<vmem_shared>>
            %dma_wait3A_279 = tpu.memref_squeeze %dma_wait3A_278 : memref<1x1024xf32, #tpu.memory_space<vmem_shared>> -> memref<1024xf32, #tpu.memory_space<vmem_shared>>
            %dma_wait3A_280 = tpu.memref_slice %arg19[%rem3A_141, %mul3A_266] : memref<2x16384xf32, #tpu.memory_space<vmem_shared>> -> memref<1x1024xf32, #tpu.memory_space<vmem_shared>>
            %dma_wait3A_281 = tpu.memref_squeeze %dma_wait3A_280 : memref<1x1024xf32, #tpu.memory_space<vmem_shared>> -> memref<1024xf32, #tpu.memory_space<vmem_shared>>
            tpu.wait_dma2 semaphore(%run_scoped3A_273 : memref<!tpu.dma_semaphore, #tpu.memory_space<semaphore_mem>>) src(%arg12 : memref<1024xf32, #tpu.memory_space<vmem>>) dst(%dma_wait3A_281 : memref<1024xf32, #tpu.memory_space<vmem_shared>>)
            tpu.yield
          }) : () -> ()
          %add3A_267 = arith.constant 1 : i32
          %add3A_268 = arith.addi %while3A_127, %add3A_267 : i32
          %mul3A_269 = arith.constant 16 : i32
          %mul3A_270 = arith.muli %add3A_268, %mul3A_269 : i32
          %add3A_271 = vector.broadcast %mul3A_270 : i32 to vector<16xi32>
          %add3A_272 = arith.addi %iota3A, %add3A_271 : vector<16xi32>
          "tpu.region"() ({
            %run_scoped3A_273 = tpu.sem_alloc : memref<!tpu.dma_semaphore, #tpu.memory_space<semaphore_mem>>
            %dma_start3A_274 = arith.constant 0 : i32
            %dma_start3A_275 = tpu.memref_slice %arg20[%dma_start3A_274] : memref<528xf32, #tpu.memory_space<vmem_shared>> -> memref<528xf32, #tpu.memory_space<vmem_shared>>
            tpu.enqueue_indirect_dma source(%arg16 : memref<16xf32, #tpu.memory_space<vmem>>) target(%dma_start3A_275 : memref<528xf32, #tpu.memory_space<vmem_shared>>) offsets(%add3A_272 : vector<16xi32>) semaphore(%run_scoped3A_273 : memref<!tpu.dma_semaphore, #tpu.memory_space<semaphore_mem>>) {add = true}
            %dma_wait3A_276 = arith.constant 0 : i32
            %dma_wait3A_277 = tpu.memref_slice %arg20[%dma_wait3A_276] : memref<528xf32, #tpu.memory_space<vmem_shared>> -> memref<528xf32, #tpu.memory_space<vmem_shared>>
            tpu.wait_indirect_dma semaphore(%run_scoped3A_273 : memref<!tpu.dma_semaphore, #tpu.memory_space<semaphore_mem>>) src(%arg16 : memref<16xf32, #tpu.memory_space<vmem>>) dst(%dma_wait3A_277 : memref<528xf32, #tpu.memory_space<vmem_shared>>)
            tpu.yield
          }) : () -> ()
        } else {
        }
        %not3A_198 = arith.constant true
        %not3A_199 = arith.xori %gt3A_158, %not3A_198 : i1
        %gt3A_200 = arith.constant 0 : i32
        %gt3A_201 = arith.cmpi sgt, %select_n3A_194, %gt3A_200 : i32
        %and3A_202 = arith.andi %not3A_199, %gt3A_201 : i1
        %convert_element_type3A_203 = arith.extui %and3A_202 : i1 to i32
        %cond3A_204 = arith.constant 0 : i32
        %cond3A_205 = arith.cmpi ne, %convert_element_type3A_203, %cond3A_204 : i32
        scf.if %cond3A_205 {
          %scan3A_259 = arith.constant 0 : i32
          %scan3A_260 = arith.constant 0 : i32
          %scan3A_261 = arith.constant 64 : i32
          %scan3A_262 = arith.addi %scan3A_260, %scan3A_261 : i32
          %scan3A_263 = arith.constant 4 : i32
          scf.for %scan3A_267 = %scan3A_260 to %scan3A_262 step %scan3A_263  : i32 {
            %mul3A_268 = arith.constant 16 : i32
            %mul3A_269 = arith.muli %scan3A_267, %mul3A_268 : i32
            %swap3A_270 = arith.index_cast %mul3A_269 : i32 to index
            %swap3A_271 = tpu.vector_load %arg12[%swap3A_270] {strides = array<i32>} : memref<1024xf32, #tpu.memory_space<vmem>>, vector<16xf32>,
            tpu.vector_store %arg12[%swap3A_270], %broadcast_in_dim3A_0 {strides = array<i32>} : memref<1024xf32, #tpu.memory_space<vmem>>, vector<16xf32>,
            %scan3A_272 = arith.constant 1 : i32
            %scan3A_273 = arith.addi %scan3A_267, %scan3A_272 : i32
            %mul3A_274 = arith.constant 16 : i32
            %mul3A_275 = arith.muli %scan3A_273, %mul3A_274 : i32
            %swap3A_276 = arith.index_cast %mul3A_275 : i32 to index
            %swap3A_277 = tpu.vector_load %arg12[%swap3A_276] {strides = array<i32>} : memref<1024xf32, #tpu.memory_space<vmem>>, vector<16xf32>,
            tpu.vector_store %arg12[%swap3A_276], %broadcast_in_dim3A_0 {strides = array<i32>} : memref<1024xf32, #tpu.memory_space<vmem>>, vector<16xf32>,
            %scan3A_278 = arith.constant 2 : i32
            %scan3A_279 = arith.addi %scan3A_267, %scan3A_278 : i32
            %mul3A_280 = arith.constant 16 : i32
            %mul3A_281 = arith.muli %scan3A_279, %mul3A_280 : i32
            %swap3A_282 = arith.index_cast %mul3A_281 : i32 to index
            %swap3A_283 = tpu.vector_load %arg12[%swap3A_282] {strides = array<i32>} : memref<1024xf32, #tpu.memory_space<vmem>>, vector<16xf32>,
            tpu.vector_store %arg12[%swap3A_282], %broadcast_in_dim3A_0 {strides = array<i32>} : memref<1024xf32, #tpu.memory_space<vmem>>, vector<16xf32>,
            %scan3A_284 = arith.constant 3 : i32
            %scan3A_285 = arith.addi %scan3A_267, %scan3A_284 : i32
            %mul3A_286 = arith.constant 16 : i32
            %mul3A_287 = arith.muli %scan3A_285, %mul3A_286 : i32
            %swap3A_288 = arith.index_cast %mul3A_287 : i32 to index
            %swap3A_289 = tpu.vector_load %arg12[%swap3A_288] {strides = array<i32>} : memref<1024xf32, #tpu.memory_space<vmem>>, vector<16xf32>,
            tpu.vector_store %arg12[%swap3A_288], %broadcast_in_dim3A_0 {strides = array<i32>} : memref<1024xf32, #tpu.memory_space<vmem>>, vector<16xf32>,
          }
          %scan3A_264 = arith.constant 64 : i32
          %mul3A_265 = arith.constant 1024 : i32
          %mul3A_266 = arith.muli %arg1, %mul3A_265 : i32
          "tpu.region"() ({
            %run_scoped3A_267 = tpu.sem_alloc : memref<!tpu.dma_semaphore, #tpu.memory_space<semaphore_mem>>
            %dma_start3A_268 = tpu.memref_slice %arg19[%rem3A_141, %mul3A_266] : memref<2x16384xf32, #tpu.memory_space<vmem_shared>> -> memref<1x1024xf32, #tpu.memory_space<vmem_shared>>
            %dma_start3A_269 = tpu.memref_squeeze %dma_start3A_268 : memref<1x1024xf32, #tpu.memory_space<vmem_shared>> -> memref<1024xf32, #tpu.memory_space<vmem_shared>>
            %dma_start3A_270 = tpu.memref_slice %arg19[%rem3A_141, %mul3A_266] : memref<2x16384xf32, #tpu.memory_space<vmem_shared>> -> memref<1x1024xf32, #tpu.memory_space<vmem_shared>>
            %dma_start3A_271 = tpu.memref_squeeze %dma_start3A_270 : memref<1x1024xf32, #tpu.memory_space<vmem_shared>> -> memref<1024xf32, #tpu.memory_space<vmem_shared>>
            tpu.enqueue_dma source(%arg12 : memref<1024xf32, #tpu.memory_space<vmem>>) target(%dma_start3A_271 : memref<1024xf32, #tpu.memory_space<vmem_shared>>) target_semaphore(%run_scoped3A_267 : memref<!tpu.dma_semaphore, #tpu.memory_space<semaphore_mem>>)
            %dma_wait3A_272 = tpu.memref_slice %arg19[%rem3A_141, %mul3A_266] : memref<2x16384xf32, #tpu.memory_space<vmem_shared>> -> memref<1x1024xf32, #tpu.memory_space<vmem_shared>>
            %dma_wait3A_273 = tpu.memref_squeeze %dma_wait3A_272 : memref<1x1024xf32, #tpu.memory_space<vmem_shared>> -> memref<1024xf32, #tpu.memory_space<vmem_shared>>
            %dma_wait3A_274 = tpu.memref_slice %arg19[%rem3A_141, %mul3A_266] : memref<2x16384xf32, #tpu.memory_space<vmem_shared>> -> memref<1x1024xf32, #tpu.memory_space<vmem_shared>>
            %dma_wait3A_275 = tpu.memref_squeeze %dma_wait3A_274 : memref<1x1024xf32, #tpu.memory_space<vmem_shared>> -> memref<1024xf32, #tpu.memory_space<vmem_shared>>
            tpu.wait_dma2 semaphore(%run_scoped3A_267 : memref<!tpu.dma_semaphore, #tpu.memory_space<semaphore_mem>>) src(%arg12 : memref<1024xf32, #tpu.memory_space<vmem>>) dst(%dma_wait3A_275 : memref<1024xf32, #tpu.memory_space<vmem_shared>>)
            tpu.yield
          }) : () -> ()
        } else {
        }
        %barrier3A_206 = arith.constant 0 : index
        tpu.barrier barrier_id(%barrier3A_206)
        %jit3A_207 = arith.constant 1 : i32
        %jit3A_208 = arith.constant 0 : i32
        %select_n3A_209 = arith.select %gt3A_158, %jit3A_207, %jit3A_208 : i32
        %eq3A_210 = arith.constant 0 : i32
        %eq3A_211 = arith.cmpi eq, %rem3A_141, %eq3A_210 : i32
        %jit3A_212 = arith.constant 2 : i32
        %eq3A_213 = arith.constant 0 : i32
        %eq3A_214 = arith.cmpi eq, %jit3A_212, %eq3A_213 : i32
        %jit3A_215 = arith.constant 1 : i32
        %select_n3A_216 = arith.select %eq3A_214, %jit3A_215, %jit3A_212 : i32
        %rem3A_217 = arith.remsi %while3A_128, %select_n3A_216 : i32
        %ne3A_218 = arith.constant 0 : i32
        %ne3A_219 = arith.cmpi ne, %rem3A_217, %ne3A_218 : i32
        %lt3A_220 = arith.constant 0 : i32
        %lt3A_221 = arith.cmpi slt, %rem3A_217, %lt3A_220 : i32
        %lt3A_222 = arith.constant 0 : i32
        %lt3A_223 = arith.cmpi slt, %select_n3A_216, %lt3A_222 : i32
        %ne3A_224 = arith.xori %lt3A_221, %lt3A_223 : i1
        %and3A_225 = arith.andi %ne3A_224, %ne3A_219 : i1
        %add3A_226 = arith.addi %rem3A_217, %select_n3A_216 : i32
        %select_n3A_227 = arith.select %and3A_225, %add3A_226, %rem3A_217 : i32
        %select_n3A_228 = arith.select %eq3A_211, %select_n3A_209, %select_n3A_227 : i32
        %eq3A_229 = arith.constant 0 : i32
        %eq3A_230 = arith.cmpi eq, %rem3A_141, %eq3A_229 : i32
        %jit3A_231 = arith.constant 2 : i32
        %div3A_232 = arith.divsi %while3A_128, %jit3A_231 : i32
        %sign3A_233 = arith.constant 0 : i32
        %sign3A_234 = arith.cmpi sgt, %while3A_128, %sign3A_233 : i32
        %sign3A_235 = arith.extui %sign3A_234 : i1 to i32
        %sign3A_236 = arith.constant 0 : i32
        %sign3A_237 = arith.cmpi slt, %while3A_128, %sign3A_236 : i32
        %sign3A_238 = arith.extui %sign3A_237 : i1 to i32
        %sign3A_239 = arith.subi %sign3A_235, %sign3A_238 : i32
        %sign3A_240 = arith.constant 0 : i32
        %sign3A_241 = arith.cmpi sgt, %jit3A_231, %sign3A_240 : i32
        %sign3A_242 = arith.extui %sign3A_241 : i1 to i32
        %sign3A_243 = arith.constant 0 : i32
        %sign3A_244 = arith.cmpi slt, %jit3A_231, %sign3A_243 : i32
        %sign3A_245 = arith.extui %sign3A_244 : i1 to i32
        %sign3A_246 = arith.subi %sign3A_242, %sign3A_245 : i32
        %ne3A_247 = arith.cmpi ne, %sign3A_239, %sign3A_246 : i32
        %rem3A_248 = arith.remsi %while3A_128, %jit3A_231 : i32
        %ne3A_249 = arith.constant 0 : i32
        %ne3A_250 = arith.cmpi ne, %rem3A_248, %ne3A_249 : i32
        %and3A_251 = arith.andi %ne3A_247, %ne3A_250 : i1
        %sub3A_252 = arith.constant 1 : i32
        %sub3A_253 = arith.subi %div3A_232, %sub3A_252 : i32
        %select_n3A_254 = arith.select %and3A_251, %sub3A_253, %div3A_232 : i32
        %select_n3A_255 = arith.select %eq3A_230, %select_n3A_254, %select_n3A_209 : i32
        %mul3A_256 = arith.constant 2 : i32
        %mul3A_257 = arith.muli %mul3A_256, %select_n3A_255 : i32
        %add3A_258 = arith.addi %select_n3A_228, %mul3A_257 : i32
        scf.yield %add3A_258 : i32
      }
      %while3A_119 = arith.constant 1 : i32
      %while3A_120 = scf.for %while3A_127 = %while3A_116 to %while3A_112 step %while3A_119 iter_args(%while3A_128 = %while3A_118) -> (i32)  : i32 {
        %mul3A_129 = arith.constant 16 : i32
        %mul3A_130 = arith.muli %while3A_127, %mul3A_129 : i32
        "tpu.region"() ({
          %run_scoped3A_259 = tpu.sem_alloc : memref<!tpu.dma_semaphore, #tpu.memory_space<semaphore_mem>>
          %dma_start3A_260 = tpu.memref_slice %arg20[%mul3A_130] : memref<528xf32, #tpu.memory_space<vmem_shared>> -> memref<16xf32, #tpu.memory_space<vmem_shared>>
          %dma_start3A_261 = tpu.memref_slice %arg20[%mul3A_130] : memref<528xf32, #tpu.memory_space<vmem_shared>> -> memref<16xf32, #tpu.memory_space<vmem_shared>>
          tpu.enqueue_dma source(%dma_start3A_261 : memref<16xf32, #tpu.memory_space<vmem_shared>>) target(%arg16 : memref<16xf32, #tpu.memory_space<vmem>>) target_semaphore(%run_scoped3A_259 : memref<!tpu.dma_semaphore, #tpu.memory_space<semaphore_mem>>)
          %dma_wait3A_262 = tpu.memref_slice %arg20[%mul3A_130] : memref<528xf32, #tpu.memory_space<vmem_shared>> -> memref<16xf32, #tpu.memory_space<vmem_shared>>
          %dma_wait3A_263 = tpu.memref_slice %arg20[%mul3A_130] : memref<528xf32, #tpu.memory_space<vmem_shared>> -> memref<16xf32, #tpu.memory_space<vmem_shared>>
          tpu.wait_dma2 semaphore(%run_scoped3A_259 : memref<!tpu.dma_semaphore, #tpu.memory_space<semaphore_mem>>) src(%dma_wait3A_263 : memref<16xf32, #tpu.memory_space<vmem_shared>>) dst(%arg16 : memref<16xf32, #tpu.memory_space<vmem>>)
          tpu.yield
        }) : () -> ()
        %get3A = arith.constant 0 : index
        %get3A_131 = tpu.vector_load %arg16[%get3A] {strides = array<i32>} : memref<16xf32, #tpu.memory_space<vmem>>, vector<16xf32>,
        %gt3A = arith.constant 0.000000e+00 : f32
        %gt3A_132 = vector.broadcast %gt3A : f32 to vector<16xf32>
        %gt3A_133 = arith.cmpf ogt, %get3A_131, %gt3A_132 : vector<16xf32>
        %all_reduce_population_count3A = tpu.all_reduce %gt3A_133 {dim = 0 : i64, kind = #tpu.reduction_kind<sum>} : vector<16xi1> -> vector<16xi32>
        %slice3A_134 = vector.extract_strided_slice %all_reduce_population_count3A {offsets = [0], sizes = [1], strides = [1]} : vector<16xi32> to vector<1xi32>
        %squeeze3A_135 = vector.extract %slice3A_134[0] : i32 from vector<1xi32>
        %gt3A_136 = arith.constant 0 : i32
        %gt3A_137 = arith.cmpi sgt, %squeeze3A_135, %gt3A_136 : i32
        %add3A = arith.constant 1 : i32
        %add3A_138 = arith.addi %while3A_127, %add3A : i32
        %rem3A = arith.constant 2 : i32
        %rem3A_139 = arith.remsi %add3A_138, %rem3A : i32
        %rem3A_140 = arith.constant 2 : i32
        %rem3A_141 = arith.remsi %while3A_127, %rem3A_140 : i32
        %convert_element_type3A_142 = arith.extui %gt3A_137 : i1 to i32
        %cond3A_143 = arith.constant 0 : i32
        %cond3A_144 = arith.cmpi ne, %convert_element_type3A_142, %cond3A_143 : i32
        scf.if %cond3A_144 {
          "tpu.region"() ({
            %run_scoped3A_272 = tpu.sem_alloc : memref<!tpu.dma_semaphore, #tpu.memory_space<semaphore_mem>>
            %dma_start3A_273 = arith.constant 0 : i32
            %dma_start3A_274 = tpu.memref_slice %arg19[%rem3A_139, %dma_start3A_273] : memref<2x16384xf32, #tpu.memory_space<vmem_shared>> -> memref<1x16384xf32, #tpu.memory_space<vmem_shared>>
            %dma_start3A_275 = tpu.memref_squeeze %dma_start3A_274 : memref<1x16384xf32, #tpu.memory_space<vmem_shared>> -> memref<16384xf32, #tpu.memory_space<vmem_shared>>
            %dma_start3A_276 = arith.constant 0 : i32
            %dma_start3A_277 = tpu.memref_slice %arg19[%rem3A_139, %dma_start3A_276] : memref<2x16384xf32, #tpu.memory_space<vmem_shared>> -> memref<1x16384xf32, #tpu.memory_space<vmem_shared>>
            %dma_start3A_278 = tpu.memref_squeeze %dma_start3A_277 : memref<1x16384xf32, #tpu.memory_space<vmem_shared>> -> memref<16384xf32, #tpu.memory_space<vmem_shared>>
            tpu.enqueue_dma source(%dma_start3A_278 : memref<16384xf32, #tpu.memory_space<vmem_shared>>) target(%arg13 : memref<16384xf32, #tpu.memory_space<vmem>>) target_semaphore(%run_scoped3A_272 : memref<!tpu.dma_semaphore, #tpu.memory_space<semaphore_mem>>)
            %dma_wait3A_279 = arith.constant 0 : i32
            %dma_wait3A_280 = tpu.memref_slice %arg19[%rem3A_139, %dma_wait3A_279] : memref<2x16384xf32, #tpu.memory_space<vmem_shared>> -> memref<1x16384xf32, #tpu.memory_space<vmem_shared>>
            %dma_wait3A_281 = tpu.memref_squeeze %dma_wait3A_280 : memref<1x16384xf32, #tpu.memory_space<vmem_shared>> -> memref<16384xf32, #tpu.memory_space<vmem_shared>>
            %dma_wait3A_282 = arith.constant 0 : i32
            %dma_wait3A_283 = tpu.memref_slice %arg19[%rem3A_139, %dma_wait3A_282] : memref<2x16384xf32, #tpu.memory_space<vmem_shared>> -> memref<1x16384xf32, #tpu.memory_space<vmem_shared>>
            %dma_wait3A_284 = tpu.memref_squeeze %dma_wait3A_283 : memref<1x16384xf32, #tpu.memory_space<vmem_shared>> -> memref<16384xf32, #tpu.memory_space<vmem_shared>>
            tpu.wait_dma2 semaphore(%run_scoped3A_272 : memref<!tpu.dma_semaphore, #tpu.memory_space<semaphore_mem>>) src(%dma_wait3A_284 : memref<16384xf32, #tpu.memory_space<vmem_shared>>) dst(%arg13 : memref<16384xf32, #tpu.memory_space<vmem>>)
            tpu.yield
          }) : () -> ()
          %scan3A_259 = arith.constant 0 : i32
          %scan3A_260 = arith.constant 64 : i32
          %scan3A_261 = arith.addi %scan3A_259, %scan3A_260 : i32
          %scan3A_262 = arith.constant 1 : i32
          %scan3A_263 = scf.for %scan3A_272 = %scan3A_259 to %scan3A_261 step %scan3A_262 iter_args(%scan3A_273 = %broadcast_in_dim3A_82) -> (vector<16xi1>)  : i32 {
            %mul3A_274 = arith.constant 64 : i32
            %mul3A_275 = arith.muli %arg1, %mul3A_274 : i32
            %add3A_276 = arith.addi %mul3A_275, %scan3A_272 : i32
            %mul3A_277 = arith.constant 2624 : i32
            %mul3A_278 = arith.muli %add3A_276, %mul3A_277 : i32
            "tpu.region"() ({
              %run_scoped3A_322 = tpu.sem_alloc : memref<!tpu.dma_semaphore, #tpu.memory_space<semaphore_mem>>
              %dma_start3A_323 = tpu.memref_slice %arg4[%mul3A_278] : memref<2686976xi32, #tpu.memory_space<hbm>> -> memref<2624xi32, #tpu.memory_space<hbm>>
              %dma_start3A_324 = tpu.memref_slice %arg4[%mul3A_278] : memref<2686976xi32, #tpu.memory_space<hbm>> -> memref<2624xi32, #tpu.memory_space<hbm>>
              tpu.enqueue_dma source(%dma_start3A_324 : memref<2624xi32, #tpu.memory_space<hbm>>) target(%arg14 : memref<2624xi32, #tpu.memory_space<vmem>>) target_semaphore(%run_scoped3A_322 : memref<!tpu.dma_semaphore, #tpu.memory_space<semaphore_mem>>)
              %dma_wait3A_325 = tpu.memref_slice %arg4[%mul3A_278] : memref<2686976xi32, #tpu.memory_space<hbm>> -> memref<2624xi32, #tpu.memory_space<hbm>>
              %dma_wait3A_326 = tpu.memref_slice %arg4[%mul3A_278] : memref<2686976xi32, #tpu.memory_space<hbm>> -> memref<2624xi32, #tpu.memory_space<hbm>>
              tpu.wait_dma2 semaphore(%run_scoped3A_322 : memref<!tpu.dma_semaphore, #tpu.memory_space<semaphore_mem>>) src(%dma_wait3A_326 : memref<2624xi32, #tpu.memory_space<hbm>>) dst(%arg14 : memref<2624xi32, #tpu.memory_space<vmem>>)
              tpu.yield
            }) : () -> ()
            "tpu.region"() ({
              %run_scoped3A_322 = tpu.sem_alloc : memref<!tpu.dma_semaphore, #tpu.memory_space<semaphore_mem>>
              %dma_start3A_323 = tpu.memref_slice %arg5[%mul3A_278] : memref<2686976xf32, #tpu.memory_space<hbm>> -> memref<2624xf32, #tpu.memory_space<hbm>>
              %dma_start3A_324 = tpu.memref_slice %arg5[%mul3A_278] : memref<2686976xf32, #tpu.memory_space<hbm>> -> memref<2624xf32, #tpu.memory_space<hbm>>
              tpu.enqueue_dma source(%dma_start3A_324 : memref<2624xf32, #tpu.memory_space<hbm>>) target(%arg15 : memref<2624xf32, #tpu.memory_space<vmem>>) target_semaphore(%run_scoped3A_322 : memref<!tpu.dma_semaphore, #tpu.memory_space<semaphore_mem>>)
              %dma_wait3A_325 = tpu.memref_slice %arg5[%mul3A_278] : memref<2686976xf32, #tpu.memory_space<hbm>> -> memref<2624xf32, #tpu.memory_space<hbm>>
              %dma_wait3A_326 = tpu.memref_slice %arg5[%mul3A_278] : memref<2686976xf32, #tpu.memory_space<hbm>> -> memref<2624xf32, #tpu.memory_space<hbm>>
              tpu.wait_dma2 semaphore(%run_scoped3A_322 : memref<!tpu.dma_semaphore, #tpu.memory_space<semaphore_mem>>) src(%dma_wait3A_326 : memref<2624xf32, #tpu.memory_space<hbm>>) dst(%arg15 : memref<2624xf32, #tpu.memory_space<vmem>>)
              tpu.yield
            }) : () -> ()
            %scan3A_279 = arith.constant 0 : i32
            %scan3A_280 = arith.constant 164 : i32
            %scan3A_281 = arith.addi %scan3A_279, %scan3A_280 : i32
            %scan3A_282 = arith.constant 4 : i32
            %scan3A_283 = scf.for %scan3A_322 = %scan3A_279 to %scan3A_281 step %scan3A_282 iter_args(%scan3A_323 = %broadcast_in_dim3A_0) -> (vector<16xf32>)  : i32 {
              %add3A_324 = vector.broadcast %scan3A_322 : i32 to vector<16xi32>
              %add3A_325 = arith.addi %mul3A_2, %add3A_324 : vector<16xi32>
              %gather3A = tpu.vector_load_idx %arg14[%add3A_325] : memref<2624xi32, #tpu.memory_space<vmem>>[vector<16xi32>], vector<16xi32>,
              %gather3A_326 = tpu.vector_load_idx %arg15[%add3A_325] : memref<2624xf32, #tpu.memory_space<vmem>>[vector<16xi32>], vector<16xf32>,
              %gather3A_327 = tpu.vector_load_idx %arg13[%gather3A] : memref<16384xf32, #tpu.memory_space<vmem>>[vector<16xi32>], vector<16xf32>,
              %mul3A_328 = arith.mulf %gather3A_326, %gather3A_327 : vector<16xf32>
              %add3A_329 = arith.addf %scan3A_323, %mul3A_328 : vector<16xf32>
              %scan3A_330 = arith.constant 1 : i32
              %scan3A_331 = arith.addi %scan3A_322, %scan3A_330 : i32
              %add3A_332 = vector.broadcast %scan3A_331 : i32 to vector<16xi32>
              %add3A_333 = arith.addi %mul3A_2, %add3A_332 : vector<16xi32>
              %gather3A_334 = tpu.vector_load_idx %arg14[%add3A_333] : memref<2624xi32, #tpu.memory_space<vmem>>[vector<16xi32>], vector<16xi32>,
              %gather3A_335 = tpu.vector_load_idx %arg15[%add3A_333] : memref<2624xf32, #tpu.memory_space<vmem>>[vector<16xi32>], vector<16xf32>,
              %gather3A_336 = tpu.vector_load_idx %arg13[%gather3A_334] : memref<16384xf32, #tpu.memory_space<vmem>>[vector<16xi32>], vector<16xf32>,
              %mul3A_337 = arith.mulf %gather3A_335, %gather3A_336 : vector<16xf32>
              %add3A_338 = arith.addf %add3A_329, %mul3A_337 : vector<16xf32>
              %scan3A_339 = arith.constant 2 : i32
              %scan3A_340 = arith.addi %scan3A_322, %scan3A_339 : i32
              %add3A_341 = vector.broadcast %scan3A_340 : i32 to vector<16xi32>
              %add3A_342 = arith.addi %mul3A_2, %add3A_341 : vector<16xi32>
              %gather3A_343 = tpu.vector_load_idx %arg14[%add3A_342] : memref<2624xi32, #tpu.memory_space<vmem>>[vector<16xi32>], vector<16xi32>,
              %gather3A_344 = tpu.vector_load_idx %arg15[%add3A_342] : memref<2624xf32, #tpu.memory_space<vmem>>[vector<16xi32>], vector<16xf32>,
              %gather3A_345 = tpu.vector_load_idx %arg13[%gather3A_343] : memref<16384xf32, #tpu.memory_space<vmem>>[vector<16xi32>], vector<16xf32>,
              %mul3A_346 = arith.mulf %gather3A_344, %gather3A_345 : vector<16xf32>
              %add3A_347 = arith.addf %add3A_338, %mul3A_346 : vector<16xf32>
              %scan3A_348 = arith.constant 3 : i32
              %scan3A_349 = arith.addi %scan3A_322, %scan3A_348 : i32
              %add3A_350 = vector.broadcast %scan3A_349 : i32 to vector<16xi32>
              %add3A_351 = arith.addi %mul3A_2, %add3A_350 : vector<16xi32>
              %gather3A_352 = tpu.vector_load_idx %arg14[%add3A_351] : memref<2624xi32, #tpu.memory_space<vmem>>[vector<16xi32>], vector<16xi32>,
              %gather3A_353 = tpu.vector_load_idx %arg15[%add3A_351] : memref<2624xf32, #tpu.memory_space<vmem>>[vector<16xi32>], vector<16xf32>,
              %gather3A_354 = tpu.vector_load_idx %arg13[%gather3A_352] : memref<16384xf32, #tpu.memory_space<vmem>>[vector<16xi32>], vector<16xf32>,
              %mul3A_355 = arith.mulf %gather3A_353, %gather3A_354 : vector<16xf32>
              %add3A_356 = arith.addf %add3A_347, %mul3A_355 : vector<16xf32>
              scf.yield %add3A_356 : vector<16xf32>
            }
            %scan3A_284 = arith.constant 164 : i32
            %mul3A_285 = arith.constant 16 : i32
            %mul3A_286 = arith.muli %scan3A_272, %mul3A_285 : i32
            %get3A_287 = arith.index_cast %mul3A_286 : i32 to index
            %get3A_288 = tpu.vector_load %arg8[%get3A_287] {strides = array<i32>} : memref<1024xf32, #tpu.memory_space<vmem>>, vector<16xf32>,
            %get3A_289 = arith.index_cast %while3A_127 : i32 to index
            %get3A_290 = arith.index_cast %mul3A_286 : i32 to index
            %get3A_291 = tpu.vector_load %arg7[%get3A_289, %get3A_290] {strides = array<i32>} : memref<32x1024xf32, #tpu.memory_space<vmem>>, vector<16xf32>,
            %get3A_292 = arith.index_cast %mul3A_286 : i32 to index
            %get3A_293 = tpu.vector_load %arg9[%get3A_292] {strides = array<i32>} : memref<1024xf32, #tpu.memory_space<vmem>>, vector<16xf32>,
            %get3A_294 = arith.index_cast %mul3A_286 : i32 to index
            %get3A_295 = tpu.vector_load %arg10[%get3A_294] {strides = array<i32>} : memref<1024xf32, #tpu.memory_space<vmem>>, vector<16xf32>,
            %mul3A_296 = arith.mulf %get3A_293, %get3A_288 : vector<16xf32>
            %add3A_297 = arith.addf %mul3A_296, %scan3A_283 : vector<16xf32>
            %mul3A_298 = arith.constant 0.699999988 : f32
            %mul3A_299 = vector.broadcast %mul3A_298 : f32 to vector<16xf32>
            %mul3A_300 = arith.mulf %mul3A_299, %get3A_291 : vector<16xf32>
            %add3A_301 = arith.addf %add3A_297, %mul3A_300 : vector<16xf32>
            %ge3A = arith.constant 2.000000e+01 : f32
            %ge3A_302 = vector.broadcast %ge3A : f32 to vector<16xf32>
            %ge3A_303 = arith.cmpf oge, %add3A_301, %ge3A_302 : vector<16xf32>
            %le3A = arith.constant 0.000000e+00 : f32
            %le3A_304 = vector.broadcast %le3A : f32 to vector<16xf32>
            %le3A_305 = arith.cmpf ole, %get3A_295, %le3A_304 : vector<16xf32>
            %and3A_306 = arith.andi %ge3A_303, %le3A_305 : vector<16xi1>
            %jit3A_307 = arith.constant 0.000000e+00 : f32
            %broadcast_in_dim3A_308 = vector.broadcast %jit3A_307 : f32 to vector<16xf32>
            %select_n3A_309 = arith.select %and3A_306, %broadcast_in_dim3A_308, %add3A_301 : vector<16xi1>, vector<16xf32>
            %swap3A_310 = arith.index_cast %mul3A_286 : i32 to index
            %swap3A_311 = tpu.vector_load %arg9[%swap3A_310] {strides = array<i32>} : memref<1024xf32, #tpu.memory_space<vmem>>, vector<16xf32>,
            tpu.vector_store %arg9[%swap3A_310], %select_n3A_309 {strides = array<i32>} : memref<1024xf32, #tpu.memory_space<vmem>>, vector<16xf32>,
            %sub3A_312 = arith.constant 1.000000e+00 : f32
            %sub3A_313 = vector.broadcast %sub3A_312 : f32 to vector<16xf32>
            %sub3A_314 = arith.subf %get3A_295, %sub3A_313 : vector<16xf32>
            %max3A = arith.constant 0.000000e+00 : f32
            %max3A_315 = vector.broadcast %max3A : f32 to vector<16xf32>
            %max3A_316 = arith.maximumf %sub3A_314, %max3A_315 : vector<16xf32>
            %jit3A_317 = arith.constant 2.000000e+01 : f32
            %broadcast_in_dim3A_318 = vector.broadcast %jit3A_317 : f32 to vector<16xf32>
            %select_n3A_319 = arith.select %and3A_306, %broadcast_in_dim3A_318, %max3A_316 : vector<16xi1>, vector<16xf32>
            %swap3A_320 = arith.index_cast %mul3A_286 : i32 to index
            %swap3A_321 = tpu.vector_load %arg10[%swap3A_320] {strides = array<i32>} : memref<1024xf32, #tpu.memory_space<vmem>>, vector<16xf32>,
            tpu.vector_store %arg10[%swap3A_320], %select_n3A_319 {strides = array<i32>} : memref<1024xf32, #tpu.memory_space<vmem>>, vector<16xf32>,
            %or3A = arith.ori %scan3A_273, %and3A_306 : vector<16xi1>
            scf.yield %or3A : vector<16xi1>
          }
          %scan3A_264 = arith.constant 64 : i32
          %jit3A_265 = arith.constant 1.000000e+00 : f32
          %jit3A_266 = arith.constant 0.000000e+00 : f32
          %broadcast_in_dim3A_267 = vector.broadcast %jit3A_265 : f32 to vector<16xf32>
          %broadcast_in_dim3A_268 = vector.broadcast %jit3A_266 : f32 to vector<16xf32>
          %select_n3A_269 = arith.select %scan3A_263, %broadcast_in_dim3A_267, %broadcast_in_dim3A_268 : vector<16xi1>, vector<16xf32>
          %swap3A_270 = arith.constant 0 : index
          %swap3A_271 = tpu.vector_load %arg16[%swap3A_270] {strides = array<i32>} : memref<16xf32, #tpu.memory_space<vmem>>, vector<16xf32>,
          tpu.vector_store %arg16[%swap3A_270], %select_n3A_269 {strides = array<i32>} : memref<16xf32, #tpu.memory_space<vmem>>, vector<16xf32>,
        } else {
        }
        %not3A = arith.constant true
        %not3A_145 = arith.xori %gt3A_137, %not3A : i1
        %convert_element_type3A_146 = arith.extui %not3A_145 : i1 to i32
        %cond3A_147 = arith.constant 0 : i32
        %cond3A_148 = arith.cmpi ne, %convert_element_type3A_146, %cond3A_147 : i32
        scf.if %cond3A_148 {
          %scan3A_259 = arith.constant 0 : i32
          %scan3A_260 = arith.constant 64 : i32
          %scan3A_261 = arith.addi %scan3A_259, %scan3A_260 : i32
          %scan3A_262 = arith.constant 4 : i32
          %scan3A_263 = scf.for %scan3A_272 = %scan3A_259 to %scan3A_261 step %scan3A_262 iter_args(%scan3A_273 = %broadcast_in_dim3A_82) -> (vector<16xi1>)  : i32 {
            %mul3A_274 = arith.constant 16 : i32
            %mul3A_275 = arith.muli %scan3A_272, %mul3A_274 : i32
            %get3A_276 = arith.index_cast %mul3A_275 : i32 to index
            %get3A_277 = tpu.vector_load %arg8[%get3A_276] {strides = array<i32>} : memref<1024xf32, #tpu.memory_space<vmem>>, vector<16xf32>,
            %get3A_278 = arith.index_cast %while3A_127 : i32 to index
            %get3A_279 = arith.index_cast %mul3A_275 : i32 to index
            %get3A_280 = tpu.vector_load %arg7[%get3A_278, %get3A_279] {strides = array<i32>} : memref<32x1024xf32, #tpu.memory_space<vmem>>, vector<16xf32>,
            %get3A_281 = arith.index_cast %mul3A_275 : i32 to index
            %get3A_282 = tpu.vector_load %arg9[%get3A_281] {strides = array<i32>} : memref<1024xf32, #tpu.memory_space<vmem>>, vector<16xf32>,
            %get3A_283 = arith.index_cast %mul3A_275 : i32 to index
            %get3A_284 = tpu.vector_load %arg10[%get3A_283] {strides = array<i32>} : memref<1024xf32, #tpu.memory_space<vmem>>, vector<16xf32>,
            %mul3A_285 = arith.mulf %get3A_282, %get3A_277 : vector<16xf32>
            %add3A_286 = arith.addf %mul3A_285, %broadcast_in_dim3A_0 : vector<16xf32>
            %mul3A_287 = arith.constant 0.699999988 : f32
            %mul3A_288 = vector.broadcast %mul3A_287 : f32 to vector<16xf32>
            %mul3A_289 = arith.mulf %mul3A_288, %get3A_280 : vector<16xf32>
            %add3A_290 = arith.addf %add3A_286, %mul3A_289 : vector<16xf32>
            %ge3A = arith.constant 2.000000e+01 : f32
            %ge3A_291 = vector.broadcast %ge3A : f32 to vector<16xf32>
            %ge3A_292 = arith.cmpf oge, %add3A_290, %ge3A_291 : vector<16xf32>
            %le3A = arith.constant 0.000000e+00 : f32
            %le3A_293 = vector.broadcast %le3A : f32 to vector<16xf32>
            %le3A_294 = arith.cmpf ole, %get3A_284, %le3A_293 : vector<16xf32>
            %and3A_295 = arith.andi %ge3A_292, %le3A_294 : vector<16xi1>
            %jit3A_296 = arith.constant 0.000000e+00 : f32
            %broadcast_in_dim3A_297 = vector.broadcast %jit3A_296 : f32 to vector<16xf32>
            %select_n3A_298 = arith.select %and3A_295, %broadcast_in_dim3A_297, %add3A_290 : vector<16xi1>, vector<16xf32>
            %swap3A_299 = arith.index_cast %mul3A_275 : i32 to index
            %swap3A_300 = tpu.vector_load %arg9[%swap3A_299] {strides = array<i32>} : memref<1024xf32, #tpu.memory_space<vmem>>, vector<16xf32>,
            tpu.vector_store %arg9[%swap3A_299], %select_n3A_298 {strides = array<i32>} : memref<1024xf32, #tpu.memory_space<vmem>>, vector<16xf32>,
            %sub3A_301 = arith.constant 1.000000e+00 : f32
            %sub3A_302 = vector.broadcast %sub3A_301 : f32 to vector<16xf32>
            %sub3A_303 = arith.subf %get3A_284, %sub3A_302 : vector<16xf32>
            %max3A = arith.constant 0.000000e+00 : f32
            %max3A_304 = vector.broadcast %max3A : f32 to vector<16xf32>
            %max3A_305 = arith.maximumf %sub3A_303, %max3A_304 : vector<16xf32>
            %jit3A_306 = arith.constant 2.000000e+01 : f32
            %broadcast_in_dim3A_307 = vector.broadcast %jit3A_306 : f32 to vector<16xf32>
            %select_n3A_308 = arith.select %and3A_295, %broadcast_in_dim3A_307, %max3A_305 : vector<16xi1>, vector<16xf32>
            %swap3A_309 = arith.index_cast %mul3A_275 : i32 to index
            %swap3A_310 = tpu.vector_load %arg10[%swap3A_309] {strides = array<i32>} : memref<1024xf32, #tpu.memory_space<vmem>>, vector<16xf32>,
            tpu.vector_store %arg10[%swap3A_309], %select_n3A_308 {strides = array<i32>} : memref<1024xf32, #tpu.memory_space<vmem>>, vector<16xf32>,
            %or3A = arith.ori %scan3A_273, %and3A_295 : vector<16xi1>
            %scan3A_311 = arith.constant 1 : i32
            %scan3A_312 = arith.addi %scan3A_272, %scan3A_311 : i32
            %mul3A_313 = arith.constant 16 : i32
            %mul3A_314 = arith.muli %scan3A_312, %mul3A_313 : i32
            %get3A_315 = arith.index_cast %mul3A_314 : i32 to index
            %get3A_316 = tpu.vector_load %arg8[%get3A_315] {strides = array<i32>} : memref<1024xf32, #tpu.memory_space<vmem>>, vector<16xf32>,
            %get3A_317 = arith.index_cast %while3A_127 : i32 to index
            %get3A_318 = arith.index_cast %mul3A_314 : i32 to index
            %get3A_319 = tpu.vector_load %arg7[%get3A_317, %get3A_318] {strides = array<i32>} : memref<32x1024xf32, #tpu.memory_space<vmem>>, vector<16xf32>,
            %get3A_320 = arith.index_cast %mul3A_314 : i32 to index
            %get3A_321 = tpu.vector_load %arg9[%get3A_320] {strides = array<i32>} : memref<1024xf32, #tpu.memory_space<vmem>>, vector<16xf32>,
            %get3A_322 = arith.index_cast %mul3A_314 : i32 to index
            %get3A_323 = tpu.vector_load %arg10[%get3A_322] {strides = array<i32>} : memref<1024xf32, #tpu.memory_space<vmem>>, vector<16xf32>,
            %mul3A_324 = arith.mulf %get3A_321, %get3A_316 : vector<16xf32>
            %add3A_325 = arith.addf %mul3A_324, %broadcast_in_dim3A_0 : vector<16xf32>
            %mul3A_326 = arith.constant 0.699999988 : f32
            %mul3A_327 = vector.broadcast %mul3A_326 : f32 to vector<16xf32>
            %mul3A_328 = arith.mulf %mul3A_327, %get3A_319 : vector<16xf32>
            %add3A_329 = arith.addf %add3A_325, %mul3A_328 : vector<16xf32>
            %ge3A_330 = arith.constant 2.000000e+01 : f32
            %ge3A_331 = vector.broadcast %ge3A_330 : f32 to vector<16xf32>
            %ge3A_332 = arith.cmpf oge, %add3A_329, %ge3A_331 : vector<16xf32>
            %le3A_333 = arith.constant 0.000000e+00 : f32
            %le3A_334 = vector.broadcast %le3A_333 : f32 to vector<16xf32>
            %le3A_335 = arith.cmpf ole, %get3A_323, %le3A_334 : vector<16xf32>
            %and3A_336 = arith.andi %ge3A_332, %le3A_335 : vector<16xi1>
            %jit3A_337 = arith.constant 0.000000e+00 : f32
            %broadcast_in_dim3A_338 = vector.broadcast %jit3A_337 : f32 to vector<16xf32>
            %select_n3A_339 = arith.select %and3A_336, %broadcast_in_dim3A_338, %add3A_329 : vector<16xi1>, vector<16xf32>
            %swap3A_340 = arith.index_cast %mul3A_314 : i32 to index
            %swap3A_341 = tpu.vector_load %arg9[%swap3A_340] {strides = array<i32>} : memref<1024xf32, #tpu.memory_space<vmem>>, vector<16xf32>,
            tpu.vector_store %arg9[%swap3A_340], %select_n3A_339 {strides = array<i32>} : memref<1024xf32, #tpu.memory_space<vmem>>, vector<16xf32>,
            %sub3A_342 = arith.constant 1.000000e+00 : f32
            %sub3A_343 = vector.broadcast %sub3A_342 : f32 to vector<16xf32>
            %sub3A_344 = arith.subf %get3A_323, %sub3A_343 : vector<16xf32>
            %max3A_345 = arith.constant 0.000000e+00 : f32
            %max3A_346 = vector.broadcast %max3A_345 : f32 to vector<16xf32>
            %max3A_347 = arith.maximumf %sub3A_344, %max3A_346 : vector<16xf32>
            %jit3A_348 = arith.constant 2.000000e+01 : f32
            %broadcast_in_dim3A_349 = vector.broadcast %jit3A_348 : f32 to vector<16xf32>
            %select_n3A_350 = arith.select %and3A_336, %broadcast_in_dim3A_349, %max3A_347 : vector<16xi1>, vector<16xf32>
            %swap3A_351 = arith.index_cast %mul3A_314 : i32 to index
            %swap3A_352 = tpu.vector_load %arg10[%swap3A_351] {strides = array<i32>} : memref<1024xf32, #tpu.memory_space<vmem>>, vector<16xf32>,
            tpu.vector_store %arg10[%swap3A_351], %select_n3A_350 {strides = array<i32>} : memref<1024xf32, #tpu.memory_space<vmem>>, vector<16xf32>,
            %or3A_353 = arith.ori %or3A, %and3A_336 : vector<16xi1>
            %scan3A_354 = arith.constant 2 : i32
            %scan3A_355 = arith.addi %scan3A_272, %scan3A_354 : i32
            %mul3A_356 = arith.constant 16 : i32
            %mul3A_357 = arith.muli %scan3A_355, %mul3A_356 : i32
            %get3A_358 = arith.index_cast %mul3A_357 : i32 to index
            %get3A_359 = tpu.vector_load %arg8[%get3A_358] {strides = array<i32>} : memref<1024xf32, #tpu.memory_space<vmem>>, vector<16xf32>,
            %get3A_360 = arith.index_cast %while3A_127 : i32 to index
            %get3A_361 = arith.index_cast %mul3A_357 : i32 to index
            %get3A_362 = tpu.vector_load %arg7[%get3A_360, %get3A_361] {strides = array<i32>} : memref<32x1024xf32, #tpu.memory_space<vmem>>, vector<16xf32>,
            %get3A_363 = arith.index_cast %mul3A_357 : i32 to index
            %get3A_364 = tpu.vector_load %arg9[%get3A_363] {strides = array<i32>} : memref<1024xf32, #tpu.memory_space<vmem>>, vector<16xf32>,
            %get3A_365 = arith.index_cast %mul3A_357 : i32 to index
            %get3A_366 = tpu.vector_load %arg10[%get3A_365] {strides = array<i32>} : memref<1024xf32, #tpu.memory_space<vmem>>, vector<16xf32>,
            %mul3A_367 = arith.mulf %get3A_364, %get3A_359 : vector<16xf32>
            %add3A_368 = arith.addf %mul3A_367, %broadcast_in_dim3A_0 : vector<16xf32>
            %mul3A_369 = arith.constant 0.699999988 : f32
            %mul3A_370 = vector.broadcast %mul3A_369 : f32 to vector<16xf32>
            %mul3A_371 = arith.mulf %mul3A_370, %get3A_362 : vector<16xf32>
            %add3A_372 = arith.addf %add3A_368, %mul3A_371 : vector<16xf32>
            %ge3A_373 = arith.constant 2.000000e+01 : f32
            %ge3A_374 = vector.broadcast %ge3A_373 : f32 to vector<16xf32>
            %ge3A_375 = arith.cmpf oge, %add3A_372, %ge3A_374 : vector<16xf32>
            %le3A_376 = arith.constant 0.000000e+00 : f32
            %le3A_377 = vector.broadcast %le3A_376 : f32 to vector<16xf32>
            %le3A_378 = arith.cmpf ole, %get3A_366, %le3A_377 : vector<16xf32>
            %and3A_379 = arith.andi %ge3A_375, %le3A_378 : vector<16xi1>
            %jit3A_380 = arith.constant 0.000000e+00 : f32
            %broadcast_in_dim3A_381 = vector.broadcast %jit3A_380 : f32 to vector<16xf32>
            %select_n3A_382 = arith.select %and3A_379, %broadcast_in_dim3A_381, %add3A_372 : vector<16xi1>, vector<16xf32>
            %swap3A_383 = arith.index_cast %mul3A_357 : i32 to index
            %swap3A_384 = tpu.vector_load %arg9[%swap3A_383] {strides = array<i32>} : memref<1024xf32, #tpu.memory_space<vmem>>, vector<16xf32>,
            tpu.vector_store %arg9[%swap3A_383], %select_n3A_382 {strides = array<i32>} : memref<1024xf32, #tpu.memory_space<vmem>>, vector<16xf32>,
            %sub3A_385 = arith.constant 1.000000e+00 : f32
            %sub3A_386 = vector.broadcast %sub3A_385 : f32 to vector<16xf32>
            %sub3A_387 = arith.subf %get3A_366, %sub3A_386 : vector<16xf32>
            %max3A_388 = arith.constant 0.000000e+00 : f32
            %max3A_389 = vector.broadcast %max3A_388 : f32 to vector<16xf32>
            %max3A_390 = arith.maximumf %sub3A_387, %max3A_389 : vector<16xf32>
            %jit3A_391 = arith.constant 2.000000e+01 : f32
            %broadcast_in_dim3A_392 = vector.broadcast %jit3A_391 : f32 to vector<16xf32>
            %select_n3A_393 = arith.select %and3A_379, %broadcast_in_dim3A_392, %max3A_390 : vector<16xi1>, vector<16xf32>
            %swap3A_394 = arith.index_cast %mul3A_357 : i32 to index
            %swap3A_395 = tpu.vector_load %arg10[%swap3A_394] {strides = array<i32>} : memref<1024xf32, #tpu.memory_space<vmem>>, vector<16xf32>,
            tpu.vector_store %arg10[%swap3A_394], %select_n3A_393 {strides = array<i32>} : memref<1024xf32, #tpu.memory_space<vmem>>, vector<16xf32>,
            %or3A_396 = arith.ori %or3A_353, %and3A_379 : vector<16xi1>
            %scan3A_397 = arith.constant 3 : i32
            %scan3A_398 = arith.addi %scan3A_272, %scan3A_397 : i32
            %mul3A_399 = arith.constant 16 : i32
            %mul3A_400 = arith.muli %scan3A_398, %mul3A_399 : i32
            %get3A_401 = arith.index_cast %mul3A_400 : i32 to index
            %get3A_402 = tpu.vector_load %arg8[%get3A_401] {strides = array<i32>} : memref<1024xf32, #tpu.memory_space<vmem>>, vector<16xf32>,
            %get3A_403 = arith.index_cast %while3A_127 : i32 to index
            %get3A_404 = arith.index_cast %mul3A_400 : i32 to index
            %get3A_405 = tpu.vector_load %arg7[%get3A_403, %get3A_404] {strides = array<i32>} : memref<32x1024xf32, #tpu.memory_space<vmem>>, vector<16xf32>,
            %get3A_406 = arith.index_cast %mul3A_400 : i32 to index
            %get3A_407 = tpu.vector_load %arg9[%get3A_406] {strides = array<i32>} : memref<1024xf32, #tpu.memory_space<vmem>>, vector<16xf32>,
            %get3A_408 = arith.index_cast %mul3A_400 : i32 to index
            %get3A_409 = tpu.vector_load %arg10[%get3A_408] {strides = array<i32>} : memref<1024xf32, #tpu.memory_space<vmem>>, vector<16xf32>,
            %mul3A_410 = arith.mulf %get3A_407, %get3A_402 : vector<16xf32>
            %add3A_411 = arith.addf %mul3A_410, %broadcast_in_dim3A_0 : vector<16xf32>
            %mul3A_412 = arith.constant 0.699999988 : f32
            %mul3A_413 = vector.broadcast %mul3A_412 : f32 to vector<16xf32>
            %mul3A_414 = arith.mulf %mul3A_413, %get3A_405 : vector<16xf32>
            %add3A_415 = arith.addf %add3A_411, %mul3A_414 : vector<16xf32>
            %ge3A_416 = arith.constant 2.000000e+01 : f32
            %ge3A_417 = vector.broadcast %ge3A_416 : f32 to vector<16xf32>
            %ge3A_418 = arith.cmpf oge, %add3A_415, %ge3A_417 : vector<16xf32>
            %le3A_419 = arith.constant 0.000000e+00 : f32
            %le3A_420 = vector.broadcast %le3A_419 : f32 to vector<16xf32>
            %le3A_421 = arith.cmpf ole, %get3A_409, %le3A_420 : vector<16xf32>
            %and3A_422 = arith.andi %ge3A_418, %le3A_421 : vector<16xi1>
            %jit3A_423 = arith.constant 0.000000e+00 : f32
            %broadcast_in_dim3A_424 = vector.broadcast %jit3A_423 : f32 to vector<16xf32>
            %select_n3A_425 = arith.select %and3A_422, %broadcast_in_dim3A_424, %add3A_415 : vector<16xi1>, vector<16xf32>
            %swap3A_426 = arith.index_cast %mul3A_400 : i32 to index
            %swap3A_427 = tpu.vector_load %arg9[%swap3A_426] {strides = array<i32>} : memref<1024xf32, #tpu.memory_space<vmem>>, vector<16xf32>,
            tpu.vector_store %arg9[%swap3A_426], %select_n3A_425 {strides = array<i32>} : memref<1024xf32, #tpu.memory_space<vmem>>, vector<16xf32>,
            %sub3A_428 = arith.constant 1.000000e+00 : f32
            %sub3A_429 = vector.broadcast %sub3A_428 : f32 to vector<16xf32>
            %sub3A_430 = arith.subf %get3A_409, %sub3A_429 : vector<16xf32>
            %max3A_431 = arith.constant 0.000000e+00 : f32
            %max3A_432 = vector.broadcast %max3A_431 : f32 to vector<16xf32>
            %max3A_433 = arith.maximumf %sub3A_430, %max3A_432 : vector<16xf32>
            %jit3A_434 = arith.constant 2.000000e+01 : f32
            %broadcast_in_dim3A_435 = vector.broadcast %jit3A_434 : f32 to vector<16xf32>
            %select_n3A_436 = arith.select %and3A_422, %broadcast_in_dim3A_435, %max3A_433 : vector<16xi1>, vector<16xf32>
            %swap3A_437 = arith.index_cast %mul3A_400 : i32 to index
            %swap3A_438 = tpu.vector_load %arg10[%swap3A_437] {strides = array<i32>} : memref<1024xf32, #tpu.memory_space<vmem>>, vector<16xf32>,
            tpu.vector_store %arg10[%swap3A_437], %select_n3A_436 {strides = array<i32>} : memref<1024xf32, #tpu.memory_space<vmem>>, vector<16xf32>,
            %or3A_439 = arith.ori %or3A_396, %and3A_422 : vector<16xi1>
            scf.yield %or3A_439 : vector<16xi1>
          }
          %scan3A_264 = arith.constant 64 : i32
          %jit3A_265 = arith.constant 1.000000e+00 : f32
          %jit3A_266 = arith.constant 0.000000e+00 : f32
          %broadcast_in_dim3A_267 = vector.broadcast %jit3A_265 : f32 to vector<16xf32>
          %broadcast_in_dim3A_268 = vector.broadcast %jit3A_266 : f32 to vector<16xf32>
          %select_n3A_269 = arith.select %scan3A_263, %broadcast_in_dim3A_267, %broadcast_in_dim3A_268 : vector<16xi1>, vector<16xf32>
          %swap3A_270 = arith.constant 0 : index
          %swap3A_271 = tpu.vector_load %arg16[%swap3A_270] {strides = array<i32>} : memref<16xf32, #tpu.memory_space<vmem>>, vector<16xf32>,
          tpu.vector_store %arg16[%swap3A_270], %select_n3A_269 {strides = array<i32>} : memref<16xf32, #tpu.memory_space<vmem>>, vector<16xf32>,
        } else {
        }
        %get3A_149 = arith.constant 0 : index
        %get3A_150 = tpu.vector_load %arg16[%get3A_149] {strides = array<i32>} : memref<16xf32, #tpu.memory_space<vmem>>, vector<16xf32>,
        %gt3A_151 = arith.constant 0.000000e+00 : f32
        %gt3A_152 = vector.broadcast %gt3A_151 : f32 to vector<16xf32>
        %gt3A_153 = arith.cmpf ogt, %get3A_150, %gt3A_152 : vector<16xf32>
        %all_reduce_population_count3A_154 = tpu.all_reduce %gt3A_153 {dim = 0 : i64, kind = #tpu.reduction_kind<sum>} : vector<16xi1> -> vector<16xi32>
        %slice3A_155 = vector.extract_strided_slice %all_reduce_population_count3A_154 {offsets = [0], sizes = [1], strides = [1]} : vector<16xi32> to vector<1xi32>
        %squeeze3A_156 = vector.extract %slice3A_155[0] : i32 from vector<1xi32>
        %gt3A_157 = arith.constant 0 : i32
        %gt3A_158 = arith.cmpi sgt, %squeeze3A_156, %gt3A_157 : i32
        %eq3A_159 = arith.constant 0 : i32
        %eq3A_160 = arith.cmpi eq, %rem3A_141, %eq3A_159 : i32
        %jit3A = arith.constant 2 : i32
        %eq3A_161 = arith.constant 0 : i32
        %eq3A_162 = arith.cmpi eq, %jit3A, %eq3A_161 : i32
        %jit3A_163 = arith.constant 1 : i32
        %select_n3A = arith.select %eq3A_162, %jit3A_163, %jit3A : i32
        %rem3A_164 = arith.remsi %while3A_128, %select_n3A : i32
        %ne3A = arith.constant 0 : i32
        %ne3A_165 = arith.cmpi ne, %rem3A_164, %ne3A : i32
        %lt3A_166 = arith.constant 0 : i32
        %lt3A_167 = arith.cmpi slt, %rem3A_164, %lt3A_166 : i32
        %lt3A_168 = arith.constant 0 : i32
        %lt3A_169 = arith.cmpi slt, %select_n3A, %lt3A_168 : i32
        %ne3A_170 = arith.xori %lt3A_167, %lt3A_169 : i1
        %and3A = arith.andi %ne3A_170, %ne3A_165 : i1
        %add3A_171 = arith.addi %rem3A_164, %select_n3A : i32
        %select_n3A_172 = arith.select %and3A, %add3A_171, %rem3A_164 : i32
        %jit3A_173 = arith.constant 2 : i32
        %div3A = arith.divsi %while3A_128, %jit3A_173 : i32
        %sign3A = arith.constant 0 : i32
        %sign3A_174 = arith.cmpi sgt, %while3A_128, %sign3A : i32
        %sign3A_175 = arith.extui %sign3A_174 : i1 to i32
        %sign3A_176 = arith.constant 0 : i32
        %sign3A_177 = arith.cmpi slt, %while3A_128, %sign3A_176 : i32
        %sign3A_178 = arith.extui %sign3A_177 : i1 to i32
        %sign3A_179 = arith.subi %sign3A_175, %sign3A_178 : i32
        %sign3A_180 = arith.constant 0 : i32
        %sign3A_181 = arith.cmpi sgt, %jit3A_173, %sign3A_180 : i32
        %sign3A_182 = arith.extui %sign3A_181 : i1 to i32
        %sign3A_183 = arith.constant 0 : i32
        %sign3A_184 = arith.cmpi slt, %jit3A_173, %sign3A_183 : i32
        %sign3A_185 = arith.extui %sign3A_184 : i1 to i32
        %sign3A_186 = arith.subi %sign3A_182, %sign3A_185 : i32
        %ne3A_187 = arith.cmpi ne, %sign3A_179, %sign3A_186 : i32
        %rem3A_188 = arith.remsi %while3A_128, %jit3A_173 : i32
        %ne3A_189 = arith.constant 0 : i32
        %ne3A_190 = arith.cmpi ne, %rem3A_188, %ne3A_189 : i32
        %and3A_191 = arith.andi %ne3A_187, %ne3A_190 : i1
        %sub3A = arith.constant 1 : i32
        %sub3A_192 = arith.subi %div3A, %sub3A : i32
        %select_n3A_193 = arith.select %and3A_191, %sub3A_192, %div3A : i32
        %select_n3A_194 = arith.select %eq3A_160, %select_n3A_172, %select_n3A_193 : i32
        %convert_element_type3A_195 = arith.extui %gt3A_158 : i1 to i32
        %cond3A_196 = arith.constant 0 : i32
        %cond3A_197 = arith.cmpi ne, %convert_element_type3A_195, %cond3A_196 : i32
        scf.if %cond3A_197 {
          %scan3A_259 = arith.constant 0 : i32
          %scan3A_260 = arith.constant 0 : i32
          %scan3A_261 = arith.constant 64 : i32
          %scan3A_262 = arith.addi %scan3A_260, %scan3A_261 : i32
          %scan3A_263 = arith.constant 4 : i32
          scf.for %scan3A_273 = %scan3A_260 to %scan3A_262 step %scan3A_263  : i32 {
            %mul3A_274 = arith.constant 16 : i32
            %mul3A_275 = arith.muli %scan3A_273, %mul3A_274 : i32
            %get3A_276 = arith.index_cast %mul3A_275 : i32 to index
            %get3A_277 = tpu.vector_load %arg10[%get3A_276] {strides = array<i32>} : memref<1024xf32, #tpu.memory_space<vmem>>, vector<16xf32>,
            %eq3A_278 = arith.constant 2.000000e+01 : f32
            %eq3A_279 = vector.broadcast %eq3A_278 : f32 to vector<16xf32>
            %eq3A_280 = arith.cmpf oeq, %get3A_277, %eq3A_279 : vector<16xf32>
            %jit3A_281 = arith.constant 1.000000e+00 : f32
            %jit3A_282 = arith.constant 0.000000e+00 : f32
            %broadcast_in_dim3A_283 = vector.broadcast %jit3A_281 : f32 to vector<16xf32>
            %broadcast_in_dim3A_284 = vector.broadcast %jit3A_282 : f32 to vector<16xf32>
            %select_n3A_285 = arith.select %eq3A_280, %broadcast_in_dim3A_283, %broadcast_in_dim3A_284 : vector<16xi1>, vector<16xf32>
            %swap3A_286 = arith.index_cast %mul3A_275 : i32 to index
            %swap3A_287 = tpu.vector_load %arg12[%swap3A_286] {strides = array<i32>} : memref<1024xf32, #tpu.memory_space<vmem>>, vector<16xf32>,
            tpu.vector_store %arg12[%swap3A_286], %select_n3A_285 {strides = array<i32>} : memref<1024xf32, #tpu.memory_space<vmem>>, vector<16xf32>,
            %get3A_288 = arith.index_cast %mul3A_275 : i32 to index
            %get3A_289 = tpu.vector_load %arg11[%get3A_288] {strides = array<i32>} : memref<1024xf32, #tpu.memory_space<vmem>>, vector<16xf32>,
            %add3A_290 = arith.addf %get3A_289, %select_n3A_285 : vector<16xf32>
            %swap3A_291 = arith.index_cast %mul3A_275 : i32 to index
            %swap3A_292 = tpu.vector_load %arg11[%swap3A_291] {strides = array<i32>} : memref<1024xf32, #tpu.memory_space<vmem>>, vector<16xf32>,
            tpu.vector_store %arg11[%swap3A_291], %add3A_290 {strides = array<i32>} : memref<1024xf32, #tpu.memory_space<vmem>>, vector<16xf32>,
            %scan3A_293 = arith.constant 1 : i32
            %scan3A_294 = arith.addi %scan3A_273, %scan3A_293 : i32
            %mul3A_295 = arith.constant 16 : i32
            %mul3A_296 = arith.muli %scan3A_294, %mul3A_295 : i32
            %get3A_297 = arith.index_cast %mul3A_296 : i32 to index
            %get3A_298 = tpu.vector_load %arg10[%get3A_297] {strides = array<i32>} : memref<1024xf32, #tpu.memory_space<vmem>>, vector<16xf32>,
            %eq3A_299 = arith.constant 2.000000e+01 : f32
            %eq3A_300 = vector.broadcast %eq3A_299 : f32 to vector<16xf32>
            %eq3A_301 = arith.cmpf oeq, %get3A_298, %eq3A_300 : vector<16xf32>
            %jit3A_302 = arith.constant 1.000000e+00 : f32
            %jit3A_303 = arith.constant 0.000000e+00 : f32
            %broadcast_in_dim3A_304 = vector.broadcast %jit3A_302 : f32 to vector<16xf32>
            %broadcast_in_dim3A_305 = vector.broadcast %jit3A_303 : f32 to vector<16xf32>
            %select_n3A_306 = arith.select %eq3A_301, %broadcast_in_dim3A_304, %broadcast_in_dim3A_305 : vector<16xi1>, vector<16xf32>
            %swap3A_307 = arith.index_cast %mul3A_296 : i32 to index
            %swap3A_308 = tpu.vector_load %arg12[%swap3A_307] {strides = array<i32>} : memref<1024xf32, #tpu.memory_space<vmem>>, vector<16xf32>,
            tpu.vector_store %arg12[%swap3A_307], %select_n3A_306 {strides = array<i32>} : memref<1024xf32, #tpu.memory_space<vmem>>, vector<16xf32>,
            %get3A_309 = arith.index_cast %mul3A_296 : i32 to index
            %get3A_310 = tpu.vector_load %arg11[%get3A_309] {strides = array<i32>} : memref<1024xf32, #tpu.memory_space<vmem>>, vector<16xf32>,
            %add3A_311 = arith.addf %get3A_310, %select_n3A_306 : vector<16xf32>
            %swap3A_312 = arith.index_cast %mul3A_296 : i32 to index
            %swap3A_313 = tpu.vector_load %arg11[%swap3A_312] {strides = array<i32>} : memref<1024xf32, #tpu.memory_space<vmem>>, vector<16xf32>,
            tpu.vector_store %arg11[%swap3A_312], %add3A_311 {strides = array<i32>} : memref<1024xf32, #tpu.memory_space<vmem>>, vector<16xf32>,
            %scan3A_314 = arith.constant 2 : i32
            %scan3A_315 = arith.addi %scan3A_273, %scan3A_314 : i32
            %mul3A_316 = arith.constant 16 : i32
            %mul3A_317 = arith.muli %scan3A_315, %mul3A_316 : i32
            %get3A_318 = arith.index_cast %mul3A_317 : i32 to index
            %get3A_319 = tpu.vector_load %arg10[%get3A_318] {strides = array<i32>} : memref<1024xf32, #tpu.memory_space<vmem>>, vector<16xf32>,
            %eq3A_320 = arith.constant 2.000000e+01 : f32
            %eq3A_321 = vector.broadcast %eq3A_320 : f32 to vector<16xf32>
            %eq3A_322 = arith.cmpf oeq, %get3A_319, %eq3A_321 : vector<16xf32>
            %jit3A_323 = arith.constant 1.000000e+00 : f32
            %jit3A_324 = arith.constant 0.000000e+00 : f32
            %broadcast_in_dim3A_325 = vector.broadcast %jit3A_323 : f32 to vector<16xf32>
            %broadcast_in_dim3A_326 = vector.broadcast %jit3A_324 : f32 to vector<16xf32>
            %select_n3A_327 = arith.select %eq3A_322, %broadcast_in_dim3A_325, %broadcast_in_dim3A_326 : vector<16xi1>, vector<16xf32>
            %swap3A_328 = arith.index_cast %mul3A_317 : i32 to index
            %swap3A_329 = tpu.vector_load %arg12[%swap3A_328] {strides = array<i32>} : memref<1024xf32, #tpu.memory_space<vmem>>, vector<16xf32>,
            tpu.vector_store %arg12[%swap3A_328], %select_n3A_327 {strides = array<i32>} : memref<1024xf32, #tpu.memory_space<vmem>>, vector<16xf32>,
            %get3A_330 = arith.index_cast %mul3A_317 : i32 to index
            %get3A_331 = tpu.vector_load %arg11[%get3A_330] {strides = array<i32>} : memref<1024xf32, #tpu.memory_space<vmem>>, vector<16xf32>,
            %add3A_332 = arith.addf %get3A_331, %select_n3A_327 : vector<16xf32>
            %swap3A_333 = arith.index_cast %mul3A_317 : i32 to index
            %swap3A_334 = tpu.vector_load %arg11[%swap3A_333] {strides = array<i32>} : memref<1024xf32, #tpu.memory_space<vmem>>, vector<16xf32>,
            tpu.vector_store %arg11[%swap3A_333], %add3A_332 {strides = array<i32>} : memref<1024xf32, #tpu.memory_space<vmem>>, vector<16xf32>,
            %scan3A_335 = arith.constant 3 : i32
            %scan3A_336 = arith.addi %scan3A_273, %scan3A_335 : i32
            %mul3A_337 = arith.constant 16 : i32
            %mul3A_338 = arith.muli %scan3A_336, %mul3A_337 : i32
            %get3A_339 = arith.index_cast %mul3A_338 : i32 to index
            %get3A_340 = tpu.vector_load %arg10[%get3A_339] {strides = array<i32>} : memref<1024xf32, #tpu.memory_space<vmem>>, vector<16xf32>,
            %eq3A_341 = arith.constant 2.000000e+01 : f32
            %eq3A_342 = vector.broadcast %eq3A_341 : f32 to vector<16xf32>
            %eq3A_343 = arith.cmpf oeq, %get3A_340, %eq3A_342 : vector<16xf32>
            %jit3A_344 = arith.constant 1.000000e+00 : f32
            %jit3A_345 = arith.constant 0.000000e+00 : f32
            %broadcast_in_dim3A_346 = vector.broadcast %jit3A_344 : f32 to vector<16xf32>
            %broadcast_in_dim3A_347 = vector.broadcast %jit3A_345 : f32 to vector<16xf32>
            %select_n3A_348 = arith.select %eq3A_343, %broadcast_in_dim3A_346, %broadcast_in_dim3A_347 : vector<16xi1>, vector<16xf32>
            %swap3A_349 = arith.index_cast %mul3A_338 : i32 to index
            %swap3A_350 = tpu.vector_load %arg12[%swap3A_349] {strides = array<i32>} : memref<1024xf32, #tpu.memory_space<vmem>>, vector<16xf32>,
            tpu.vector_store %arg12[%swap3A_349], %select_n3A_348 {strides = array<i32>} : memref<1024xf32, #tpu.memory_space<vmem>>, vector<16xf32>,
            %get3A_351 = arith.index_cast %mul3A_338 : i32 to index
            %get3A_352 = tpu.vector_load %arg11[%get3A_351] {strides = array<i32>} : memref<1024xf32, #tpu.memory_space<vmem>>, vector<16xf32>,
            %add3A_353 = arith.addf %get3A_352, %select_n3A_348 : vector<16xf32>
            %swap3A_354 = arith.index_cast %mul3A_338 : i32 to index
            %swap3A_355 = tpu.vector_load %arg11[%swap3A_354] {strides = array<i32>} : memref<1024xf32, #tpu.memory_space<vmem>>, vector<16xf32>,
            tpu.vector_store %arg11[%swap3A_354], %add3A_353 {strides = array<i32>} : memref<1024xf32, #tpu.memory_space<vmem>>, vector<16xf32>,
          }
          %scan3A_264 = arith.constant 64 : i32
          %mul3A_265 = arith.constant 1024 : i32
          %mul3A_266 = arith.muli %arg1, %mul3A_265 : i32
          "tpu.region"() ({
            %run_scoped3A_273 = tpu.sem_alloc : memref<!tpu.dma_semaphore, #tpu.memory_space<semaphore_mem>>
            %dma_start3A_274 = tpu.memref_slice %arg19[%rem3A_141, %mul3A_266] : memref<2x16384xf32, #tpu.memory_space<vmem_shared>> -> memref<1x1024xf32, #tpu.memory_space<vmem_shared>>
            %dma_start3A_275 = tpu.memref_squeeze %dma_start3A_274 : memref<1x1024xf32, #tpu.memory_space<vmem_shared>> -> memref<1024xf32, #tpu.memory_space<vmem_shared>>
            %dma_start3A_276 = tpu.memref_slice %arg19[%rem3A_141, %mul3A_266] : memref<2x16384xf32, #tpu.memory_space<vmem_shared>> -> memref<1x1024xf32, #tpu.memory_space<vmem_shared>>
            %dma_start3A_277 = tpu.memref_squeeze %dma_start3A_276 : memref<1x1024xf32, #tpu.memory_space<vmem_shared>> -> memref<1024xf32, #tpu.memory_space<vmem_shared>>
            tpu.enqueue_dma source(%arg12 : memref<1024xf32, #tpu.memory_space<vmem>>) target(%dma_start3A_277 : memref<1024xf32, #tpu.memory_space<vmem_shared>>) target_semaphore(%run_scoped3A_273 : memref<!tpu.dma_semaphore, #tpu.memory_space<semaphore_mem>>)
            %dma_wait3A_278 = tpu.memref_slice %arg19[%rem3A_141, %mul3A_266] : memref<2x16384xf32, #tpu.memory_space<vmem_shared>> -> memref<1x1024xf32, #tpu.memory_space<vmem_shared>>
            %dma_wait3A_279 = tpu.memref_squeeze %dma_wait3A_278 : memref<1x1024xf32, #tpu.memory_space<vmem_shared>> -> memref<1024xf32, #tpu.memory_space<vmem_shared>>
            %dma_wait3A_280 = tpu.memref_slice %arg19[%rem3A_141, %mul3A_266] : memref<2x16384xf32, #tpu.memory_space<vmem_shared>> -> memref<1x1024xf32, #tpu.memory_space<vmem_shared>>
            %dma_wait3A_281 = tpu.memref_squeeze %dma_wait3A_280 : memref<1x1024xf32, #tpu.memory_space<vmem_shared>> -> memref<1024xf32, #tpu.memory_space<vmem_shared>>
            tpu.wait_dma2 semaphore(%run_scoped3A_273 : memref<!tpu.dma_semaphore, #tpu.memory_space<semaphore_mem>>) src(%arg12 : memref<1024xf32, #tpu.memory_space<vmem>>) dst(%dma_wait3A_281 : memref<1024xf32, #tpu.memory_space<vmem_shared>>)
            tpu.yield
          }) : () -> ()
          %add3A_267 = arith.constant 1 : i32
          %add3A_268 = arith.addi %while3A_127, %add3A_267 : i32
          %mul3A_269 = arith.constant 16 : i32
          %mul3A_270 = arith.muli %add3A_268, %mul3A_269 : i32
          %add3A_271 = vector.broadcast %mul3A_270 : i32 to vector<16xi32>
          %add3A_272 = arith.addi %iota3A, %add3A_271 : vector<16xi32>
          "tpu.region"() ({
            %run_scoped3A_273 = tpu.sem_alloc : memref<!tpu.dma_semaphore, #tpu.memory_space<semaphore_mem>>
            %dma_start3A_274 = arith.constant 0 : i32
            %dma_start3A_275 = tpu.memref_slice %arg20[%dma_start3A_274] : memref<528xf32, #tpu.memory_space<vmem_shared>> -> memref<528xf32, #tpu.memory_space<vmem_shared>>
            tpu.enqueue_indirect_dma source(%arg16 : memref<16xf32, #tpu.memory_space<vmem>>) target(%dma_start3A_275 : memref<528xf32, #tpu.memory_space<vmem_shared>>) offsets(%add3A_272 : vector<16xi32>) semaphore(%run_scoped3A_273 : memref<!tpu.dma_semaphore, #tpu.memory_space<semaphore_mem>>) {add = true}
            %dma_wait3A_276 = arith.constant 0 : i32
            %dma_wait3A_277 = tpu.memref_slice %arg20[%dma_wait3A_276] : memref<528xf32, #tpu.memory_space<vmem_shared>> -> memref<528xf32, #tpu.memory_space<vmem_shared>>
            tpu.wait_indirect_dma semaphore(%run_scoped3A_273 : memref<!tpu.dma_semaphore, #tpu.memory_space<semaphore_mem>>) src(%arg16 : memref<16xf32, #tpu.memory_space<vmem>>) dst(%dma_wait3A_277 : memref<528xf32, #tpu.memory_space<vmem_shared>>)
            tpu.yield
          }) : () -> ()
        } else {
        }
        %not3A_198 = arith.constant true
        %not3A_199 = arith.xori %gt3A_158, %not3A_198 : i1
        %gt3A_200 = arith.constant 0 : i32
        %gt3A_201 = arith.cmpi sgt, %select_n3A_194, %gt3A_200 : i32
        %and3A_202 = arith.andi %not3A_199, %gt3A_201 : i1
        %convert_element_type3A_203 = arith.extui %and3A_202 : i1 to i32
        %cond3A_204 = arith.constant 0 : i32
        %cond3A_205 = arith.cmpi ne, %convert_element_type3A_203, %cond3A_204 : i32
        scf.if %cond3A_205 {
          %scan3A_259 = arith.constant 0 : i32
          %scan3A_260 = arith.constant 0 : i32
          %scan3A_261 = arith.constant 64 : i32
          %scan3A_262 = arith.addi %scan3A_260, %scan3A_261 : i32
          %scan3A_263 = arith.constant 4 : i32
          scf.for %scan3A_267 = %scan3A_260 to %scan3A_262 step %scan3A_263  : i32 {
            %mul3A_268 = arith.constant 16 : i32
            %mul3A_269 = arith.muli %scan3A_267, %mul3A_268 : i32
            %swap3A_270 = arith.index_cast %mul3A_269 : i32 to index
            %swap3A_271 = tpu.vector_load %arg12[%swap3A_270] {strides = array<i32>} : memref<1024xf32, #tpu.memory_space<vmem>>, vector<16xf32>,
            tpu.vector_store %arg12[%swap3A_270], %broadcast_in_dim3A_0 {strides = array<i32>} : memref<1024xf32, #tpu.memory_space<vmem>>, vector<16xf32>,
            %scan3A_272 = arith.constant 1 : i32
            %scan3A_273 = arith.addi %scan3A_267, %scan3A_272 : i32
            %mul3A_274 = arith.constant 16 : i32
            %mul3A_275 = arith.muli %scan3A_273, %mul3A_274 : i32
            %swap3A_276 = arith.index_cast %mul3A_275 : i32 to index
            %swap3A_277 = tpu.vector_load %arg12[%swap3A_276] {strides = array<i32>} : memref<1024xf32, #tpu.memory_space<vmem>>, vector<16xf32>,
            tpu.vector_store %arg12[%swap3A_276], %broadcast_in_dim3A_0 {strides = array<i32>} : memref<1024xf32, #tpu.memory_space<vmem>>, vector<16xf32>,
            %scan3A_278 = arith.constant 2 : i32
            %scan3A_279 = arith.addi %scan3A_267, %scan3A_278 : i32
            %mul3A_280 = arith.constant 16 : i32
            %mul3A_281 = arith.muli %scan3A_279, %mul3A_280 : i32
            %swap3A_282 = arith.index_cast %mul3A_281 : i32 to index
            %swap3A_283 = tpu.vector_load %arg12[%swap3A_282] {strides = array<i32>} : memref<1024xf32, #tpu.memory_space<vmem>>, vector<16xf32>,
            tpu.vector_store %arg12[%swap3A_282], %broadcast_in_dim3A_0 {strides = array<i32>} : memref<1024xf32, #tpu.memory_space<vmem>>, vector<16xf32>,
            %scan3A_284 = arith.constant 3 : i32
            %scan3A_285 = arith.addi %scan3A_267, %scan3A_284 : i32
            %mul3A_286 = arith.constant 16 : i32
            %mul3A_287 = arith.muli %scan3A_285, %mul3A_286 : i32
            %swap3A_288 = arith.index_cast %mul3A_287 : i32 to index
            %swap3A_289 = tpu.vector_load %arg12[%swap3A_288] {strides = array<i32>} : memref<1024xf32, #tpu.memory_space<vmem>>, vector<16xf32>,
            tpu.vector_store %arg12[%swap3A_288], %broadcast_in_dim3A_0 {strides = array<i32>} : memref<1024xf32, #tpu.memory_space<vmem>>, vector<16xf32>,
          }
          %scan3A_264 = arith.constant 64 : i32
          %mul3A_265 = arith.constant 1024 : i32
          %mul3A_266 = arith.muli %arg1, %mul3A_265 : i32
          "tpu.region"() ({
            %run_scoped3A_267 = tpu.sem_alloc : memref<!tpu.dma_semaphore, #tpu.memory_space<semaphore_mem>>
            %dma_start3A_268 = tpu.memref_slice %arg19[%rem3A_141, %mul3A_266] : memref<2x16384xf32, #tpu.memory_space<vmem_shared>> -> memref<1x1024xf32, #tpu.memory_space<vmem_shared>>
            %dma_start3A_269 = tpu.memref_squeeze %dma_start3A_268 : memref<1x1024xf32, #tpu.memory_space<vmem_shared>> -> memref<1024xf32, #tpu.memory_space<vmem_shared>>
            %dma_start3A_270 = tpu.memref_slice %arg19[%rem3A_141, %mul3A_266] : memref<2x16384xf32, #tpu.memory_space<vmem_shared>> -> memref<1x1024xf32, #tpu.memory_space<vmem_shared>>
            %dma_start3A_271 = tpu.memref_squeeze %dma_start3A_270 : memref<1x1024xf32, #tpu.memory_space<vmem_shared>> -> memref<1024xf32, #tpu.memory_space<vmem_shared>>
            tpu.enqueue_dma source(%arg12 : memref<1024xf32, #tpu.memory_space<vmem>>) target(%dma_start3A_271 : memref<1024xf32, #tpu.memory_space<vmem_shared>>) target_semaphore(%run_scoped3A_267 : memref<!tpu.dma_semaphore, #tpu.memory_space<semaphore_mem>>)
            %dma_wait3A_272 = tpu.memref_slice %arg19[%rem3A_141, %mul3A_266] : memref<2x16384xf32, #tpu.memory_space<vmem_shared>> -> memref<1x1024xf32, #tpu.memory_space<vmem_shared>>
            %dma_wait3A_273 = tpu.memref_squeeze %dma_wait3A_272 : memref<1x1024xf32, #tpu.memory_space<vmem_shared>> -> memref<1024xf32, #tpu.memory_space<vmem_shared>>
            %dma_wait3A_274 = tpu.memref_slice %arg19[%rem3A_141, %mul3A_266] : memref<2x16384xf32, #tpu.memory_space<vmem_shared>> -> memref<1x1024xf32, #tpu.memory_space<vmem_shared>>
            %dma_wait3A_275 = tpu.memref_squeeze %dma_wait3A_274 : memref<1x1024xf32, #tpu.memory_space<vmem_shared>> -> memref<1024xf32, #tpu.memory_space<vmem_shared>>
            tpu.wait_dma2 semaphore(%run_scoped3A_267 : memref<!tpu.dma_semaphore, #tpu.memory_space<semaphore_mem>>) src(%arg12 : memref<1024xf32, #tpu.memory_space<vmem>>) dst(%dma_wait3A_275 : memref<1024xf32, #tpu.memory_space<vmem_shared>>)
            tpu.yield
          }) : () -> ()
        } else {
        }
        %barrier3A_206 = arith.constant 0 : index
        tpu.barrier barrier_id(%barrier3A_206)
        %jit3A_207 = arith.constant 1 : i32
        %jit3A_208 = arith.constant 0 : i32
        %select_n3A_209 = arith.select %gt3A_158, %jit3A_207, %jit3A_208 : i32
        %eq3A_210 = arith.constant 0 : i32
        %eq3A_211 = arith.cmpi eq, %rem3A_141, %eq3A_210 : i32
        %jit3A_212 = arith.constant 2 : i32
        %eq3A_213 = arith.constant 0 : i32
        %eq3A_214 = arith.cmpi eq, %jit3A_212, %eq3A_213 : i32
        %jit3A_215 = arith.constant 1 : i32
        %select_n3A_216 = arith.select %eq3A_214, %jit3A_215, %jit3A_212 : i32
        %rem3A_217 = arith.remsi %while3A_128, %select_n3A_216 : i32
        %ne3A_218 = arith.constant 0 : i32
        %ne3A_219 = arith.cmpi ne, %rem3A_217, %ne3A_218 : i32
        %lt3A_220 = arith.constant 0 : i32
        %lt3A_221 = arith.cmpi slt, %rem3A_217, %lt3A_220 : i32
        %lt3A_222 = arith.constant 0 : i32
        %lt3A_223 = arith.cmpi slt, %select_n3A_216, %lt3A_222 : i32
        %ne3A_224 = arith.xori %lt3A_221, %lt3A_223 : i1
        %and3A_225 = arith.andi %ne3A_224, %ne3A_219 : i1
        %add3A_226 = arith.addi %rem3A_217, %select_n3A_216 : i32
        %select_n3A_227 = arith.select %and3A_225, %add3A_226, %rem3A_217 : i32
        %select_n3A_228 = arith.select %eq3A_211, %select_n3A_209, %select_n3A_227 : i32
        %eq3A_229 = arith.constant 0 : i32
        %eq3A_230 = arith.cmpi eq, %rem3A_141, %eq3A_229 : i32
        %jit3A_231 = arith.constant 2 : i32
        %div3A_232 = arith.divsi %while3A_128, %jit3A_231 : i32
        %sign3A_233 = arith.constant 0 : i32
        %sign3A_234 = arith.cmpi sgt, %while3A_128, %sign3A_233 : i32
        %sign3A_235 = arith.extui %sign3A_234 : i1 to i32
        %sign3A_236 = arith.constant 0 : i32
        %sign3A_237 = arith.cmpi slt, %while3A_128, %sign3A_236 : i32
        %sign3A_238 = arith.extui %sign3A_237 : i1 to i32
        %sign3A_239 = arith.subi %sign3A_235, %sign3A_238 : i32
        %sign3A_240 = arith.constant 0 : i32
        %sign3A_241 = arith.cmpi sgt, %jit3A_231, %sign3A_240 : i32
        %sign3A_242 = arith.extui %sign3A_241 : i1 to i32
        %sign3A_243 = arith.constant 0 : i32
        %sign3A_244 = arith.cmpi slt, %jit3A_231, %sign3A_243 : i32
        %sign3A_245 = arith.extui %sign3A_244 : i1 to i32
        %sign3A_246 = arith.subi %sign3A_242, %sign3A_245 : i32
        %ne3A_247 = arith.cmpi ne, %sign3A_239, %sign3A_246 : i32
        %rem3A_248 = arith.remsi %while3A_128, %jit3A_231 : i32
        %ne3A_249 = arith.constant 0 : i32
        %ne3A_250 = arith.cmpi ne, %rem3A_248, %ne3A_249 : i32
        %and3A_251 = arith.andi %ne3A_247, %ne3A_250 : i1
        %sub3A_252 = arith.constant 1 : i32
        %sub3A_253 = arith.subi %div3A_232, %sub3A_252 : i32
        %select_n3A_254 = arith.select %and3A_251, %sub3A_253, %div3A_232 : i32
        %select_n3A_255 = arith.select %eq3A_230, %select_n3A_254, %select_n3A_209 : i32
        %mul3A_256 = arith.constant 2 : i32
        %mul3A_257 = arith.muli %mul3A_256, %select_n3A_255 : i32
        %add3A_258 = arith.addi %select_n3A_228, %mul3A_257 : i32
        scf.yield %add3A_258 : i32
      }
      %scan3A_121 = arith.constant 0 : i32
      %scan3A_122 = arith.constant 0 : i32
      %scan3A_123 = arith.constant 64 : i32
      %scan3A_124 = arith.addi %scan3A_122, %scan3A_123 : i32
      %scan3A_125 = arith.constant 1 : i32
      scf.for %scan3A_127 = %scan3A_122 to %scan3A_124 step %scan3A_125  : i32 {
        %mul3A_128 = arith.constant 16 : i32
        %mul3A_129 = arith.muli %scan3A_127, %mul3A_128 : i32
        %get3A = arith.index_cast %mul3A_129 : i32 to index
        %get3A_130 = tpu.vector_load %arg11[%get3A] {strides = array<i32>} : memref<1024xf32, #tpu.memory_space<vmem>>, vector<16xf32>,
        %mul3A_131 = arith.constant 3.125000e+02 : f32
        %mul3A_132 = vector.broadcast %mul3A_131 : f32 to vector<16xf32>
        %mul3A_133 = arith.mulf %get3A_130, %mul3A_132 : vector<16xf32>
        %swap3A_134 = arith.index_cast %mul3A_129 : i32 to index
        %swap3A_135 = tpu.vector_load %arg12[%swap3A_134] {strides = array<i32>} : memref<1024xf32, #tpu.memory_space<vmem>>, vector<16xf32>,
        tpu.vector_store %arg12[%swap3A_134], %mul3A_133 {strides = array<i32>} : memref<1024xf32, #tpu.memory_space<vmem>>, vector<16xf32>,
      }
      %scan3A_126 = arith.constant 64 : i32
    } else {
    }
    %mul3A_86 = arith.constant 1024 : i32
    %mul3A_87 = arith.muli %arg1, %mul3A_86 : i32
    "tpu.region"() ({
      %run_scoped3A = tpu.sem_alloc : memref<!tpu.dma_semaphore, #tpu.memory_space<semaphore_mem>>
      %dma_start3A_88 = tpu.memref_slice %arg6[%mul3A_87] : memref<16384xf32, #tpu.memory_space<hbm>> -> memref<1024xf32, #tpu.memory_space<hbm>>
      %dma_start3A_89 = tpu.memref_slice %arg6[%mul3A_87] : memref<16384xf32, #tpu.memory_space<hbm>> -> memref<1024xf32, #tpu.memory_space<hbm>>
      tpu.enqueue_dma source(%arg12 : memref<1024xf32, #tpu.memory_space<vmem>>) target(%dma_start3A_89 : memref<1024xf32, #tpu.memory_space<hbm>>) target_semaphore(%run_scoped3A : memref<!tpu.dma_semaphore, #tpu.memory_space<semaphore_mem>>)
      %dma_wait3A_90 = tpu.memref_slice %arg6[%mul3A_87] : memref<16384xf32, #tpu.memory_space<hbm>> -> memref<1024xf32, #tpu.memory_space<hbm>>
      %dma_wait3A_91 = tpu.memref_slice %arg6[%mul3A_87] : memref<16384xf32, #tpu.memory_space<hbm>> -> memref<1024xf32, #tpu.memory_space<hbm>>
      tpu.wait_dma2 semaphore(%run_scoped3A : memref<!tpu.dma_semaphore, #tpu.memory_space<semaphore_mem>>) src(%arg12 : memref<1024xf32, #tpu.memory_space<vmem>>) dst(%dma_wait3A_91 : memref<1024xf32, #tpu.memory_space<hbm>>)
      tpu.yield
    }) : () -> ()
    return
  }
}

</mosaic_0001>

<sc_bundles>
// kernel: kernel.3.cloned.1.call-start
scs
__scs_entry_jumppad:
0x0: {  	(pc) =	sbr.rel $0x88, $3  }
0x1: {  	(tag) =	ssettag $0x0;
	lr =	simm.s32 $0x1  }
0x2: {  	[smem:$0x3F9D] =	sst lr;
	_ =	strace $0xD0000000  }
0x3: {  	_ = 	snop  }
0x4: {  	_ = 	snop  }
0x5: {  	_ = 	snop  }
0x6: {  	_ = 	snop  }
0x7: {  	_ = 	snop  }
__scs_overlays_trampoline_lowered:
0x8: {  	[smem:$0x3FAC] =	sst s0  }
0x9: {  	[smem:$0x3FAD] =	sst s1  }
0xa: {  	[smem:$0x3FAE] =	sst s2  }
0xb: {  	[smem:$0x3FAF] =	sst s3  }
0xc: {  	[smem:$0x3FB0] =	sst s4  }
0xd: {  	[smem:$0x3FB1] =	sst s5  }
0xe: {  	[smem:$0x3FB2] =	sst s6  }
0xf: {  	[smem:$0x3FB3] =	sst s7  }
0x10: {  	[smem:$0x3FB4] =	sst s8  }
0x11: {  	[smem:$0x3FB5] =	sst s9;
	s0 =	simm.s32 @!p0 $0x0  }
0x12: {  	s1 =	sld [smem:$0x3F9B];
	s0 =	simm.s32 @p0 $0x1  }
0x13: {  	[smem:$0x3FB6] =	sst s0;
	s0 =	simm.s32 @!p1 $0x0  }
0x14: {  	s2 =	sld [smem:$0x3F9A];
	s0 =	simm.s32 @p1 $0x1  }
0x15: {  	[smem:$0x3FB7] =	sst s0;
	s0 =	simm.s32 @!p2 $0x0  }
0x16: {  	s3 =	sld [smem:$0x3FDB];
	s0 =	simm.s32 @p2 $0x1  }
0x17: {  	s4 =	simm.s32 $0x1BF5;
	[smem:$0x3FB9] =	sst s0  }
0x18: {  	s0 =	sld [smem:$0x3F9C];
	_ =	swait.ge [sflag:s4], $0x0  }
0x19: {  	s7 =	sld [smem:$0x3F9D]  }
0x1a: {  	s8 =	sadd.s32 $0xFFFFE003, lr  }
0x1b: {  	s9 =	sadd.s32 $0xFFFFFEF7, lr;
	s5 =	simm.s32 $0xFFFFFFFF;
	p2 =	slt.u32 s8, $0xFFFFF086  }
0x1c: {  	p1 =	slt.u32 s9, $0xF7A;
	s5 =	simm.s32 @!p2 $0x0  }
0x1d: {  	s5 =	simm.s32 @p1 $0x1;
	p0 =	seq.s32 s7, s2  }
0x1e: {  	s7 =	smul.u32 @!p0 $0xF7A, s2;
	p2 =	seq.s32 @!p0 s5, $0x0  }
0x1f: {  	s9 =	smul.u32 $0xF7A, s1;
	s8 =	simm.s32 @!p0 $0x1BF5;
	p2 =	por !p2, p0  }
0x20: {  	[sflag:s8] =	ssyncset.s32 @!p0 $0xFFFFF086;
	s6 =	sadd.s32 @!p0 s3, s7;
	s7 =	simm.s32 @!p0 $0x108  }
0x21: {  	s3 =	sadd.s32 s3, s9;
	s6 =	sadd.s32 @!p0 $0x88, s6;
	s7 =	simm.s32 @p2 $0x1082  }
0x22: {  	[simem:s7], [sflag:s8] =	dma.local @!p0 [hbm:s6], $0xF7A  }
0x23: {  	s9 =	sor.u32 $0xD0000000, s2;
	s6 =	simm.s32 $0x108;
	_ =	swait.ge @!p0 [sflag:s8], $0x0  }
0x24: {  	s3 =	sadd.s32 $0x88, s3;
	s6 =	simm.s32 @!p1 $0x1082;
	[sflag:s4] =	ssyncset.s32 $0xFFFFF086  }
0x25: {  	[simem:s6], [sflag:s4] =	dma.local [hbm:s3], $0xF7A  }
0x26: {  	[smem:$0x3F9D] =	sst s1;
	(tag) =	ssettag s2;
	_ =	strace s9  }
0x27: {  	s1 =	sld [smem:$0x3FAD]  }
0x28: {  	s2 =	sld [smem:$0x3FAE]  }
0x29: {  	s4 =	sld [smem:$0x3FB0]  }
0x2a: {  	p0 =	seq.s32 s5, $0x0;
	s5 =	sld [smem:$0x3FB1]  }
0x2b: {  	s6 =	sld [smem:$0x3FB2]  }
0x2c: {  	s7 =	sld [smem:$0x3FB3]  }
0x2d: {  	s3 =	simm.s32 $0x108;
	s8 =	sld [smem:$0x3FB4]  }
0x2e: {  	s3 =	simm.s32 @!p0 $0x1082;
	s9 =	sld [smem:$0x3FB5]  }
0x2f: {  	lr =	sadd.s32 s0, s3;
	s0 =	sld [smem:$0x3FAC]  }
0x30: {  	s3 =	sld [smem:$0x3FAF]  }
0x31: {  	[smem:$0x3FB8] =	sst s10  }
0x32: {  	s10 =	sld [smem:$0x3FB6];
	_ =	sdelay $0x3  }
0x33: {  	p0 =	seq.s32 s10, $0x1;
	s10 =	sld [smem:$0x3FB8];
	_ =	sdelay $0x3  }
0x34: {  	[smem:$0x3FB8] =	sst s10  }
0x35: {  	s10 =	sld [smem:$0x3FB7];
	_ =	sdelay $0x3  }
0x36: {  	p1 =	seq.s32 s10, $0x1;
	s10 =	sld [smem:$0x3FB8];
	_ =	sdelay $0x3  }
0x37: {  	[smem:$0x3FB8] =	sst s10  }
0x38: {  	s10 =	sld [smem:$0x3FB9]  }
0x39: {  	_ = 	snop;
	(pc) =	sbr.ind lr, $3  }
0x3a: {  	_ = 	snop  }
0x3b: {  	_ = 	snop  }
0x3c: {  	p2 =	seq.s32 s10, $0x1;
	s10 =	sld [smem:$0x3FB8]  }
0x3d: {  	_ =	shalt  }
0x3e: {  	_ =	shalt  }
0x3f: {  	_ =	shalt  }
0x40: {  	_ =	shalt  }
0x41: {  	_ =	shalt  }
0x42: {  	_ =	shalt  }
0x43: {  	_ =	shalt  }
0x44: {  	_ =	shalt  }
0x45: {  	_ =	shalt  }
0x46: {  	_ =	shalt  }
0x47: {  	_ =	shalt  }
0x48: {  	_ =	shalt  }
0x49: {  	_ =	shalt  }
0x4a: {  	_ =	shalt  }
0x4b: {  	_ =	shalt  }
0x4c: {  	_ =	shalt  }
0x4d: {  	_ =	shalt  }
0x4e: {  	_ =	shalt  }
0x4f: {  	_ =	shalt  }
0x50: {  	_ =	shalt  }
0x51: {  	_ =	shalt  }
0x52: {  	_ =	shalt  }
0x53: {  	_ =	shalt  }
0x54: {  	_ =	shalt  }
0x55: {  	_ =	shalt  }
0x56: {  	_ =	shalt  }
0x57: {  	_ =	shalt  }
0x58: {  	_ =	shalt  }
0x59: {  	_ =	shalt  }
0x5a: {  	_ =	shalt  }
0x5b: {  	_ =	shalt  }
0x5c: {  	_ =	shalt  }
0x5d: {  	_ =	shalt  }
0x5e: {  	_ =	shalt  }
0x5f: {  	_ =	shalt  }
0x60: {  	_ =	shalt  }
0x61: {  	_ =	shalt  }
0x62: {  	_ =	shalt  }
0x63: {  	_ =	shalt  }
0x64: {  	_ =	shalt  }
0x65: {  	_ =	shalt  }
0x66: {  	_ =	shalt  }
0x67: {  	_ =	shalt  }
0x68: {  	_ =	shalt  }
0x69: {  	_ =	shalt  }
0x6a: {  	_ =	shalt  }
0x6b: {  	_ =	shalt  }
0x6c: {  	_ =	shalt  }
0x6d: {  	_ =	shalt  }
0x6e: {  	_ =	shalt  }
0x6f: {  	_ =	shalt  }
0x70: {  	_ =	shalt  }
0x71: {  	_ =	shalt  }
0x72: {  	_ =	shalt  }
0x73: {  	_ =	shalt  }
0x74: {  	_ =	shalt  }
0x75: {  	_ =	shalt  }
0x76: {  	_ =	shalt  }
0x77: {  	_ =	shalt  }
0x78: {  	_ =	shalt  }
0x79: {  	_ =	shalt  }
0x7a: {  	_ =	shalt  }
0x7b: {  	_ =	shalt  }
0x7c: {  	_ =	shalt  }
0x7d: {  	_ =	shalt  }
0x7e: {  	_ =	shalt  }
0x7f: {  	_ =	shalt  }
0x80: {  	_ =	shalt  }
0x81: {  	_ =	shalt  }
0x82: {  	_ =	shalt  }
0x83: {  	_ =	shalt  }
0x84: {  	_ =	shalt  }
0x85: {  	_ =	shalt  }
0x86: {  	_ =	shalt  }
0x87: {  	_ =	shalt  }
.Lfunc_end0:
.L_simem_size_0:
called_computation_lowered:
.L_overlay_start_0:
0x88: {  	s0 =	sld [smem:$0x3FD9]  }
0x89: {  	s1 =	sld [smem:$0x3FFE];
	_ =	sdelay $0x3  }
0x8a: {  	s0 =	sadd.s32 s1, s0  }
0x8b: {  	[smem:$0x3FC4] =	sst s0  }
0x8c: {  	_ = 	snop  }
0x8d: {  	s0 =	sld [smem:$0x3FC9]  }
0x8e: {  	s17 =	sld [smem:$0x3FC8]  }
0x8f: {  	s2 =	sld [smem:$0x3FC7]  }
0x90: {  	s3 =	sld [smem:$0x3FC6]  }
0x91: {  	s4 =	sld [smem:$0x3FD0];
	(tm) =	ssettm $0x1  }
0x92: {  	s5 =	sld [smem:$0x3FFB];
	_ =	sdelay $0x3  }
0x93: {  	_ =	strace s5  }
0x94: {  	s5 =	sld [smem:$0x3FFC];
	_ =	sdelay $0x3  }
0x95: {  	_ =	strace s5  }
0x96: {  	s5 =	sld [smem:$0x3FFD];
	_ =	sdelay $0x3  }
0x97: {  	_ =	strace s5  }
0x98: {  	_ =	strace $0x8FFFFFFF  }
0x99: {  	s18 =	sld [smem:$0x3FDB];
	_ =	sdelay $0x1  }
0x9a: {  	s6 =	simm.s32 $_scs_section_size  }
0x9b: {  	s7 =	simm.s32 $_size__tile_overlayer_lowered;
	s8 =	simm.s32 $_tile_overlayer_lowered  }
0x9c: {  	s21 =	simm.s32 $0x1BFF;
	s20 =	sshll.u32 s8, $0x1;
	s5 =	sadd.s32 s6, s18  }
0x9d: {  	s9 =	simm.s32 $0x0;
	s19 =	sshll.u32 s7, $0x1;
	s7 =	sadd.s32 s20, s5  }
0x9e: {  	[timem:s9], [sflag:s21] =	dma.local [hbm:s7], s19  }
0x9f: {  	_ =	swait.ge [sflag:s21], s19  }
0xa0: {  	s6 =	ssub.s32 $0x0, s19;
	[sflag:s21] =	ssyncset.done $0x0  }
0xa1: {  	[sflag:s21] =	ssyncadd.s32 s6;
	_ =	sdelay $0x1  }
0xa2: {  	s22 =	simm.s32 $0x1B8B  }
0xa3: {  	_ =	swait.ge [sflag:s22], $0x1  }
0xa4: {  	[sflag:s22] =	ssyncset.done $0x0  }
0xa5: {  	s23 =	simm.s32 $0x1B8E;
	[sflag:s22] =	ssyncadd.s32 $0xFFFFFFFF  }
0xa6: {  	s24 =	simm.s32 $execute0_lowered;
	[smem:$0x3FD2] =	sst s23  }
0xa7: {  	s6 =	sshll.u32 s24, $0x1;
	_ =	strace $0x80000046;
	[dreg:$0x1] =	wrdreg $0xFFFFFFFF  }
0xa8: {  	s25 =	simm.s32 $_size_execute0_lowered;
	s5 =	sadd.s32 s5, s6;
	[dreg:$0x0] =	wrdreg $0x0  }
0xa9: {  	s6 =	sshll.u32 s25, $0x1;
	[dreg:$0x2] =	wrdreg s5  }
0xaa: {  	[dreg:$0x3] =	wrdreg s6  }
0xab: {  	[dreg:$0x4] =	wrdreg $0xC0  }
0xac: {  	_ =	task [dreg:s9], $0x5FFFF  }
0xad: {  	[dreg:$0x1] =	wrdreg $0xFFFFFFFF  }
0xae: {  	[dreg:$0x0] =	wrdreg $0x60  }
0xaf: {  	[dreg:$0x2] =	wrdreg s0  }
0xb0: {  	[dreg:$0x3] =	wrdreg s2  }
0xb1: {  	[dreg:$0x4] =	wrdreg s3  }
0xb2: {  	[dreg:$0x5] =	wrdreg s17  }
0xb3: {  	[dreg:$0x6] =	wrdreg s4  }
0xb4: {  	[dreg:$0x7] =	wrdreg $0xF4280  }
0xb5: {  	[dreg:$0x8] =	wrdreg $0xF4000  }
0xb6: {  	[dreg:$0x9] =	wrdreg $0xEC000  }
0xb7: {  	[dreg:$0xa] =	wrdreg $0x9  }
0xb8: {  	_ =	task.clear_ibuf [dreg:s9], $0xBFFFF;
	_ =	strace $0x90000046  }
0xb9: {  	s26 =	simm.s32 $0x9;
	_ =	strace $0x80000048  }
0xba: {  	_ =	swait.ge [sflag:s26], $0x1  }
0xbb: {  	[sflag:s26] =	ssyncadd.s32 $0xFFFFFFFF  }
0xbc: {  	_ =	strace $0x90000048  }
0xbd: {  	_ =	sfence  }
0xbe: {  	s28 =	sld [smem:$0x0];
	_ =	sdelay $0x1  }
0xbf: {  	s29 =	srdreg.scid  }
0xc0: {  	s30 =	sshll.u32 s29, $0xD;
	s31 =	sshrl.u32 s29, $0x2  }
0xc1: {  	s1 =	sand.u32 $0x1, s29;
	s2 =	sand.u32 $0x4000, s30;
	s0 =	sadd.s32 s31, s28  }
0xc2: {  	s1 =	sor.u32 s2, s1;
	s0 =	sshll.u32 s0, $0x11  }
0xc3: {  	s0 =	sor.u32 s0, s1  }
0xc4: {  	s0 =	sadd.s32 $0x8F2B, s0  }
0xc5: {  	[sflag:s0] =	ssyncadd.remote.s32 $0x1  }
0xc6: {  	_ =	sfence.sel $0xFFFF  }
0xc7: {  	[dreg:$0x0] =	wrdreg $0xFFFFFFFF;
	(pc) =	sbr.abs _section_cstart, $3  }
0xc8: {  	[dreg:$0x1] =	wrdreg $0xFFFFFFFF  }
0xc9: {  	_ =	task.clear_ibuf [dreg:s9], $0x2FFFF;
	_ =	strace $0x9FFFFFFF  }
0xca: {  	(tm) =	ssettm $0x7FFFFFFF  }
0xcb: {  	_ =	shalt  }
tec
execute0_lowered:
.L_overlay_start_1:
0x0: {  	(tag) =	ssettag $0x1  }
0x1: {  	s0 =	rddreg [dreg:$0x0]  }
0x2: {  	s5 =	rddreg [dreg:$0x1]  }
0x3: {  	s1 =	rddreg [dreg:$0x2]  }
0x4: {  	s2 =	rddreg [dreg:$0x3]  }
0x5: {  	s7 =	rddreg [dreg:$0x4]  }
0x6: {  	s8 =	rddreg [dreg:$0x5]  }
0x7: {  	s3 =	rddreg [dreg:$0x6]  }
0x8: {  	s4 =	rddreg [dreg:$0x8]  }
0x9: {  	s6 =	simm.s32 $0x0;
	s9 =	stileid.u32;
	s11 =	simm.s32 $0x2000  }
0xa: {  	s12 =	simm.s32 $0x20000;
	[smem:$0x7FF] =	sst s6;
	s10 =	sshll.u32 s9, $0xA  }
0xb: {  	_ =	strace $0x80000047;
	s0 =	sadd.s32 s0, s10;
	s10 =	sshll.u32 s9, $0x7  }
0xc: {  	[tilespmem:s6], [sflag:$0x1] =	stream.strided.gather [hbm4b:s0+s11], $0x8000, s12, s11, $0x38;
	[tilespmem:$0xF438] =	vst v63  }
0xd: {  	s30 =	simm.s32 $0x8000;
	s31 =	simm.s32 $0x2;
	s29 =	sadd.s32 s5, s10  }
0xe: {  	[tilespmem:s30], [sflag:$0x2] =	stream.linear.gather [hbm4b:s29+s6], $0x400, $0x38;
	[tilespmem:$0xF438] =	vst v63  }
0xf: {  	_ =	swait.ge [sflag:s31], $0x400  }
0x10: {  	[sflag:s31] =	ssyncset.done $0x0  }
0x11: {  	v0 =	vimm.f32 $0.0e+00;
	s0 =	simm.s32 $0x0;
	s5 =	simm.s32 $0x40;
	[sflag:s31] =	ssyncadd.s32 $0xFFFFFC00  }
.LBB2_1:
0x12: {  	p0 =	sne.s32 s5, $0xFC0;
	v1 =	vld [tilespmem:s0+$0x8000];
	[tilespmem:s0+$0x8400] =	vst v0  }
0x13: {  	[tilespmem:s0+$0x8800] =	vst v0  }
0x14: {  	[tilespmem:s0+$0x8C00] =	vst v0  }
0x15: {  	[tilespmem:s0+$0x9000] =	vst v0;
	_ =	sdelay $0x1  }
0x16: {  	(erf) = vrcp.f32 v1;
	_ =	sdelay $0x8  }
0x17: {  	v1 =	vpop (erf)  }
0x18: {  	v1 =	vmul.f32 $-1.000000010e-01, v1;
	_ =	sdelay $0x1  }
0x19: {  	v1 =	vmul.f32 $1.442695020e+00, v1;
	_ =	sdelay $0x1  }
0x1a: {  	(erf) = vpow2.f32 v1;
	_ =	sdelay $0x5  }
.Ltmp0:
0x1b: {  	(pc) =	sbr.rel @p0 .LBB2_1-.Ltmp0, $3  }
0x1c: {  	_ =	sdelay $0x1  }
0x1d: {  	v1 =	vpop (erf)  }
0x1e: {  	[tilespmem:s0+$0x8000] =	vst v1;
	s0 =	sshra.s32 s5, $0x2;
	s5 =	sadd.s32 $0x40, s5  }
0x1f: {  	v1 =	vld [tilespmem:s0+$0x8000];
	_ =	sdelay $0x4  }
0x20: {  	(erf) = vrcp.f32 v1;
	_ =	sdelay $0x8  }
0x21: {  	v1 =	vpop (erf)  }
0x22: {  	v1 =	vmul.f32 $-1.000000010e-01, v1;
	_ =	sdelay $0x1  }
0x23: {  	v1 =	vmul.f32 $1.442695020e+00, v1;
	_ =	sdelay $0x1  }
0x24: {  	(erf) = vpow2.f32 v1;
	_ =	sdelay $0x5  }
0x25: {  	[tilespmem:s0+$0x8400] =	vst v0  }
0x26: {  	[tilespmem:s0+$0x8800] =	vst v0  }
0x27: {  	[tilespmem:s0+$0x8C00] =	vst v0  }
0x28: {  	[tilespmem:s0+$0x9000] =	vst v0;
	v0 =	vpop (erf)  }
0x29: {  	s31 =	simm.s32 $0x1;
	[tilespmem:s0+$0x8000] =	vst v0  }
0x2a: {  	_ =	swait.ge [sflag:s31], $0x8000  }
0x2b: {  	s5 =	simm.s32 $0x0;
	s6 =	simm.s32 $0x0;
	[sflag:s31] =	ssyncset.done $0x0  }
0x2c: {  	s11 =	simm.s32 $0x0;
	s12 =	simm.s32 $0x0;
	v1 =	vimm.f32 $3.200000000e+01;
	v0 =	vimm.f32 $3.200000000e+01;
	[sflag:s31] =	ssyncadd.s32 $0xFFFF8000  }
.LBB2_3:
0x2d: {  	s0 =	sshll.u32 s11, $0x2;
	s13 =	sand.u32 $0x3, s6  }
0x2e: {  	s0 =	sand.u32 $0xFFFFF000, s0;
	s13 =	sshll.u32 s13, $0x7  }
0x2f: {  	s21 =	sshll.u32 s12, $0x5;
	s0 =	sor.u32 s13, s0  }
0x30: {  	v2 =	vld [tilespmem:s21+$0x8000];
	s13 =	sand.u32 $0x3E0, s21;
	s0 =	sshrl.u32 s0, $0x2  }
0x31: {  	v3 =	vld [tilespmem:s13+$0x8010];
	s14 =	sor.u32 $0x200, s0  }
0x32: {  	v4 =	vld [tilespmem:s14+$0xFFFFFE00]  }
0x33: {  	v5 =	vld [tilespmem:s14+$0xFFFFFE10];
	_ =	sdelay $0x2  }
0x34: {  	v6 =	vimm.f32 $0.0e+00;
	v7 =	vld [tilespmem:s14+$0xFFFFFE80]  }
0x35: {  	v9 =	vld [tilespmem:s14+$0xFFFFFE90];
	v8 =	vmul.f32 v6, v2;
	v4 =	vmul.f32 $6.999999880e-01, v4  }
0x36: {  	s24 =	simm.s32 $0x1;
	v12 =	vld [tilespmem:s14+$0xFFFFFF10];
	v6 =	vmul.f32 v6, v3;
	v5 =	vmul.f32 $6.999999880e-01, v5  }
0x37: {  	s25 =	scvt.s32.f32 s24;
	v10 =	vld [tilespmem:s14+$0x80];
	v4 =	vadd.f32 v4, v8  }
0x38: {  	v5 =	vadd.f32 v5, v6;
	v6 =	vld [tilespmem:s14+$0xFFFFFF00]  }
0x39: {  	v13 =	vmov s25;
	v7 =	vmul.f32 $6.999999880e-01, v7;
	v11 =	vmul.f32 v4, v2  }
0x3a: {  	v9 =	vmul.f32 $6.999999880e-01, v9;
	vm0 =	vge.f32 v4, $2.000000000e+01;
	v4 =	vmul.f32 v5, v3  }
0x3b: {  	v12 =	vmul.f32 $6.999999880e-01, v12;
	vm1 =	vge.f32 v5, $2.000000000e+01;
	v5 =	vadd.f32 v7, v11  }
0x3c: {  	s22 =	scvt.s32.f32 s5;
	s23 =	simm.s32 $0x7;
	vm0 =	vmor vm0, vm1;
	v7 =	vmul.f32 $6.999999880e-01, v10;
	v9 =	vadd.f32 v9, v4;
	v10 =	vld [tilespmem:s14+$0xFFFFFF80]  }
0x3d: {  	s0 =	scvt.s32.f32 s23;
	v11 =	vld [tilespmem:s14+$0xFFFFFF90];
	v6 =	vmul.f32 $6.999999880e-01, v6;
	vm1 =	vge.f32 v5, $2.000000000e+01;
	v5 =	vmul.f32 v5, v2  }
0x3e: {  	v8 =	vmov s22;
	vm2 =	vge.f32 v9, $2.000000000e+01;
	v9 =	vmul.f32 v9, v3  }
0x3f: {  	v4 =	vmov s0;
	vm1 =	vmor vm1, vm2;
	v5 =	vadd.f32 v6, v5  }
0x40: {  	s26 =	simm.s32 $0x2;
	v6 =	vnsel vm0, $0x42000000, v8;
	v8 =	vnsel vm1, $0x42000000, v13;
	v9 =	vadd.f32 v12, v9;
	v12 =	vld [tilespmem:s14+$0x0]  }
0x41: {  	s0 =	scvt.s32.f32 s26;
	v13 =	vld [tilespmem:s14+$0x10];
	v10 =	vmul.f32 $6.999999880e-01, v10;
	vm0 =	vge.f32 v5, $2.000000000e+01;
	v5 =	vmul.f32 v5, v2  }
0x42: {  	v11 =	vmul.f32 $6.999999880e-01, v11;
	vm1 =	vge.f32 v9, $2.000000000e+01;
	v9 =	vmul.f32 v9, v3  }
0x43: {  	v14 =	vmov s0;
	vm0 =	vmor vm0, vm1;
	v5 =	vadd.f32 v10, v5  }
0x44: {  	s28 =	simm.s32 $0x3;
	v6 =	vmin.f32 v1, v6;
	v10 =	vnsel vm0, $0x42000000, v14;
	v9 =	vadd.f32 v11, v9  }
0x45: {  	s0 =	scvt.s32.f32 s28;
	v11 =	vmul.f32 $6.999999880e-01, v12;
	v12 =	vld [tilespmem:s14+$0x90];
	vm0 =	vge.f32 v5, $2.000000000e+01;
	v5 =	vmul.f32 v5, v2  }
0x46: {  	v13 =	vmul.f32 $6.999999880e-01, v13;
	vm1 =	vge.f32 v9, $2.000000000e+01;
	v9 =	vmul.f32 v9, v3  }
0x47: {  	v6 =	vmin.f32 v6, v8;
	v14 =	vmov s0;
	v5 =	vadd.f32 v11, v5  }
0x48: {  	s29 =	simm.s32 $0x4;
	v6 =	vmin.f32 v6, v10;
	vm0 =	vmor vm0, vm1;
	v9 =	vadd.f32 v13, v9;
	v11 =	vld [tilespmem:s14+$0x100]  }
0x49: {  	s0 =	scvt.s32.f32 s29;
	v8 =	vnsel vm0, $0x42000000, v14;
	vm0 =	vge.f32 v5, $2.000000000e+01;
	v5 =	vmul.f32 v5, v2  }
0x4a: {  	v10 =	vld [tilespmem:s14+$0x110];
	vm1 =	vge.f32 v9, $2.000000000e+01;
	v9 =	vmul.f32 v9, v3;
	v12 =	vmul.f32 $6.999999880e-01, v12  }
0x4b: {  	v13 =	vmov s0;
	v7 =	vadd.f32 v7, v5  }
0x4c: {  	vm0 =	vmor vm0, vm1;
	v5 =	vmin.f32 v6, v8;
	v9 =	vadd.f32 v12, v9  }
0x4d: {  	s30 =	simm.s32 $0x6;
	v6 =	vnsel vm0, $0x42000000, v13;
	v8 =	vld [tilespmem:s14+$0x190];
	v13 =	vmul.f32 $6.999999880e-01, v11;
	vm0 =	vge.f32 v7, $2.000000000e+01  }
0x4e: {  	s15 =	scvt.s32.f32 s30;
	v7 =	vmul.f32 v7, v2;
	vm1 =	vge.f32 v9, $2.000000000e+01;
	v11 =	vmul.f32 v9, v3;
	v9 =	vld [tilespmem:s14+$0x180]  }
0x4f: {  	s31 =	simm.s32 $0x5;
	v12 =	vmul.f32 $6.999999880e-01, v10  }
0x50: {  	s13 =	simm.s32 $0x8;
	s0 =	scvt.s32.f32 s31;
	s14 =	sadd.s32 $0x2000, s14;
	vm0 =	vmor vm0, vm1;
	v10 =	vadd.f32 v13, v7;
	v7 =	vmov s15  }
.LBB2_4:
0x51: {  	s16 =	scvt.s32.f32 s13  }
0x52: {  	v13 =	vld [tilespmem:s14+$0xFFFFFE00];
	p0 =	slt.u32 s13, $0x18;
	v14 =	vmov s0;
	v11 =	vadd.f32 v12, v11;
	v8 =	vmul.f32 $6.999999880e-01, v8;
	s15 =	smov.u32 s13;
	s13 =	sadd.s32 $0x8, s13  }
0x53: {  	v12 =	vld [tilespmem:s14+$0xFFFFFE10];
	vm1 =	vge.f32 v10, $2.000000000e+01;
	v10 =	vmul.f32 v10, v2;
	v9 =	vmul.f32 $6.999999880e-01, v9  }
0x54: {  	v15 =	vmov s16;
	vm2 =	vge.f32 v11, $2.000000000e+01;
	v11 =	vmul.f32 v11, v3  }
0x55: {  	v5 =	vmin.f32 v5, v6;
	vm1 =	vmor vm1, vm2;
	v6 =	vadd.f32 v9, v10  }
0x56: {  	v10 =	vnsel vm0, $0x42000000, v14;
	v9 =	vld [tilespmem:s14+$0xFFFFFE80];
	v7 =	vnsel vm1, $0x42000000, v7;
	v8 =	vadd.f32 v8, v11  }
0x57: {  	v11 =	vmul.f32 v6, v2;
	v13 =	vmul.f32 $6.999999880e-01, v13;
	v14 =	vld [tilespmem:s14+$0xFFFFFE90];
	vm0 =	vge.f32 v6, $2.000000000e+01  }
0x58: {  	v6 =	vmul.f32 v8, v3;
	v12 =	vmul.f32 $6.999999880e-01, v12;
	v16 =	vld [tilespmem:s14+$0x80];
	vm1 =	vge.f32 v8, $2.000000000e+01  }
0x59: {  	v5 =	vmin.f32 v5, v10;
	v8 =	vadd.f32 v13, v11;
	vm0 =	vmor vm0, vm1  }
0x5a: {  	v5 =	vmin.f32 v5, v7;
	v6 =	vadd.f32 v12, v6;
	v10 =	vld [tilespmem:s14+$0xFFFFFF00];
	v4 =	vnsel vm0, $0x42000000, v4  }
0x5b: {  	s0 =	sadd.s32 $0x7, s15;
	v7 =	vmul.f32 v8, v2;
	v9 =	vmul.f32 $6.999999880e-01, v9;
	v11 =	vld [tilespmem:s14+$0xFFFFFF10];
	v5 =	vmin.f32 v5, v4  }
0x5c: {  	s0 =	scvt.s32.f32 s0;
	vm0 =	vge.f32 v8, $2.000000000e+01;
	v4 =	vmul.f32 v6, v3;
	v8 =	vmul.f32 $6.999999880e-01, v14  }
0x5d: {  	vm1 =	vge.f32 v6, $2.000000000e+01;
	v6 =	vadd.f32 v9, v7;
	v7 =	vmul.f32 $6.999999880e-01, v16  }
0x5e: {  	s16 =	sadd.s32 $0x1, s15;
	vm0 =	vmor vm0, vm1;
	v8 =	vadd.f32 v8, v4;
	v9 =	vld [tilespmem:s14+$0xFFFFFF80];
	v4 =	vmov s0  }
0x5f: {  	s0 =	scvt.s32.f32 s16;
	vm1 =	vge.f32 v6, $2.000000000e+01;
	v6 =	vmul.f32 v6, v2;
	v10 =	vmul.f32 $6.999999880e-01, v10;
	v12 =	vld [tilespmem:s14+$0xFFFFFF90]  }
0x60: {  	vm2 =	vge.f32 v8, $2.000000000e+01;
	v8 =	vmul.f32 v8, v3;
	v11 =	vmul.f32 $6.999999880e-01, v11  }
0x61: {  	v13 =	vmov s0;
	vm1 =	vmor vm1, vm2;
	v6 =	vadd.f32 v10, v6  }
0x62: {  	s0 =	sadd.s32 $0x2, s15;
	v10 =	vnsel vm0, $0x42000000, v15;
	v13 =	vnsel vm1, $0x42000000, v13;
	v8 =	vadd.f32 v11, v8;
	v11 =	vld [tilespmem:s14+$0x0]  }
0x63: {  	s0 =	scvt.s32.f32 s0;
	vm0 =	vge.f32 v6, $2.000000000e+01;
	v6 =	vmul.f32 v6, v2;
	v9 =	vmul.f32 $6.999999880e-01, v9;
	v14 =	vld [tilespmem:s14+$0x10]  }
0x64: {  	vm1 =	vge.f32 v8, $2.000000000e+01;
	v8 =	vmul.f32 v8, v3;
	v12 =	vmul.f32 $6.999999880e-01, v12  }
0x65: {  	v15 =	vmov s0;
	vm0 =	vmor vm0, vm1;
	v6 =	vadd.f32 v9, v6  }
0x66: {  	v5 =	vmin.f32 v5, v10;
	s0 =	sadd.s32 $0x3, s15;
	v9 =	vnsel vm0, $0x42000000, v15;
	v8 =	vadd.f32 v12, v8  }
0x67: {  	s0 =	scvt.s32.f32 s0;
	vm0 =	vge.f32 v6, $2.000000000e+01;
	v6 =	vmul.f32 v6, v2;
	v10 =	vmul.f32 $6.999999880e-01, v11;
	v11 =	vld [tilespmem:s14+$0x90]  }
0x68: {  	vm1 =	vge.f32 v8, $2.000000000e+01;
	v8 =	vmul.f32 v8, v3;
	v12 =	vmul.f32 $6.999999880e-01, v14  }
0x69: {  	v14 =	vmov s0;
	vm0 =	vmor vm0, vm1;
	v6 =	vadd.f32 v10, v6  }
0x6a: {  	v5 =	vmin.f32 v5, v13;
	s0 =	sadd.s32 $0x4, s15;
	v10 =	vnsel vm0, $0x42000000, v14;
	v8 =	vadd.f32 v12, v8;
	v12 =	vld [tilespmem:s14+$0x100]  }
0x6b: {  	v5 =	vmin.f32 v5, v9;
	s0 =	scvt.s32.f32 s0;
	vm0 =	vge.f32 v6, $2.000000000e+01;
	v6 =	vmul.f32 v6, v2;
	v13 =	vld [tilespmem:s14+$0x110]  }
0x6c: {  	vm1 =	vge.f32 v8, $2.000000000e+01;
	v9 =	vmul.f32 v8, v3;
	v11 =	vmul.f32 $6.999999880e-01, v11  }
.Ltmp1:
0x6d: {  	v14 =	vmov s0;
	vm0 =	vmor vm0, vm1;
	v7 =	vadd.f32 v7, v6;
	v8 =	vld [tilespmem:s14+$0x190];
	(pc) =	sbr.rel @p0 .LBB2_4-.Ltmp1, $4  }
0x6e: {  	v5 =	vmin.f32 v5, v10;
	s0 =	sadd.s32 $0x6, s15;
	v6 =	vnsel vm0, $0x42000000, v14;
	v10 =	vadd.f32 v11, v9;
	v9 =	vld [tilespmem:s14+$0x180]  }
0x6f: {  	s15 =	sadd.s32 $0x5, s15;
	s16 =	scvt.s32.f32 s0;
	vm0 =	vge.f32 v7, $2.000000000e+01;
	v7 =	vmul.f32 v7, v2;
	v14 =	vmul.f32 $6.999999880e-01, v12  }
0x70: {  	s0 =	scvt.s32.f32 s15;
	vm1 =	vge.f32 v10, $2.000000000e+01;
	v11 =	vmul.f32 v10, v3;
	v12 =	vmul.f32 $6.999999880e-01, v13  }
0x71: {  	s14 =	sadd.s32 $0x2000, s14;
	vm0 =	vmor vm0, vm1;
	v10 =	vadd.f32 v14, v7;
	v7 =	vmov s16  }
0x72: {  	v11 =	vadd.f32 v12, v11  }
0x73: {  	v8 =	vmul.f32 $6.999999880e-01, v8;
	v2 =	vmul.f32 v10, v2  }
0x74: {  	v9 =	vmul.f32 $6.999999880e-01, v9;
	v3 =	vmul.f32 v11, v3  }
0x75: {  	v62 =	vmov s0  }
0x76: {  	v5 =	vmin.f32 v5, v6;
	s12 =	sadd.s32 $0x1, s12;
	v2 =	vadd.f32 v9, v2;
	v3 =	vadd.f32 v8, v3  }
0x77: {  	vm1 =	vge.f32 v10, $2.000000000e+01;
	v63 =	vnsel vm0, $0x42000000, v62;
	p0 =	sne.s32 s12, $0x20;
	vm2 =	vge.f32 v11, $2.000000000e+01  }
.Ltmp2:
0x78: {  	vm1 =	vmor vm1, vm2;
	vm14 =	vge.f32 v2, $2.000000000e+01;
	vm15 =	vge.f32 v3, $2.000000000e+01;
	(pc) =	sbr.rel @p0 .LBB2_3-.Ltmp2, $4  }
0x79: {  	v2 =	vnsel vm1, $0x42000000, v7;
	v3 =	vmin.f32 v5, v63;
	vm0 =	vmor vm14, vm15  }
0x7a: {  	v2 =	vmin.f32 v3, v2;
	v3 =	vnsel vm0, $0x42000000, v4  }
0x7b: {  	v2 =	vmin.f32 v2, v3  }
0x7c: {  	s11 =	sadd.s32 $0x100, s11;
	s6 =	sadd.s32 $0x1, s6;
	v0 =	vmin.f32 v0, v2  }
0x7d: {  	s6 =	sshll.u32 s9, $0x6  }
0x7e: {  	s0 =	sshrl.u32 s6, $0x2  }
0x7f: {  	[tilespmem:$0xE900] =	vst v0;
	s5 =	simm.s32 $0xE900;
	s0 =	sadd.s32 s0, s8  }
0x80: {  	[spmem:s0] =	stream.linear.scatter [tilespmem:s5], [sflag:$0x2], $0x10, $0x38;
	[tilespmem:$0xF438] =	vst v63  }
0x81: {  	s5 =	simm.s32 $0x2  }
0x82: {  	_ =	swait.ge [sflag:s5], $0x10  }
0x83: {  	[sflag:s5] =	ssyncset.done $0x0  }
0x84: {  	[sflag:s5] =	ssyncadd.s32 $0xFFFFFFF0  }
0x85: {  	s14 =	simm.s32 $0xE980;
	[bflag:$0x0] =	sbarrier.arrive $0xFFFF  }
0x86: {  	[tilespmem:s14], [sflag:$0x2] =	stream.linear.gather [spmem:s8], $0x100, $0x38;
	[tilespmem:$0xF438] =	vst v63  }
0x87: {  	_ =	swait.ge [sflag:s5], $0x100  }
0x88: {  	[sflag:s5] =	ssyncset.done $0x0  }
0x89: {  	[sflag:s5] =	ssyncadd.s32 $0xFFFFFF00  }
0x8a: {  	v53 =	vld [tilespmem:$0xE980]  }
0x8b: {  	v1 =	vld [tilespmem:$0xE990]  }
0x8c: {  	v2 =	vld [tilespmem:$0xE9A0]  }
0x8d: {  	v3 =	vld [tilespmem:$0xE9B0]  }
0x8e: {  	v4 =	vld [tilespmem:$0xE9C0]  }
0x8f: {  	v5 =	vld [tilespmem:$0xE9D0];
	v0 =	vmin.f32 v53, $3.200000000e+01  }
0x90: {  	v54 =	vld [tilespmem:$0xE9E0];
	v0 =	vmin.f32 v0, v1  }
0x91: {  	v55 =	vld [tilespmem:$0xE9F0];
	v0 =	vmin.f32 v0, v2  }
0x92: {  	v56 =	vld [tilespmem:$0xEA00];
	v0 =	vmin.f32 v0, v3  }
0x93: {  	v57 =	vld [tilespmem:$0xEA10];
	v0 =	vmin.f32 v0, v4  }
0x94: {  	v58 =	vld [tilespmem:$0xEA20];
	v0 =	vmin.f32 v0, v5  }
0x95: {  	v59 =	vld [tilespmem:$0xEA30];
	v0 =	vmin.f32 v0, v54  }
0x96: {  	v60 =	vld [tilespmem:$0xEA40];
	v0 =	vmin.f32 v0, v55  }
0x97: {  	v61 =	vld [tilespmem:$0xEA50];
	v0 =	vmin.f32 v0, v56  }
0x98: {  	v62 =	vld [tilespmem:$0xEA60];
	v0 =	vmin.f32 v0, v57  }
0x99: {  	v63 =	vld [tilespmem:$0xEA70];
	v0 =	vmin.f32 v0, v58  }
0x9a: {  	v0 =	vmin.f32 v0, v59  }
0x9b: {  	v0 =	vmin.f32 v0, v60  }
0x9c: {  	v0 =	vmin.f32 v0, v61  }
0x9d: {  	v0 =	vmin.f32 v0, v62  }
0x9e: {  	v0 =	vmin.f32 v0, v63  }
0x9f: {  	(v2sf) =	vpush v0, $0x0  }
0xa0: {  	(v2sf) =	vpush v0, $0x1  }
0xa1: {  	(v2sf) =	vpush v0, $0x2  }
0xa2: {  	(v2sf) =	vpush v0, $0x3  }
0xa3: {  	(v2sf) =	vpush v0, $0x4  }
0xa4: {  	(v2sf) =	vpush v0, $0x5  }
0xa5: {  	(v2sf) =	vpush v0, $0x6  }
0xa6: {  	(v2sf) =	vpush v0, $0x7  }
0xa7: {  	(v2sf) =	vpush v0, $0x8  }
0xa8: {  	(v2sf) =	vpush v0, $0x9  }
0xa9: {  	(v2sf) =	vpush v0, $0xA  }
0xaa: {  	(v2sf) =	vpush v0, $0xB  }
0xab: {  	(v2sf) =	vpush v0, $0xC  }
0xac: {  	(v2sf) =	vpush v0, $0xD  }
0xad: {  	(v2sf) =	vpush v0, $0xE  }
0xae: {  	s15 =	spop (v2sf);
	(v2sf) =	vpush v0, $0xF  }
0xaf: {  	s16 =	spop (v2sf)  }
0xb0: {  	s0 =	smin.f32 s15, s16;
	s17 =	spop (v2sf)  }
0xb1: {  	s0 =	smin.f32 s0, s17;
	s18 =	spop (v2sf)  }
0xb2: {  	s0 =	smin.f32 s0, s18;
	s19 =	spop (v2sf)  }
0xb3: {  	s0 =	smin.f32 s0, s19;
	s20 =	spop (v2sf)  }
0xb4: {  	s0 =	smin.f32 s0, s20;
	s21 =	spop (v2sf)  }
0xb5: {  	s0 =	smin.f32 s0, s21;
	s22 =	spop (v2sf)  }
0xb6: {  	s0 =	smin.f32 s0, s22;
	s23 =	spop (v2sf)  }
0xb7: {  	s0 =	smin.f32 s0, s23;
	s24 =	spop (v2sf)  }
0xb8: {  	s0 =	smin.f32 s0, s24;
	s25 =	spop (v2sf)  }
0xb9: {  	s0 =	smin.f32 s0, s25;
	s26 =	spop (v2sf)  }
0xba: {  	s0 =	smin.f32 s0, s26;
	s28 =	spop (v2sf)  }
0xbb: {  	s0 =	smin.f32 s0, s28;
	s29 =	spop (v2sf)  }
0xbc: {  	s0 =	smin.f32 s0, s29;
	s30 =	spop (v2sf)  }
0xbd: {  	s0 =	smin.f32 s0, s30;
	s31 =	spop (v2sf)  }
0xbe: {  	s0 =	smin.f32 s0, s31  }
0xbf: {  	s8 =	scvt.f32.s32 s0;
	_ =	sdelay $0x1  }
0xc0: {  	p1 =	sgt.s32 s8, $0x1F  }
.Ltmp3:
0xc1: {  	_ = 	snop;
	(pc) =	sbr.rel @p1 .LBB2_32-.Ltmp3, $2  }
0xc2: {  	_ =	sdelay $0x2  }
0xc3: {  	s7 =	sadd.s32 s7, s10;
	p0 =	sne.s32 s9, $0x0  }
0xc4: {  	v0 =	vimm.f32 $0.0e+00  }
0xc5: {  	[tilespmem:$0xE980] =	vst v0  }
0xc6: {  	[tilespmem:$0xE990] =	vst v0  }
0xc7: {  	[tilespmem:$0xE9A0] =	vst v0  }
0xc8: {  	[tilespmem:$0xE9B0] =	vst v0  }
0xc9: {  	[tilespmem:$0xE9C0] =	vst v0  }
0xca: {  	[tilespmem:$0xE9D0] =	vst v0  }
0xcb: {  	[tilespmem:$0xE9E0] =	vst v0  }
0xcc: {  	[tilespmem:$0xE9F0] =	vst v0  }
0xcd: {  	[tilespmem:$0xEA00] =	vst v0  }
0xce: {  	[tilespmem:$0xEA10] =	vst v0  }
0xcf: {  	[tilespmem:$0xEA20] =	vst v0  }
0xd0: {  	[tilespmem:$0xEA30] =	vst v0  }
0xd1: {  	[tilespmem:$0xEA40] =	vst v0  }
0xd2: {  	[tilespmem:$0xEA50] =	vst v0  }
0xd3: {  	[tilespmem:$0xEA60] =	vst v0  }
0xd4: {  	[tilespmem:$0xEA70] =	vst v0  }
0xd5: {  	[tilespmem:$0xEA80] =	vst v0  }
0xd6: {  	[tilespmem:$0xEA90] =	vst v0  }
0xd7: {  	[tilespmem:$0xEAA0] =	vst v0  }
0xd8: {  	[tilespmem:$0xEAB0] =	vst v0  }
0xd9: {  	[tilespmem:$0xEAC0] =	vst v0  }
0xda: {  	[tilespmem:$0xEAD0] =	vst v0  }
0xdb: {  	[tilespmem:$0xEAE0] =	vst v0  }
0xdc: {  	[tilespmem:$0xEAF0] =	vst v0  }
0xdd: {  	[tilespmem:$0xEB00] =	vst v0  }
0xde: {  	[tilespmem:$0xEB10] =	vst v0  }
0xdf: {  	[tilespmem:$0xEB20] =	vst v0  }
0xe0: {  	[tilespmem:$0xEB30] =	vst v0  }
0xe1: {  	[tilespmem:$0xEB40] =	vst v0  }
0xe2: {  	[tilespmem:$0xEB50] =	vst v0  }
0xe3: {  	[tilespmem:$0xEB60] =	vst v0  }
0xe4: {  	[tilespmem:$0xEB70] =	vst v0  }
0xe5: {  	s0 =	simm.s32 @!p0 $0xE980;
	[tilespmem:$0xEB80] =	vst v0  }
0xe6: {  	[spmem:s3] =	stream.linear.scatter @!p0 [tilespmem:s0], [sflag:$0x2], $0x280, $0x38;
	[tilespmem:$0xF438] =	vst v63  }
0xe7: {  	[dreg:$0x9] =	wrdreg s7;
	s0 =	simm.s32 @!p0 $0x2  }
0xe8: {  	_ =	swait.ge @!p0 [sflag:s0], $0x280  }
0xe9: {  	s29 =	sshll.u32 s9, $0xB;
	[sflag:s0] =	ssyncset.done @!p0 $0x0  }
0xea: {  	s30 =	simm.s32 $0x80;
	s31 =	simm.s32 $0x100;
	s4 =	rddreg [dreg:$0x7]  }
0xeb: {  	s10 =	simm.s32 $0x9000;
	[sflag:s0] =	ssyncadd.s32 @!p0 $0xFFFFFD80;
	s9 =	sadd.s32 s29, s4  }
0xec: {  	[spmem:s9] =	stream.strided.scatter [tilespmem:s10], [sflag:$0x2], $0x400, s31, s30, $0x38;
	[tilespmem:$0xF438] =	vst v63  }
0xed: {  	_ =	swait.ge [sflag:s5], $0x400  }
0xee: {  	[sflag:s5] =	ssyncset.done $0x0  }
.Ltmp4:
0xef: {  	s11 =	sadd.s32 $0x80, s9;
	[sflag:s5] =	ssyncadd.s32 $0xFFFFFC00;
	(pc) =	sbr.rel .LBB2_8-.Ltmp4, $4  }
0xf0: {  	[spmem:s11] =	stream.strided.scatter [tilespmem:s10], [sflag:$0x2], $0x400, s31, s30, $0x38;
	[tilespmem:$0xF438] =	vst v63  }
0xf1: {  	_ =	swait.ge [sflag:s5], $0x400  }
0xf2: {  	[sflag:s5] =	ssyncset.done $0x0  }
0xf3: {  	p1 =	slt.s32 s8, $0x1;
	s0 =	simm.s32 $0x0;
	[sflag:s5] =	ssyncadd.s32 $0xFFFFFC00  }
.LBB2_11:
0xf4: {  	v0 =	vmul.f32 v3, v1;
	v1 =	vmul.f32 $6.999999880e-01, v2;
	_ =	sdelay $0x1  }
0xf5: {  	v0 =	vadd.f32 v1, v0  }
.LBB2_12:
0xf6: {  	s0 =	sadd.s32 $0x1, s0  }
0xf7: {  	p2 =	sne.s32 s0, $0x40  }
.Ltmp5:
0xf8: {  	_ = 	snop;
	(pc) =	sbr.rel @!p2 .LBB2_13-.Ltmp5, $2  }
0xf9: {  	_ =	sdelay $0x2  }
0xfa: {  	[tilespmem:s7+$0x8400] =	vst v0  }
.LBB2_8:
.Ltmp6:
0xfb: {  	(pc) =	sbr.rel @p1 .LBB2_12-.Ltmp6, $2  }
0xfc: {  	_ =	sdelay $0x2  }
0xfd: {  	s7 =	sshll.u32 s0, $0x4;
	v0 =	vimm.f32 $0.0e+00  }
0xfe: {  	s10 =	sand.u32 $0x70, s7  }
0xff: {  	v0 =	vmov s10  }
0x100: {  	s31 =	sshll.u32 s0, $0x7;
	s11 =	simm.s32 $0x0  }
0x101: {  	s10 =	sand.u32 $0x1C00, s31;
	s12 =	sand.u32 $0xFFFFE000, s11  }
0x102: {  	s11 =	sand.u32 $0x380, s11;
	s12 =	sor.u32 s12, s10  }
0x103: {  	v1 =	vld [tilespmem:s7+$0x8000];
	p2 =	sne.s32 s8, $0x1;
	s12 =	sadd.s32 s11, s12  }
.Ltmp7:
0x104: {  	v2 =	vld.idx.msk [tilespmem:v0+s12+$0x0 ss:$0x1], $0xffff;
	(pc) =	sbr.rel @!p2 .LBB2_11-.Ltmp7, $2  }
0x105: {  	_ =	sdelay $0x2  }
0x106: {  	v3 =	vimm.f32 $0.0e+00;
	s13 =	simm.s32 $0x400;
	s11 =	sadd.s32 $0xFFFFFFFF, s8;
	s12 =	simm.s32 $0x80  }
.LBB2_10:
0x107: {  	s14 =	sand.u32 $0xFFFFE000, s13;
	p2 =	sne.s32 s11, $0x1;
	s11 =	sadd.s32 $0xFFFFFFFF, s11  }
.Ltmp8:
0x108: {  	s15 =	sand.u32 $0x380, s12;
	s14 =	sor.u32 s14, s10;
	(pc) =	sbr.rel @p2 .LBB2_10-.Ltmp8, $3  }
0x109: {  	s14 =	sadd.s32 s15, s14  }
0x10a: {  	v3 =	vmul.f32 v3, v1;
	v4 =	vmul.f32 $6.999999880e-01, v2;
	v2 =	vld.idx.msk [tilespmem:v0+s14+$0x0 ss:$0x1], $0xffff;
	_ =	sdelay $0x1  }
0x10b: {  	s12 =	sadd.s32 $0x80, s12;
	s13 =	sadd.s32 $0x400, s13;
	v3 =	vadd.f32 v4, v3  }
.Ltmp9:
0x10c: {  	_ = 	snop;
	(pc) =	sbr.rel .LBB2_11-.Ltmp9, $1  }
0x10d: {  	_ =	sdelay $0x3  }
.LBB2_13:
.Ltmp10:
0x10e: {  	(pc) =	sbr.rel .LBB2_14-.Ltmp10, $4  }
0x10f: {  	[bflag:$0x0] =	sbarrier.arrive $0xFFFF  }
0x110: {  	s18 =	simm.s32 $0x0;
	s10 =	simm.s32 $0xE900;
	s11 =	simm.s32 $0x2;
	v0 =	vlaneseq.u32  }
0x111: {  	s12 =	simm.s32 $0x80;
	s13 =	simm.s32 $0x100;
	s14 =	simm.s32 $0x9400;
	v1 =	vmul.u32 $0xA4, v0  }
0x112: {  	vm0 =	vmxor vm0, vm0;
	s15 =	simm.s32 $0xD400;
	s16 =	simm.s32 $0xDE80;
	v2 =	vimm.f32 $0.0e+00;
	s17 =	simm.s32 $0x9000;
	vm1 =	vmmov $0xffff  }
.LBB2_28:
0x113: {  	p1 =	sgt.s32 s20, $0x0;
	s0 =	simm.s32 $0x1  }
0x114: {  	s0 =	simm.s32 @!p1 $0x0;
	p1 =	sne.s32 s8, $0x20  }
.Ltmp11:
0x115: {  	_ = 	snop;
	(pc) =	sbr.rel @!p1 .LBB2_29-.Ltmp11, $4  }
0x116: {  	p2 =	seq.s32 s19, $0x0  }
0x117: {  	s18 =	smov.u32 @p2 s0;
	s0 =	smov.u32 @p2 s21  }
0x118: {  	[bflag:$0x0] =	sbarrier.arrive $0xFFFF;
	s0 =	sshll.u32 s0, $0x1  }
0x119: {  	s18 =	sor.u32 s18, s0  }
.LBB2_14:
0x11a: {  	s0 =	sshll.u32 s8, $0x6  }
0x11b: {  	s0 =	sshra.s32 s0, $0x2  }
0x11c: {  	s0 =	sadd.s32 s0, s3  }
0x11d: {  	[tilespmem:s10], [sflag:$0x2] =	stream.linear.gather [spmem:s0], $0x10, $0x38;
	[tilespmem:$0xF438] =	vst v63  }
0x11e: {  	_ =	swait.ge [sflag:s11], $0x10  }
0x11f: {  	[sflag:s11] =	ssyncset.done $0x0  }
0x120: {  	[sflag:s11] =	ssyncadd.s32 $0xFFFFFFF0  }
0x121: {  	v3 =	vld [tilespmem:$0xE900];
	_ =	sdelay $0x4  }
0x122: {  	vm2 =	vgt.f32 v3, $0.0e+00  }
0x123: {  	v3 =	vmpcnt.ones.xlane vm2;
	_ =	sdelay $0x1  }
0x124: {  	(v2sf) =	vpush v3, $0x0;
	_ =	sdelay $0xe  }
0x125: {  	s31 =	spop (v2sf)  }
0x126: {  	p1 =	slt.s32 s31, $0x1  }
.Ltmp12:
0x127: {  	_ = 	snop;
	(pc) =	sbr.rel @p1 .LBB2_19-.Ltmp12, $2  }
0x128: {  	_ =	sdelay $0x2  }
0x129: {  	s19 =	smov.u32 s8;
	s8 =	sadd.s32 $0x1, s8  }
0x12a: {  	s0 =	sshrl.u32 s8, $0x1F  }
0x12b: {  	s0 =	sadd.s32 s0, s8  }
0x12c: {  	s0 =	sand.u32 $0xFFFFFFFE, s0  }
0x12d: {  	s0 =	ssub.s32 s8, s0  }
0x12e: {  	s4 =	rddreg [dreg:$0x7];
	s7 =	sand.u32 $0xFFFF8000, s0;
	s0 =	sshll.u32 s0, $0x7  }
0x12f: {  	s0 =	sand.u32 $0x80, s0;
	s7 =	sadd.s32 s7, s4  }
0x130: {  	s30 =	sshll.u32 s19, $0xA;
	s0 =	sadd.s32 s0, s7  }
0x131: {  	[tilespmem:s14], [sflag:$0x2] =	stream.strided.gather [spmem:s0], $0x4000, s13, s12, $0x38;
	[tilespmem:$0xF438] =	vst v63  }
0x132: {  	s31 =	sshll.u32 s19, $0x7;
	s21 =	simm.s32 $0x0;
	_ =	swait.ge [sflag:s11], $0x4000  }
0x133: {  	s7 =	sand.u32 $0x380, s31;
	s0 =	sand.u32 $0xFFFFE000, s30;
	[sflag:s11] =	ssyncset.done $0x0  }
0x134: {  	vm2 =	vmmov vm0;
	s22 =	simm.s32 $0x0;
	s20 =	sor.u32 s7, s0;
	[sflag:s11] =	ssyncadd.s32 $0xFFFFC000  }
.LBB2_16:
0x135: {  	s0 =	sor.u32 s6, s22  }
0x136: {  	s0 =	smul.u32 $0x148, s0;
	_ =	sdelay $0x1  }
0x137: {  	s7 =	sadd.s32 s1, s0  }
0x138: {  	[tilespmem:s15], [sflag:$0x2] =	stream.linear.gather [hbm4b:s7+s21], $0xA40, $0x38;
	[tilespmem:$0xF438] =	vst v63  }
0x139: {  	_ =	swait.ge [sflag:s11], $0xA40  }
0x13a: {  	[sflag:s11] =	ssyncset.done $0x0  }
0x13b: {  	v3 =	vadd.s32 s21, v1;
	s24 =	simm.s32 $0x1;
	s0 =	sadd.s32 s2, s0;
	[sflag:s11] =	ssyncadd.s32 $0xFFFFF5C0  }
0x13c: {  	v5 =	vadd.s32 s24, v1;
	[tilespmem:s16], [sflag:$0x2] =	stream.linear.gather [hbm4b:s0+s21], $0xA40, $0x38;
	[tilespmem:$0xF438] =	vst v63  }
0x13d: {  	s25 =	simm.s32 $0x2;
	_ =	swait.ge [sflag:s11], $0xA40  }
0x13e: {  	s26 =	simm.s32 $0x4;
	v6 =	vadd.s32 s25, v1;
	[sflag:s11] =	ssyncset.done $0x0  }
0x13f: {  	s28 =	simm.s32 $0x3;
	v11 =	vadd.s32 s26, v1;
	[sflag:s11] =	ssyncadd.s32 $0xFFFFF5C0  }
0x140: {  	v4 =	vadd.s32 s28, v1;
	v9 =	vld.idx.msk [tilespmem:v3+s15+$0x0], $0xffff  }
0x141: {  	v10 =	vld.idx.msk [tilespmem:v5+s15+$0x0], $0xffff  }
0x142: {  	v12 =	vld.idx.msk [tilespmem:v3+s16+$0x0], $0xffff  }
0x143: {  	v13 =	vld.idx.msk [tilespmem:v6+s15+$0x0], $0xffff  }
0x144: {  	v7 =	vld.idx.msk [tilespmem:v11+s15+$0x0], $0xffff  }
0x145: {  	v14 =	vld.idx.msk [tilespmem:v4+s15+$0x0], $0xffff  }
0x146: {  	v8 =	vld.idx.msk [tilespmem:v4+s16+$0x0], $0xffff  }
0x147: {  	s29 =	simm.s32 $0x5;
	v15 =	vld.idx.msk [tilespmem:v5+s16+$0x0], $0xffff  }
0x148: {  	v4 =	vadd.s32 s29, v1;
	v9 =	vld.idx.msk [tilespmem:v9+s14+$0x0], $0xffff  }
0x149: {  	s30 =	simm.s32 $0x6;
	v17 =	vld.idx.msk [tilespmem:v6+s16+$0x0], $0xffff  }
0x14a: {  	s23 =	simm.s32 $0x8;
	v5 =	vadd.s32 s30, v1;
	v16 =	vld.idx.msk [tilespmem:v10+s14+$0x0], $0xffff  }
0x14b: {  	s31 =	simm.s32 $0x7;
	v3 =	vadd.s32 s23, v1;
	v6 =	vld.idx.msk [tilespmem:v11+s16+$0x0], $0xffff  }
0x14c: {  	v19 =	vadd.s32 s31, v1;
	v18 =	vld.idx.msk [tilespmem:v13+s14+$0x0], $0xffff  }
0x14d: {  	v10 =	vld.idx.msk [tilespmem:v4+s15+$0x0], $0xffff;
	v9 =	vmul.f32 v9, v12  }
0x14e: {  	v14 =	vld.idx.msk [tilespmem:v14+s14+$0x0], $0xffff;
	v12 =	vimm.f32 $0.0e+00  }
0x14f: {  	v11 =	vld.idx.msk [tilespmem:v5+s15+$0x0], $0xffff;
	v15 =	vmul.f32 v16, v15;
	v12 =	vadd.f32 v9, v12  }
0x150: {  	v13 =	vld.idx.msk [tilespmem:v3+s15+$0x0], $0xffff  }
0x151: {  	v16 =	vmul.f32 v18, v17;
	v9 =	vld.idx.msk [tilespmem:v19+s15+$0x0], $0xffff;
	v15 =	vadd.f32 v15, v12  }
0x152: {  	s7 =	simm.s32 $0x9;
	s0 =	simm.s32 $0xC;
	v12 =	vld.idx.msk [tilespmem:v19+s16+$0x0], $0xffff  }
.LBB2_17:
0x153: {  	p1 =	slt.u32 s0, $0xA0;
	v17 =	vadd.s32 s7, v1;
	v18 =	vld.idx.msk [tilespmem:v7+s14+$0x0], $0xffff;
	v20 =	vadd.f32 v16, v15;
	v8 =	vmul.f32 v14, v8  }
0x154: {  	v15 =	vld.idx.msk [tilespmem:v4+s16+$0x0], $0xffff;
	v4 =	vmov v17  }
0x155: {  	s7 =	sadd.s32 $0x2, s23;
	v16 =	vld.idx.msk [tilespmem:v10+s14+$0x0], $0xffff;
	v19 =	vadd.f32 v8, v20;
	v7 =	vmov v13  }
0x156: {  	v20 =	vld.idx.msk [tilespmem:v5+s16+$0x0], $0xffff;
	v5 =	vadd.s32 s7, v1  }
0x157: {  	v13 =	vadd.s32 s0, v1;
	s7 =	sadd.s32 $0x3, s23;
	s23 =	smov.u32 s0;
	v21 =	vld.idx.msk [tilespmem:v11+s14+$0x0], $0xffff  }
0x158: {  	v8 =	vmov v12;
	v10 =	vld.idx.msk [tilespmem:v17+s15+$0x0], $0xffff;
	v17 =	vadd.s32 s7, v1  }
0x159: {  	v12 =	vmul.f32 v18, v6;
	v14 =	vld.idx.msk [tilespmem:v9+s14+$0x0], $0xffff  }
.Ltmp13:
0x15a: {  	v6 =	vld.idx.msk [tilespmem:v3+s16+$0x0], $0xffff;
	v3 =	vmov v13;
	(pc) =	sbr.rel @p1 .LBB2_17-.Ltmp13, $4  }
0x15b: {  	v12 =	vadd.f32 v12, v19;
	v15 =	vmul.f32 v16, v15;
	v11 =	vld.idx.msk [tilespmem:v5+s15+$0x0], $0xffff  }
0x15c: {  	v13 =	vld.idx.msk [tilespmem:v13+s15+$0x0], $0xffff  }
0x15d: {  	v15 =	vadd.f32 v15, v12;
	v16 =	vmul.f32 v21, v20;
	v9 =	vld.idx.msk [tilespmem:v17+s15+$0x0], $0xffff  }
0x15e: {  	s0 =	sadd.s32 $0x4, s0;
	s7 =	sadd.s32 $0x1, s23;
	v12 =	vld.idx.msk [tilespmem:v17+s16+$0x0], $0xffff  }
0x15f: {  	_ =	sdelay $0x2  }
0x160: {  	v17 =	vadd.s32 s7, v1  }
0x161: {  	v7 =	vld.idx.msk [tilespmem:v7+s14+$0x0], $0xffff;
	s0 =	sadd.s32 $0x2, s23  }
0x162: {  	v4 =	vld.idx.msk [tilespmem:v4+s16+$0x0], $0xffff;
	v18 =	vadd.s32 s0, v1  }
0x163: {  	v10 =	vld.idx.msk [tilespmem:v10+s14+$0x0], $0xffff;
	s28 =	sadd.s32 $0x3, s23  }
0x164: {  	v5 =	vld.idx.msk [tilespmem:v5+s16+$0x0], $0xffff;
	v19 =	vadd.s32 s28, v1  }
0x165: {  	v20 =	vld.idx.msk [tilespmem:v17+s15+$0x0], $0xffff  }
0x166: {  	v15 =	vadd.f32 v16, v15;
	v8 =	vmul.f32 v14, v8;
	v11 =	vld.idx.msk [tilespmem:v11+s14+$0x0], $0xffff  }
0x167: {  	v43 =	vld.idx.msk [tilespmem:v18+s15+$0x0], $0xffff  }
0x168: {  	v8 =	vadd.f32 v8, v15;
	v44 =	vld.idx.msk [tilespmem:v9+s14+$0x0], $0xffff;
	v6 =	vmul.f32 v7, v6  }
0x169: {  	v45 =	vld.idx.msk [tilespmem:v19+s15+$0x0], $0xffff  }
0x16a: {  	v3 =	vld.idx.msk [tilespmem:v3+s16+$0x0], $0xffff;
	v4 =	vmul.f32 v10, v4;
	v6 =	vadd.f32 v6, v8  }
0x16b: {  	v46 =	vld.idx.msk [tilespmem:v13+s14+$0x0], $0xffff  }
0x16c: {  	v47 =	vld.idx.msk [tilespmem:v17+s16+$0x0], $0xffff;
	v5 =	vmul.f32 v11, v5;
	v4 =	vadd.f32 v4, v6  }
0x16d: {  	v48 =	vld.idx.msk [tilespmem:v20+s14+$0x0], $0xffff  }
0x16e: {  	v50 =	vld.idx.msk [tilespmem:v18+s16+$0x0], $0xffff;
	v49 =	vmul.f32 v44, v12;
	v4 =	vadd.f32 v5, v4  }
0x16f: {  	v51 =	vld.idx.msk [tilespmem:v43+s14+$0x0], $0xffff  }
0x170: {  	v52 =	vld.idx.msk [tilespmem:v19+s16+$0x0], $0xffff;
	v3 =	vmul.f32 v46, v3;
	v4 =	vadd.f32 v49, v4  }
0x171: {  	s29 =	sshll.u32 s22, $0x4;
	s30 =	sshll.u32 s22, $0x7;
	v53 =	vld.idx.msk [tilespmem:v45+s14+$0x0], $0xffff  }
0x172: {  	v55 =	vld [tilespmem:s29+$0x8000];
	s7 =	sand.u32 $0x1C00, s30;
	v3 =	vadd.f32 v3, v4;
	v54 =	vmul.f32 v48, v47  }
0x173: {  	s31 =	sand.u32 $0x70, s29;
	v56 =	vld [tilespmem:s29+$0x8400];
	s7 =	sadd.s32 s7, s20  }
0x174: {  	s7 =	sadd.s32 s31, s7;
	v57 =	vmul.f32 v51, v50;
	v3 =	vadd.f32 v54, v3  }
0x175: {  	v58 =	vld [tilespmem:s7+$0x0]  }
0x176: {  	v59 =	vmul.f32 v53, v52;
	v3 =	vadd.f32 v57, v3;
	_ =	sdelay $0x1  }
0x177: {  	v60 =	vmul.f32 v56, v55;
	v3 =	vadd.f32 v59, v3  }
0x178: {  	v61 =	vld [tilespmem:s29+$0x8800]  }
0x179: {  	v62 =	vmul.f32 $6.999999880e-01, v58;
	v3 =	vadd.f32 v60, v3;
	_ =	sdelay $0x1  }
0x17a: {  	s22 =	sadd.s32 $0x1, s22;
	v3 =	vadd.f32 v3, v62  }
0x17b: {  	p1 =	seq.s32 s22, $0x40  }
.Ltmp14:
0x17c: {  	vm4 =	vle.f32 v61, $0.0e+00;
	v63 =	vadd.f32 $-1.000000000e+00, v61;
	vm3 =	vge.f32 v3, $2.000000000e+01;
	(pc) =	sbr.rel @!p1 .LBB2_16-.Ltmp14, $4  }
.Ltmp15:
0x17d: {  	vm3 =	vmand vm4, vm3;
	(pc) =	sbr.rel @p1 .LBB2_22-.Ltmp15, $4  }
0x17e: {  	v4 =	vmax.f32 v63, $0.0e+00;
	v3 =	vsel vm3, $0x0, v3  }
0x17f: {  	[tilespmem:s29+$0x8400] =	vst v3;
	v3 =	vsel vm3, $0x41A00000, v4  }
0x180: {  	vm2 =	vmor vm2, vm3;
	[tilespmem:s29+$0x8800] =	vst v3  }
0x181: {  	_ = 	snop  }
.LBB2_19:
0x182: {  	s0 =	sshll.u32 s19, $0xA;
	s21 =	simm.s32 $0x0;
	s26 =	sshll.u32 s19, $0x7  }
0x183: {  	s7 =	simm.s32 $0x8000;
	s20 =	sand.u32 $0xFFFFE000, s0;
	s23 =	sand.u32 $0x1C00, s21  }
0x184: {  	s24 =	simm.s32 $0x8400;
	s22 =	sand.u32 $0x380, s26;
	v3 =	vld [tilespmem:s7+$0x0];
	s29 =	sadd.s32 s23, s20  }
0x185: {  	s7 =	sand.u32 $0x40, s21;
	v4 =	vld [tilespmem:s24+$0x0];
	s0 =	sadd.s32 s22, s29  }
0x186: {  	s31 =	sadd.s32 s7, s0  }
0x187: {  	v5 =	vld [tilespmem:s31+$0x0];
	_ =	sdelay $0x2  }
0x188: {  	s4 =	simm.s32 $0x8800;
	v3 =	vmul.f32 v4, v3  }
0x189: {  	v4 =	vld [tilespmem:s4+$0x0]  }
0x18a: {  	v3 =	vadd.f32 $0.0e+00, v3;
	v5 =	vmul.f32 $6.999999880e-01, v5;
	_ =	sdelay $0x1  }
0x18b: {  	v3 =	vadd.f32 v3, v5;
	_ =	sdelay $0x1  }
0x18c: {  	vm3 =	vle.f32 v4, $0.0e+00;
	v4 =	vadd.f32 $-1.000000000e+00, v4;
	vm2 =	vge.f32 v3, $2.000000000e+01  }
0x18d: {  	vm2 =	vmand vm3, vm2  }
0x18e: {  	v4 =	vmax.f32 v4, $0.0e+00;
	v3 =	vsel vm2, $0x0, v3  }
0x18f: {  	s25 =	sand.u32 $0x380, s21;
	s5 =	sor.u32 $0x10, s7;
	[tilespmem:s24+$0x0] =	vst v3;
	v3 =	vsel vm2, $0x41A00000, v4  }
0x190: {  	s26 =	sor.u32 s25, s5;
	[tilespmem:s4+$0x0] =	vst v3  }
0x191: {  	v3 =	vld [tilespmem:s26+$0x8000]  }
0x192: {  	v4 =	vld [tilespmem:s26+$0x8400]  }
0x193: {  	s24 =	sadd.s32 s5, s0  }
0x194: {  	v5 =	vld [tilespmem:s24+$0x0];
	_ =	sdelay $0x2  }
0x195: {  	v3 =	vmul.f32 v4, v3  }
0x196: {  	v4 =	vld [tilespmem:s26+$0x8800]  }
0x197: {  	v5 =	vmul.f32 $6.999999880e-01, v5;
	v3 =	vadd.f32 $0.0e+00, v3;
	_ =	sdelay $0x1  }
0x198: {  	v3 =	vadd.f32 v3, v5;
	_ =	sdelay $0x1  }
0x199: {  	v5 =	vadd.f32 $-1.000000000e+00, v4;
	vm4 =	vle.f32 v4, $0.0e+00;
	vm3 =	vge.f32 v3, $2.000000000e+01  }
0x19a: {  	vm4 =	vmand vm4, vm3  }
0x19b: {  	v4 =	vmax.f32 v5, $0.0e+00;
	v3 =	vsel vm4, $0x0, v3  }
0x19c: {  	s29 =	sor.u32 $0x20, s7;
	v4 =	vsel vm4, $0x41A00000, v4;
	[tilespmem:s26+$0x8400] =	vst v3  }
0x19d: {  	s31 =	sor.u32 s25, s29;
	[tilespmem:s26+$0x8800] =	vst v4  }
0x19e: {  	v3 =	vld [tilespmem:s31+$0x8000]  }
0x19f: {  	v4 =	vld [tilespmem:s31+$0x8400]  }
0x1a0: {  	s24 =	sadd.s32 s29, s0  }
0x1a1: {  	v5 =	vld [tilespmem:s24+$0x0];
	_ =	sdelay $0x2  }
0x1a2: {  	v3 =	vmul.f32 v4, v3  }
0x1a3: {  	v4 =	vld [tilespmem:s31+$0x8800]  }
0x1a4: {  	v5 =	vmul.f32 $6.999999880e-01, v5;
	v3 =	vadd.f32 $0.0e+00, v3;
	_ =	sdelay $0x1  }
0x1a5: {  	v3 =	vadd.f32 v3, v5;
	_ =	sdelay $0x1  }
0x1a6: {  	v5 =	vadd.f32 $-1.000000000e+00, v4;
	vm5 =	vle.f32 v4, $0.0e+00;
	vm3 =	vge.f32 v3, $2.000000000e+01  }
0x1a7: {  	vm5 =	vmand vm5, vm3  }
0x1a8: {  	v4 =	vmax.f32 v5, $0.0e+00;
	v3 =	vsel vm5, $0x0, v3  }
0x1a9: {  	s7 =	sor.u32 $0x30, s7;
	v4 =	vsel vm5, $0x41A00000, v4;
	[tilespmem:s31+$0x8400] =	vst v3  }
0x1aa: {  	s30 =	sor.u32 s25, s7;
	[tilespmem:s31+$0x8800] =	vst v4  }
0x1ab: {  	v3 =	vld [tilespmem:s30+$0x8000]  }
0x1ac: {  	v4 =	vld [tilespmem:s30+$0x8400]  }
0x1ad: {  	s0 =	sadd.s32 s7, s0  }
0x1ae: {  	v5 =	vld [tilespmem:s0+$0x0];
	_ =	sdelay $0x2  }
0x1af: {  	v4 =	vmul.f32 v4, v3;
	v3 =	vld [tilespmem:s30+$0x8800]  }
0x1b0: {  	s28 =	simm.s32 $0x0;
	s23 =	simm.s32 $0x0  }
0x1b1: {  	s25 =	simm.s32 $0x8440;
	s26 =	simm.s32 $0x8840;
	s24 =	simm.s32 $0x8040;
	vm3 =	vmmov vm0;
	v5 =	vmul.f32 $6.999999880e-01, v5;
	v4 =	vadd.f32 $0.0e+00, v4  }
.LBB2_20:
0x1b2: {  	s23 =	sadd.s32 $0x4, s23;
	s21 =	sadd.s32 $0x200, s21;
	s28 =	sadd.s32 $0x40, s28  }
0x1b3: {  	p1 =	slt.u32 s23, $0x3C;
	v4 =	vadd.f32 v4, v5  }
0x1b4: {  	vm2 =	vmor vm3, vm2;
	v5 =	vadd.f32 $-1.000000000e+00, v3  }
0x1b5: {  	vm2 =	vmor vm2, vm4;
	vm4 =	vle.f32 v3, $0.0e+00;
	vm3 =	vge.f32 v4, $2.000000000e+01  }
0x1b6: {  	vm2 =	vmor vm2, vm5;
	v3 =	vmax.f32 v5, $0.0e+00;
	vm3 =	vmand vm4, vm3  }
0x1b7: {  	v4 =	vsel vm3, $0x0, v4;
	v3 =	vsel vm3, $0x41A00000, v3;
	vm3 =	vmor vm2, vm3  }
0x1b8: {  	s0 =	sand.u32 $0x1C00, s21;
	[tilespmem:s30+$0x8400] =	vst v4  }
0x1b9: {  	s0 =	sadd.s32 s0, s20;
	[tilespmem:s30+$0x8800] =	vst v3  }
0x1ba: {  	s29 =	sadd.s32 s22, s0;
	s30 =	sand.u32 $0x40, s28;
	v3 =	vld [tilespmem:s24+$0x0]  }
0x1bb: {  	s0 =	sadd.s32 s30, s29;
	s7 =	sor.u32 $0x20, s30;
	v4 =	vld [tilespmem:s25+$0x0]  }
0x1bc: {  	v5 =	vld [tilespmem:s0+$0x0];
	s0 =	sadd.s32 s7, s29;
	_ =	sdelay $0x3  }
0x1bd: {  	v3 =	vmul.f32 v4, v3  }
0x1be: {  	v4 =	vld [tilespmem:s26+$0x0];
	v5 =	vmul.f32 $6.999999880e-01, v5  }
0x1bf: {  	v3 =	vadd.f32 $0.0e+00, v3;
	_ =	sdelay $0x1  }
0x1c0: {  	v3 =	vadd.f32 v3, v5;
	_ =	sdelay $0x1  }
0x1c1: {  	vm2 =	vge.f32 v3, $2.000000000e+01;
	vm4 =	vle.f32 v4, $0.0e+00;
	v4 =	vadd.f32 $-1.000000000e+00, v4  }
0x1c2: {  	vm2 =	vmand vm4, vm2  }
0x1c3: {  	v3 =	vsel vm2, $0x0, v3;
	v4 =	vmax.f32 v4, $0.0e+00  }
0x1c4: {  	s31 =	sand.u32 $0x380, s28;
	s4 =	sor.u32 $0x10, s30;
	[tilespmem:s25+$0x0] =	vst v3;
	v3 =	vsel vm2, $0x41A00000, v4  }
0x1c5: {  	s5 =	sor.u32 s31, s4;
	[tilespmem:s26+$0x0] =	vst v3  }
0x1c6: {  	v3 =	vld [tilespmem:s5+$0x8000]  }
0x1c7: {  	v4 =	vld [tilespmem:s5+$0x8400]  }
0x1c8: {  	s4 =	sadd.s32 s4, s29  }
0x1c9: {  	v5 =	vld [tilespmem:s4+$0x0];
	_ =	sdelay $0x2  }
0x1ca: {  	v6 =	vld [tilespmem:s5+$0x8800];
	v3 =	vmul.f32 v4, v3;
	_ =	sdelay $0x1  }
0x1cb: {  	v3 =	vadd.f32 $0.0e+00, v3;
	v4 =	vmul.f32 $6.999999880e-01, v5;
	_ =	sdelay $0x1  }
0x1cc: {  	v3 =	vadd.f32 v3, v4  }
0x1cd: {  	v4 =	vadd.f32 $-1.000000000e+00, v6  }
0x1ce: {  	vm5 =	vle.f32 v6, $0.0e+00;
	vm4 =	vge.f32 v3, $2.000000000e+01  }
0x1cf: {  	vm4 =	vmand vm5, vm4;
	v4 =	vmax.f32 v4, $0.0e+00  }
0x1d0: {  	v3 =	vsel vm4, $0x0, v3;
	v4 =	vsel vm4, $0x41A00000, v4  }
0x1d1: {  	[tilespmem:s5+$0x8400] =	vst v3  }
0x1d2: {  	s4 =	sor.u32 s31, s7;
	[tilespmem:s5+$0x8800] =	vst v4  }
0x1d3: {  	v3 =	vld [tilespmem:s4+$0x8000]  }
0x1d4: {  	v4 =	vld [tilespmem:s4+$0x8400]  }
0x1d5: {  	v5 =	vld [tilespmem:s4+$0x8800]  }
0x1d6: {  	v6 =	vld [tilespmem:s0+$0x0];
	_ =	sdelay $0x2  }
0x1d7: {  	v3 =	vmul.f32 v4, v3;
	_ =	sdelay $0x1  }
0x1d8: {  	v3 =	vadd.f32 $0.0e+00, v3;
	v4 =	vmul.f32 $6.999999880e-01, v6;
	_ =	sdelay $0x1  }
0x1d9: {  	v3 =	vadd.f32 v3, v4  }
0x1da: {  	v4 =	vadd.f32 $-1.000000000e+00, v5  }
0x1db: {  	vm6 =	vle.f32 v5, $0.0e+00;
	vm5 =	vge.f32 v3, $2.000000000e+01  }
0x1dc: {  	v4 =	vmax.f32 v4, $0.0e+00;
	vm5 =	vmand vm6, vm5  }
0x1dd: {  	v3 =	vsel vm5, $0x0, v3;
	v4 =	vsel vm5, $0x41A00000, v4  }
0x1de: {  	s0 =	sor.u32 $0x30, s30;
	[tilespmem:s4+$0x8400] =	vst v3  }
0x1df: {  	s30 =	sor.u32 s31, s0;
	s0 =	sadd.s32 s0, s29;
	[tilespmem:s4+$0x8800] =	vst v4  }
0x1e0: {  	v4 =	vld [tilespmem:s30+$0x8000]  }
0x1e1: {  	v5 =	vld [tilespmem:s30+$0x8400]  }
0x1e2: {  	v6 =	vld [tilespmem:s0+$0x0]  }
0x1e3: {  	v3 =	vld [tilespmem:s30+$0x8800]  }
.Ltmp16:
0x1e4: {  	(pc) =	sbr.rel @p1 .LBB2_20-.Ltmp16, $3  }
0x1e5: {  	_ = 	snop  }
0x1e6: {  	v4 =	vmul.f32 v5, v4;
	_ =	sdelay $0x1  }
0x1e7: {  	s24 =	sadd.s32 $0x40, s24;
	s25 =	sadd.s32 $0x40, s25;
	s26 =	sadd.s32 $0x40, s26;
	v5 =	vmul.f32 $6.999999880e-01, v6;
	v4 =	vadd.f32 $0.0e+00, v4  }
0x1e8: {  	_ = 	snop  }
0x1e9: {  	v4 =	vadd.f32 v4, v5;
	_ =	sdelay $0x1  }
0x1ea: {  	v63 =	vadd.f32 $-1.000000000e+00, v3;
	vm7 =	vle.f32 v3, $0.0e+00;
	vm6 =	vge.f32 v4, $2.000000000e+01  }
0x1eb: {  	vm2 =	vmor vm3, vm2;
	vm3 =	vmand vm7, vm6  }
0x1ec: {  	vm2 =	vmor vm2, vm4;
	v3 =	vmax.f32 v63, $0.0e+00;
	v4 =	vsel vm3, $0x0, v4  }
0x1ed: {  	vm2 =	vmor vm2, vm5;
	v3 =	vsel vm3, $0x41A00000, v3;
	[tilespmem:s30+$0x8400] =	vst v4  }
0x1ee: {  	vm2 =	vmor vm2, vm3;
	[tilespmem:s30+$0x8800] =	vst v3  }
.LBB2_22:
0x1ef: {  	v3 =	vmpcnt.ones.xlane vm2;
	_ =	sdelay $0x1  }
0x1f0: {  	(v2sf) =	vpush v3, $0x0;
	_ =	sdelay $0xb  }
0x1f1: {  	s0 =	sshrl.u32 s18, $0x1F  }
0x1f2: {  	s0 =	sadd.s32 s0, s18  }
0x1f3: {  	s5 =	sand.u32 $0xFFFFFFFE, s0  }
0x1f4: {  	p2 =	slt.s32 s18, $0x1;
	p1 =	sne.s32 s18, s5;
	s20 =	spop (v2sf)  }
0x1f5: {  	p1 =	por !p2, !p1;
	p2 =	slt.s32 s20, $0x1  }
.Ltmp17:
0x1f6: {  	_ = 	snop;
	(pc) =	sbr.rel @p2 .LBB2_26-.Ltmp17, $4  }
0x1f7: {  	s4 =	sshrl.u32 s19, $0x1F  }
0x1f8: {  	s4 =	sadd.s32 s4, s19;
	s5 =	simm.s32 $0x1;
	p1 =	por !p1, !p1  }
0x1f9: {  	s4 =	sand.u32 $0xFFFFFFFE, s4;
	v3 =	vsel vm2, $0x3F800000, v2;
	s0 =	sshra.s32 s0, $0x1;
	s5 =	simm.s32 @!p1 $0x0  }
0x1fa: {  	s19 =	ssub.s32 s19, s4;
	[tilespmem:$0xE900] =	vst v3;
	s18 =	sand.u32 $0x1, s18;
	s21 =	ssub.s32 s0, s5  }
0x1fb: {  	s0 =	simm.s32 $0x8820  }
0x1fc: {  	v3 =	vld [tilespmem:s0+$0xFFFFFFE0];
	_ =	sdelay $0x4  }
0x1fd: {  	vm2 =	veq.f32 v3, $2.000000000e+01  }
0x1fe: {  	s23 =	simm.s32 $0x9020;
	v3 =	vsel vm2, $0x3F800000, v2  }
0x1ff: {  	s22 =	simm.s32 $0x8C20;
	[tilespmem:s23+$0xFFFFFFE0] =	vst v3  }
0x200: {  	v4 =	vld [tilespmem:s22+$0xFFFFFFE0];
	_ =	sdelay $0x4  }
0x201: {  	v3 =	vadd.f32 v3, v4;
	_ =	sdelay $0x1  }
0x202: {  	[tilespmem:s22+$0xFFFFFFE0] =	vst v3  }
0x203: {  	v3 =	vld [tilespmem:s0+$0xFFFFFFF0];
	_ =	sdelay $0x4  }
0x204: {  	vm2 =	veq.f32 v3, $2.000000000e+01  }
0x205: {  	v3 =	vsel vm2, $0x3F800000, v2  }
0x206: {  	[tilespmem:s23+$0xFFFFFFF0] =	vst v3  }
0x207: {  	v4 =	vld [tilespmem:s22+$0xFFFFFFF0];
	_ =	sdelay $0x4  }
0x208: {  	v3 =	vadd.f32 v3, v4;
	_ =	sdelay $0x1  }
0x209: {  	[tilespmem:s22+$0xFFFFFFF0] =	vst v3  }
0x20a: {  	v3 =	vld [tilespmem:s0+$0x0];
	_ =	sdelay $0x4  }
0x20b: {  	vm2 =	veq.f32 v3, $2.000000000e+01  }
0x20c: {  	v3 =	vsel vm2, $0x3F800000, v2  }
0x20d: {  	[tilespmem:s23+$0x0] =	vst v3  }
0x20e: {  	v4 =	vld [tilespmem:s22+$0x0];
	_ =	sdelay $0x4  }
0x20f: {  	v3 =	vadd.f32 v3, v4;
	_ =	sdelay $0x1  }
0x210: {  	[tilespmem:s22+$0x0] =	vst v3  }
0x211: {  	v3 =	vld [tilespmem:s0+$0x10];
	_ =	sdelay $0x4  }
0x212: {  	vm2 =	veq.f32 v3, $2.000000000e+01  }
0x213: {  	v3 =	vsel vm2, $0x3F800000, v2  }
0x214: {  	[tilespmem:s23+$0x10] =	vst v3  }
0x215: {  	v4 =	vld [tilespmem:s22+$0x10];
	_ =	sdelay $0x4  }
0x216: {  	v3 =	vadd.f32 v3, v4  }
0x217: {  	s24 =	simm.s32 $0x0;
	s25 =	simm.s32 $0x8860  }
.LBB2_24:
0x218: {  	s24 =	sadd.s32 $0x4, s24;
	[tilespmem:s22+$0x10] =	vst v3;
	s22 =	sadd.s32 $0x40, s22;
	s23 =	sadd.s32 $0x40, s23  }
0x219: {  	v3 =	vld [tilespmem:s25+$0xFFFFFFE0];
	p1 =	slt.u32 s24, $0x3C;
	_ =	sdelay $0x4  }
0x21a: {  	vm2 =	veq.f32 v3, $2.000000000e+01  }
0x21b: {  	v3 =	vsel vm2, $0x3F800000, v2  }
0x21c: {  	[tilespmem:s23+$0xFFFFFFE0] =	vst v3  }
0x21d: {  	v4 =	vld [tilespmem:s22+$0xFFFFFFE0];
	_ =	sdelay $0x4  }
0x21e: {  	v3 =	vadd.f32 v3, v4;
	_ =	sdelay $0x1  }
0x21f: {  	[tilespmem:s22+$0xFFFFFFE0] =	vst v3  }
0x220: {  	v3 =	vld [tilespmem:s25+$0xFFFFFFF0];
	_ =	sdelay $0x4  }
0x221: {  	vm2 =	veq.f32 v3, $2.000000000e+01  }
0x222: {  	v3 =	vsel vm2, $0x3F800000, v2  }
0x223: {  	[tilespmem:s23+$0xFFFFFFF0] =	vst v3  }
0x224: {  	v4 =	vld [tilespmem:s22+$0xFFFFFFF0];
	_ =	sdelay $0x4  }
0x225: {  	v3 =	vadd.f32 v3, v4;
	_ =	sdelay $0x1  }
0x226: {  	[tilespmem:s22+$0xFFFFFFF0] =	vst v3  }
0x227: {  	v3 =	vld [tilespmem:s25+$0x0];
	_ =	sdelay $0x4  }
0x228: {  	vm2 =	veq.f32 v3, $2.000000000e+01  }
0x229: {  	v3 =	vsel vm2, $0x3F800000, v2  }
0x22a: {  	[tilespmem:s23+$0x0] =	vst v3  }
0x22b: {  	v4 =	vld [tilespmem:s22+$0x0];
	_ =	sdelay $0x4  }
0x22c: {  	v3 =	vadd.f32 v3, v4;
	_ =	sdelay $0x1  }
0x22d: {  	[tilespmem:s22+$0x0] =	vst v3  }
0x22e: {  	v3 =	vld [tilespmem:s25+$0x10];
	_ =	sdelay $0x4  }
0x22f: {  	vm2 =	veq.f32 v3, $2.000000000e+01  }
0x230: {  	v3 =	vsel vm2, $0x3F800000, v2  }
0x231: {  	[tilespmem:s23+$0x10] =	vst v3  }
0x232: {  	v4 =	vld [tilespmem:s22+$0x10];
	_ =	sdelay $0x1  }
.Ltmp18:
0x233: {  	(pc) =	sbr.rel @p1 .LBB2_24-.Ltmp18, $3  }
0x234: {  	_ =	sdelay $0x1  }
0x235: {  	v3 =	vadd.f32 v3, v4  }
0x236: {  	s25 =	sadd.s32 $0x40, s25  }
0x237: {  	s0 =	sand.u32 $0xFFFF8000, s19;
	s4 =	sshll.u32 s19, $0x7  }
0x238: {  	s5 =	sshll.u32 s8, $0x4;
	s4 =	sand.u32 $0x80, s4;
	s0 =	sadd.s32 s0, s9  }
0x239: {  	[tilespmem:s22+$0x10] =	vst v3;
	v3 =	vor.u32 s5, v0;
	s0 =	sadd.s32 s4, s0  }
0x23a: {  	[spmem:s0] =	stream.strided.scatter [tilespmem:s17], [sflag:$0x2], $0x400, s13, s12, $0x38;
	[tilespmem:$0xF438] =	vst v63  }
0x23b: {  	_ =	swait.ge [sflag:s11], $0x400  }
0x23c: {  	[sflag:s11] =	ssyncset.done $0x0  }
.Ltmp19:
0x23d: {  	[sflag:s11] =	ssyncadd.s32 $0xFFFFFC00;
	(pc) =	sbr.rel .LBB2_28-.Ltmp19, $4  }
0x23e: {  	[spmem:s3] =	stream.indirect_vreg.scatter.add.f32 [tilespmem:s10], [sflag:$0x2], $0x1, v3, vm1, $0xb8;
	[tilespmem:$0xF438] =	vst v63  }
0x23f: {  	_ =	swait.ge [sflag:s11], $0x10  }
0x240: {  	[sflag:s11] =	ssyncset.done $0x0  }
0x241: {  	[sflag:s11] =	ssyncadd.s32 $0xFFFFFFF0  }
.LBB2_26:
0x242: {  	p1 =	seq.s32 s19, $0x0;
	s0 =	smov.u32 s21  }
0x243: {  	s0 =	smov.u32 @p1 s18  }
0x244: {  	p1 =	slt.s32 s0, $0x1  }
.Ltmp20:
0x245: {  	_ = 	snop;
	(pc) =	sbr.rel @p1 .LBB2_28-.Ltmp20, $1  }
0x246: {  	_ =	sdelay $0x3  }
0x247: {  	[tilespmem:$0x9000] =	vst v2  }
0x248: {  	[tilespmem:$0x9010] =	vst v2  }
0x249: {  	[tilespmem:$0x9020] =	vst v2  }
0x24a: {  	[tilespmem:$0x9030] =	vst v2  }
0x24b: {  	[tilespmem:$0x9040] =	vst v2  }
0x24c: {  	[tilespmem:$0x9050] =	vst v2  }
0x24d: {  	[tilespmem:$0x9060] =	vst v2  }
0x24e: {  	[tilespmem:$0x9070] =	vst v2  }
0x24f: {  	[tilespmem:$0x9080] =	vst v2  }
0x250: {  	[tilespmem:$0x9090] =	vst v2  }
0x251: {  	[tilespmem:$0x90A0] =	vst v2  }
0x252: {  	[tilespmem:$0x90B0] =	vst v2  }
0x253: {  	[tilespmem:$0x90C0] =	vst v2  }
0x254: {  	[tilespmem:$0x90D0] =	vst v2  }
0x255: {  	[tilespmem:$0x90E0] =	vst v2  }
0x256: {  	[tilespmem:$0x90F0] =	vst v2  }
0x257: {  	[tilespmem:$0x9100] =	vst v2  }
0x258: {  	[tilespmem:$0x9110] =	vst v2  }
0x259: {  	[tilespmem:$0x9120] =	vst v2  }
0x25a: {  	[tilespmem:$0x9130] =	vst v2  }
0x25b: {  	[tilespmem:$0x9140] =	vst v2  }
0x25c: {  	[tilespmem:$0x9150] =	vst v2  }
0x25d: {  	[tilespmem:$0x9160] =	vst v2  }
0x25e: {  	[tilespmem:$0x9170] =	vst v2  }
0x25f: {  	[tilespmem:$0x9180] =	vst v2  }
0x260: {  	[tilespmem:$0x9190] =	vst v2  }
0x261: {  	[tilespmem:$0x91A0] =	vst v2  }
0x262: {  	[tilespmem:$0x91B0] =	vst v2  }
0x263: {  	[tilespmem:$0x91C0] =	vst v2  }
0x264: {  	[tilespmem:$0x91D0] =	vst v2  }
0x265: {  	[tilespmem:$0x91E0] =	vst v2  }
0x266: {  	[tilespmem:$0x91F0] =	vst v2  }
0x267: {  	[tilespmem:$0x9200] =	vst v2  }
0x268: {  	[tilespmem:$0x9210] =	vst v2  }
0x269: {  	[tilespmem:$0x9220] =	vst v2  }
0x26a: {  	[tilespmem:$0x9230] =	vst v2  }
0x26b: {  	[tilespmem:$0x9240] =	vst v2  }
0x26c: {  	[tilespmem:$0x9250] =	vst v2  }
0x26d: {  	[tilespmem:$0x9260] =	vst v2  }
0x26e: {  	[tilespmem:$0x9270] =	vst v2  }
0x26f: {  	[tilespmem:$0x9280] =	vst v2  }
0x270: {  	[tilespmem:$0x9290] =	vst v2  }
0x271: {  	[tilespmem:$0x92A0] =	vst v2  }
0x272: {  	[tilespmem:$0x92B0] =	vst v2  }
0x273: {  	[tilespmem:$0x92C0] =	vst v2  }
0x274: {  	[tilespmem:$0x92D0] =	vst v2  }
0x275: {  	[tilespmem:$0x92E0] =	vst v2  }
0x276: {  	[tilespmem:$0x92F0] =	vst v2  }
0x277: {  	[tilespmem:$0x9300] =	vst v2  }
0x278: {  	[tilespmem:$0x9310] =	vst v2  }
0x279: {  	[tilespmem:$0x9320] =	vst v2  }
0x27a: {  	[tilespmem:$0x9330] =	vst v2  }
0x27b: {  	[tilespmem:$0x9340] =	vst v2  }
0x27c: {  	[tilespmem:$0x9350] =	vst v2  }
0x27d: {  	[tilespmem:$0x9360] =	vst v2  }
0x27e: {  	[tilespmem:$0x9370] =	vst v2  }
0x27f: {  	[tilespmem:$0x9380] =	vst v2  }
0x280: {  	[tilespmem:$0x9390] =	vst v2  }
0x281: {  	[tilespmem:$0x93A0] =	vst v2  }
0x282: {  	[tilespmem:$0x93B0] =	vst v2  }
0x283: {  	[tilespmem:$0x93C0] =	vst v2  }
0x284: {  	[tilespmem:$0x93D0] =	vst v2;
	s0 =	sand.u32 $0xFFFF8000, s19;
	s4 =	sshll.u32 s19, $0x7  }
0x285: {  	[tilespmem:$0x93E0] =	vst v2;
	s4 =	sand.u32 $0x80, s4;
	s0 =	sadd.s32 s0, s9  }
.Ltmp21:
0x286: {  	[tilespmem:$0x93F0] =	vst v2;
	s0 =	sadd.s32 s4, s0;
	(pc) =	sbr.rel .LBB2_28-.Ltmp21, $4  }
0x287: {  	[spmem:s0] =	stream.strided.scatter [tilespmem:s17], [sflag:$0x2], $0x400, s13, s12, $0x38;
	[tilespmem:$0xF438] =	vst v63  }
0x288: {  	_ =	swait.ge [sflag:s11], $0x400  }
0x289: {  	[sflag:s11] =	ssyncset.done $0x0  }
0x28a: {  	[sflag:s11] =	ssyncadd.s32 $0xFFFFFC00  }
.LBB2_29:
0x28b: {  	s0 =	simm.s32 $0x0  }
0x28c: {  	v0 =	vld [tilespmem:s0+$0x8C00]  }
0x28d: {  	s1 =	simm.s32 $0x40;
	s4 =	rddreg [dreg:$0x8]  }
.LBB2_30:
0x28e: {  	p1 =	sne.s32 s1, $0xFC0  }
.Ltmp22:
0x28f: {  	_ = 	snop;
	(pc) =	sbr.rel @p1 .LBB2_30-.Ltmp22, $4  }
0x290: {  	_ = 	snop  }
0x291: {  	s2 =	sshra.s32 s1, $0x2;
	s1 =	sadd.s32 $0x40, s1;
	v1 =	vmul.f32 $3.125000000e+02, v0  }
0x292: {  	v0 =	vld [tilespmem:s2+$0x8C00]  }
0x293: {  	[tilespmem:s0+$0x9000] =	vst v1;
	s0 =	smov.u32 s2  }
0x294: {  	_ =	sdelay $0x2  }
0x295: {  	v0 =	vmul.f32 $3.125000000e+02, v0;
	_ =	sdelay $0x1  }
0x296: {  	s5 =	simm.s32 $0x2;
	s7 =	rddreg [dreg:$0x9];
	[tilespmem:s0+$0x9000] =	vst v0  }
.LBB2_32:
0x297: {  	s0 =	simm.s32 $0x0;
	s1 =	simm.s32 $0x9000  }
0x298: {  	[hbm4b:s7+s0] =	stream.linear.scatter [tilespmem:s1], [sflag:$0x2], $0x400, $0x38;
	[tilespmem:$0xF438] =	vst v63  }
0x299: {  	_ =	swait.ge [sflag:s5], $0x400  }
0x29a: {  	[sflag:s5] =	ssyncset.done $0x0  }
0x29b: {  	[sflag:s5] =	ssyncadd.s32 $0xFFFFFC00  }
0x29c: {  	_ =	sfence.sel $0x180000  }
0x29d: {  	[bflag:$0x0] =	sbarrier.arrive $0xFFFF  }
0x29e: {  	_ =	strace $0x90000047  }
0x29f: {  	s0 =	sadd.s32 @!p0 $0x100000, s4;
	[bflag:$0x2] =	sbarrier.arrive $0xFFFF  }
0x2a0: {  	[sflag:s0] =	ssyncadd.tile.s32 @!p0 $0x1;
	_ =	shalt  }
.Lfunc_end2:
_tile_overlayer_lowered:
.L_overlay_start_2:
0x2a1: {  	(tag) =	ssettag $0x2  }
0x2a2: {  	s0 =	rddreg [dreg:$0x0];
	s2 =	stileid.u32  }
0x2a3: {  	s1 =	rddreg [dreg:$0x1];
	p0 =	sne.s32 s2, $0x0  }
0x2a4: {  	s3 =	rddreg [dreg:$0x2];
	[bflag:$0x3] =	sbarrier.arrive $0xFFFF;
	s2 =	simm.s32 @!p0 $0x1C02  }
0x2a5: {  	[timem:s3], [sflag:s2] =	dma.local @!p0 [hbm:s0], s1  }
0x2a6: {  	s0 =	simm.s32 @!p0 $0x2  }
0x2a7: {  	_ =	swait.ge @!p0 [sflag:s0], s1  }
0x2a8: {  	s1 =	ssub.s32 @!p0 $0x0, s1;
	[sflag:s0] =	ssyncset.done @!p0 $0x0  }
0x2a9: {  	[sflag:s0] =	ssyncadd.s32 @!p0 s1  }
0x2aa: {  	[bflag:$0x3] =	sbarrier.arrive $0xFFFF  }
0x2ab: {  	_ =	shalt  }

</sc_bundles>
